<compile_context>
chip_gen: v7x
topology: tpu7x:2x2x1
jax: 0.10.2.dev20260603
libtpu: 0.0.44.dev20260713+nightly
codegen_flags: <defaults>
</compile_context>

<pallas_src>
import functools

import jax
import jax.numpy as jnp
from jax import lax
from jax.experimental import pallas as pl
from jax.experimental.pallas import tpu as pltpu
from jax.experimental.pallas import tpu_sc as plsc

N = 50000
E = 800000
B = 4
NODE_IN = 128
NODE_OUT = 3
H = 64

F32 = jnp.float32

BN = 2000
BE = 8000

NC = 2
NS = 16
CHUNK = 128
NCHUNK = E // CHUNK
ROWS_PER_TILE = N // NS
ZCH = 125


def _dot(a, b):
    return jnp.dot(a, b, preferred_element_type=F32)



def _cond_tables_body(cond, wc1, bc1, wc2, bc2, w4, c4, t_out):
    u = _dot(jnp.maximum(_dot(cond[...], wc1[...]) + bc1[...], 0.0), wc2[...]) + bc2[...]
    for k in range(4):
        t_out[k * B:(k + 1) * B, :] = _dot(u, w4[k * H:(k + 1) * H, :]) + c4[k:k + 1, :]


def _cond_tables(cond, wc1, bc1, wc2, bc2, w4, c4):
    return pl.pallas_call(
        _cond_tables_body,
        out_shape=jax.ShapeDtypeStruct((4 * B, H), F32),
    )(cond, wc1, bc1, wc2, bc2, w4, c4)


def _usel(batch_blk, tab):
    acc = jnp.where(batch_blk == 0, tab[0:1, :], 0.0)
    for k in range(1, B):
        acc = acc + jnp.where(batch_blk == k, tab[k:k + 1, :], 0.0)
    return acc


def _node_enc_body(x, bt, wn1, bn1, wn2, bn2, w1a, w1b, ue1, h_out, ps_out):
    h0 = _dot(jnp.maximum(_dot(x[...], wn1[...]) + bn1[...], 0.0), wn2[...]) + bn2[...]
    h_out[...] = h0
    ps = _dot(h0, w1a[...]) + _usel(bt[...], ue1[...])
    pd = _dot(h0, w1b[...])
    ps_out[...] = jnp.concatenate([ps, pd], axis=1)


def _node_enc(x, bt2d, wn1, bn1, wn2, bn2, w1a, w1b, ue1):
    full = lambda r, c: pl.BlockSpec((r, c), lambda i: (0, 0))
    blk = lambda r, c: pl.BlockSpec((r, c), lambda i: (i, 0))
    return pl.pallas_call(
        _node_enc_body,
        grid=(N // BN,),
        in_specs=[blk(BN, NODE_IN), blk(BN, 1), full(NODE_IN, H), full(1, H),
                  full(H, H), full(1, H), full(H, H), full(H, H), full(B, H)],
        out_specs=[blk(BN, H), blk(BN, 2 * H)],
        out_shape=[jax.ShapeDtypeStruct((N, H), F32),
                   jax.ShapeDtypeStruct((N, 2 * H), F32)],
    )(x, bt2d, wn1, bn1, wn2, bn2, w1a, w1b, ue1)


def _edge_enc_body(ea, we1, be1, we2, be2, r_out):
    r_out[...] = _dot(jnp.maximum(_dot(ea[...], we1[...]) + be1[...], 0.0), we2[...]) + be2[...]


def _edge_enc(ea, we1, be1, we2, be2):
    full = lambda r, c: pl.BlockSpec((r, c), lambda i: (0, 0))
    blk = lambda r, c: pl.BlockSpec((r, c), lambda i: (i, 0))
    return pl.pallas_call(
        _edge_enc_body,
        grid=(E // BE,),
        in_specs=[blk(BE, 4), full(4, H), full(1, H), full(H, H), full(1, H)],
        out_specs=blk(BE, H),
        out_shape=jax.ShapeDtypeStruct((E, H), F32),
    )(ea, we1, be1, we2, be2)


def _edge_mlp_body(g, ep, we, w2, b2, e_out):
    x = g[:, 0:H] + g[:, H:2 * H] + _dot(ep[...], we[...])
    e_out[...] = _dot(jnp.maximum(x, 0.0), w2[...]) + b2[...]


def _edge_mlp(g, eprev, we, w2, b2):
    full = lambda r, c: pl.BlockSpec((r, c), lambda i: (0, 0))
    blk = lambda r, c: pl.BlockSpec((r, c), lambda i: (i, 0))
    return pl.pallas_call(
        _edge_mlp_body,
        grid=(E // BE,),
        in_specs=[blk(BE, 2 * H), blk(BE, H), full(H, H), full(H, H), full(1, H)],
        out_specs=blk(BE, H),
        out_shape=jax.ShapeDtypeStruct((E, H), F32),
    )(g, eprev, we, w2, b2)


def _node_mlp_body(h, agg, bt, v1h, v1a, un, v2, b2, w1a, w1b, ue, h_out, ps_out):
    bb = bt[...]
    hid = jnp.maximum(_dot(h[...], v1h[...]) + _dot(agg[...], v1a[...]) + _usel(bb, un[...]), 0.0)
    h1 = _dot(hid, v2[...]) + b2[...] + h[...]
    h_out[...] = h1
    ps = _dot(h1, w1a[...]) + _usel(bb, ue[...])
    pd = _dot(h1, w1b[...])
    ps_out[...] = jnp.concatenate([ps, pd], axis=1)


def _node_mlp(h, agg, bt2d, v1h, v1a, un, v2, b2, w1a, w1b, ue):
    full = lambda r, c: pl.BlockSpec((r, c), lambda i: (0, 0))
    blk = lambda r, c: pl.BlockSpec((r, c), lambda i: (i, 0))
    return pl.pallas_call(
        _node_mlp_body,
        grid=(N // BN,),
        in_specs=[blk(BN, H), blk(BN, H), blk(BN, 1), full(H, H), full(H, H),
                  full(B, H), full(H, H), full(1, H), full(H, H), full(H, H), full(B, H)],
        out_specs=[blk(BN, H), blk(BN, 2 * H)],
        out_shape=[jax.ShapeDtypeStruct((N, H), F32),
                   jax.ShapeDtypeStruct((N, 2 * H), F32)],
    )(h, agg, bt2d, v1h, v1a, un, v2, b2, w1a, w1b, ue)


def _node_dec_body(h, agg, bt, v1h, v1a, un, v2, b2, d1, db1, d2, db2, o_out):
    hid = jnp.maximum(_dot(h[...], v1h[...]) + _dot(agg[...], v1a[...]) + _usel(bt[...], un[...]), 0.0)
    h2 = _dot(hid, v2[...]) + b2[...] + h[...]
    o_out[...] = _dot(jnp.maximum(_dot(h2, d1[...]) + db1[...], 0.0), d2[...]) + db2[...]


def _node_dec(h, agg, bt2d, v1h, v1a, un, v2, b2, d1, db1, d2, db2):
    full = lambda r, c: pl.BlockSpec((r, c), lambda i: (0, 0))
    blk = lambda r, c: pl.BlockSpec((r, c), lambda i: (i, 0))
    return pl.pallas_call(
        _node_dec_body,
        grid=(N // BN,),
        in_specs=[blk(BN, H), blk(BN, H), blk(BN, 1), full(H, H), full(H, H),
                  full(B, H), full(H, H), full(1, H), full(H, H), full(1, H),
                  full(H, NODE_OUT), full(1, NODE_OUT)],
        out_specs=blk(BN, NODE_OUT),
        out_shape=jax.ShapeDtypeStruct((N, NODE_OUT), F32),
    )(h, agg, bt2d, v1h, v1a, un, v2, b2, d1, db1, d2, db2)



_MESH = dict(core_axis_name="c", subcore_axis_name="s", num_cores=NC, num_subcores=NS)


GMAX = 200
GPAD = 6400


def _sc_gather(tab, row2d, col2d):

    @functools.partial(
        pl.kernel,
        out_type=jax.ShapeDtypeStruct((E, 2 * H), F32),
        mesh=plsc.VectorSubcoreMesh(**_MESH),
        scratch_types=[
            pltpu.VMEM((GMAX, CHUNK), jnp.int32),
            pltpu.VMEM((GMAX, CHUNK), jnp.int32),
            pltpu.VMEM((CHUNK, 2 * H), F32),
            pltpu.VMEM((CHUNK, 2 * H), F32),
            pltpu.VMEM((CHUNK, 2 * H), F32),
            pltpu.VMEM((CHUNK, 2 * H), F32),
            pltpu.SemaphoreType.DMA,
            pltpu.SemaphoreType.DMA,
            pltpu.SemaphoreType.DMA,
            pltpu.SemaphoreType.DMA,
        ],
        compiler_params=pltpu.CompilerParams(use_tc_tiling_on_sc=False),
    )
    def k(tab_h, row_h, col_h, g_h, rv, cv, b1a, b2a, b1b, b2b,
          s1, s2, s3, s4):
        wid = lax.axis_index("s") * NC + lax.axis_index("c")
        start = wid * GMAX
        cnt = jnp.clip(NCHUNK - start, 0, GMAX)
        pltpu.sync_copy(row_h.at[pl.ds(start, GMAX)], rv)
        pltpu.sync_copy(col_h.at[pl.ds(start, GMAX)], cv)

        def body(t, _):
            i0 = 2 * t
            i1 = 2 * t + 1

            @pl.when(i0 < cnt)
            def _():
                pltpu.async_copy(tab_h.at[rv.at[i0]], b1a, s1)
                pltpu.async_copy(tab_h.at[cv.at[i0]], b2a, s2)

            @pl.when(i1 < cnt)
            def _():
                pltpu.async_copy(tab_h.at[rv.at[i1]], b1b, s3)
                pltpu.async_copy(tab_h.at[cv.at[i1]], b2b, s4)

            @pl.when(i0 < cnt)
            def _():
                base = (start + i0) * CHUNK
                pltpu.make_async_copy(tab_h.at[rv.at[i0]], b1a, s1).wait()
                pltpu.make_async_copy(tab_h.at[cv.at[i0]], b2a, s2).wait()
                def mv(r, _):
                    for q in range(H, 2 * H, 16):
                        b1a[r, pl.ds(q, 16)] = b2a[r, pl.ds(q, 16)]
                    return ()

                lax.fori_loop(0, CHUNK, mv, ())
                pltpu.sync_copy(b1a, g_h.at[pl.ds(base, CHUNK)])

            @pl.when(i1 < cnt)
            def _():
                base = (start + i1) * CHUNK
                pltpu.make_async_copy(tab_h.at[rv.at[i1]], b1b, s3).wait()
                pltpu.make_async_copy(tab_h.at[cv.at[i1]], b2b, s4).wait()
                def mv(r, _):
                    for q in range(H, 2 * H, 16):
                        b1b[r, pl.ds(q, 16)] = b2b[r, pl.ds(q, 16)]
                    return ()

                lax.fori_loop(0, CHUNK, mv, ())
                pltpu.sync_copy(b1b, g_h.at[pl.ds(base, CHUNK)])

            return ()

        lax.fori_loop(0, GMAX // 2, body, ())

    return k(tab, row2d, col2d)


SMAX = 400


def _sc_scatter(msg, row2d):
    hh = H // NC

    @functools.partial(
        pl.kernel,
        out_type=jax.ShapeDtypeStruct((N, H), F32),
        mesh=plsc.VectorSubcoreMesh(**_MESH),
        scratch_types=[
            pltpu.VMEM((50, CHUNK), jnp.int32),
            pltpu.VMEM((CHUNK, hh), F32),
            pltpu.VMEM((CHUNK, hh), F32),
            pltpu.VMEM((ZCH, hh), F32),
            pltpu.VMEM_SHARED((N, hh), F32),
            pltpu.SemaphoreType.DMA,
            pltpu.SemaphoreType.DMA,
        ],
        compiler_params=pltpu.CompilerParams(use_tc_tiling_on_sc=False),
    )
    def k(msg_h, row_h, agg_h, iv, sba, sbb, stage, acc, s1, s2):
        c = lax.axis_index("c")
        s = lax.axis_index("s")
        coloff = c * hh
        start = s * SMAX
        cnt = jnp.clip(NCHUNK - start, 0, SMAX)

        def zrow(r, _):
            stage[r, pl.ds(0, 16)] = jnp.zeros((16,), F32)
            stage[r, pl.ds(16, 16)] = jnp.zeros((16,), F32)
            return ()

        lax.fori_loop(0, ZCH, zrow, ())

        def zcp(q, _):
            pltpu.sync_copy(stage, acc.at[pl.ds(s * ROWS_PER_TILE + q * ZCH, ZCH), :])
            return ()

        lax.fori_loop(0, ROWS_PER_TILE // ZCH, zcp, ())
        plsc.subcore_barrier()

        def seg_body(g, _):
            pltpu.sync_copy(row_h.at[pl.ds(start + g * 50, 50)], iv)

            def body(t, _):
                i0 = g * 50 + 2 * t
                i1 = g * 50 + 2 * t + 1
                l0 = 2 * t
                l1 = 2 * t + 1

                @pl.when(i0 < cnt)
                def _():
                    base = (start + i0) * CHUNK
                    pltpu.async_copy(msg_h.at[pl.ds(base, CHUNK), pl.ds(coloff, hh)], sba, s1)

                @pl.when(i1 < cnt)
                def _():
                    base = (start + i1) * CHUNK
                    pltpu.async_copy(msg_h.at[pl.ds(base, CHUNK), pl.ds(coloff, hh)], sbb, s2)

                @pl.when(i0 < cnt)
                def _():
                    base = (start + i0) * CHUNK
                    pltpu.make_async_copy(msg_h.at[pl.ds(base, CHUNK), pl.ds(coloff, hh)], sba, s1).wait()
                    pltpu.sync_copy(sba, acc.at[iv.at[l0]], add=True)

                @pl.when(i1 < cnt)
                def _():
                    base = (start + i1) * CHUNK
                    pltpu.make_async_copy(msg_h.at[pl.ds(base, CHUNK), pl.ds(coloff, hh)], sbb, s2).wait()
                    pltpu.sync_copy(sbb, acc.at[iv.at[l1]], add=True)

                return ()

            lax.fori_loop(0, 25, body, ())
            return ()

        lax.fori_loop(0, SMAX // 50, seg_body, ())
        plsc.subcore_barrier()

        def dump(q, _):
            base = s * ROWS_PER_TILE + q * ZCH
            pltpu.sync_copy(acc.at[pl.ds(base, ZCH), :], stage)
            pltpu.sync_copy(stage, agg_h.at[pl.ds(base, ZCH), pl.ds(coloff, hh)])
            return ()

        lax.fori_loop(0, ROWS_PER_TILE // ZCH, dump, ())

    return k(msg, row2d)



def kernel(x, edge_index, edge_attr, conditions, batch, params):
    p = params
    row = edge_index[0]
    col = edge_index[1]
    row2d = jnp.pad(row, (0, GPAD * CHUNK - E)).reshape(GPAD, CHUNK)
    col2d = jnp.pad(col, (0, GPAD * CHUNK - E)).reshape(GPAD, CHUNK)
    bt2d = batch.reshape(N, 1)

    r2 = lambda v: v.reshape(1, -1)

    le = [p["layers"][i]["edge"] for i in range(2)]
    ln = [p["layers"][i]["node"] for i in range(2)]
    w1a = [le[i]["W1"][0:H] for i in range(2)]
    w1b = [le[i]["W1"][H:2 * H] for i in range(2)]
    w1e = [le[i]["W1"][2 * H:3 * H] for i in range(2)]
    w1u = [le[i]["W1"][3 * H:4 * H] for i in range(2)]
    v1h = [ln[i]["W1"][0:H] for i in range(2)]
    v1a = [ln[i]["W1"][H:2 * H] for i in range(2)]
    v1u = [ln[i]["W1"][2 * H:3 * H] for i in range(2)]

    ee = p["edge_enc"]
    c_e1 = le[0]["b1"]
    c_e2 = le[1]["b1"]
    c_n1 = ln[0]["b1"]
    c_n2 = ln[1]["b1"]

    w4 = jnp.concatenate([w1u[0], v1u[0], w1u[1], v1u[1]], axis=0)
    c4 = jnp.stack([c_e1, c_n1, c_e2, c_n2], axis=0)

    ce = p["cond_enc"]
    tabs = _cond_tables(conditions, ce["W1"], r2(ce["b1"]), ce["W2"], r2(ce["b2"]),
                        w4, c4)
    ue1, un1, ue2, un2 = (tabs[i * B:(i + 1) * B] for i in range(4))

    ne = p["node_enc"]
    h0, t1 = _node_enc(x, bt2d, ne["W1"], r2(ne["b1"]), ne["W2"], r2(ne["b2"]),
                       w1a[0], w1b[0], ue1)
    e0 = _edge_enc(edge_attr, ee["W1"], r2(ee["b1"]), ee["W2"], r2(ee["b2"]))

    g = _sc_gather(t1, row2d, col2d)
    e1 = _edge_mlp(g, e0, w1e[0], le[0]["W2"], r2(le[0]["b2"]))
    agg1 = _sc_scatter(e1, row2d)
    h1, t2 = _node_mlp(h0, agg1, bt2d, v1h[0], v1a[0], un1,
                       ln[0]["W2"], r2(ln[0]["b2"]), w1a[1], w1b[1], ue2)

    g = _sc_gather(t2, row2d, col2d)
    e2 = _edge_mlp(g, e1, w1e[1], le[1]["W2"], r2(le[1]["b2"]))
    agg2 = _sc_scatter(e2, row2d)
    dec = p["dec"]
    return _node_dec(h1, agg2, bt2d, v1h[1], v1a[1], un2,
                     ln[1]["W2"], r2(ln[1]["b2"]),
                     dec["W1"], r2(dec["b1"]), dec["W2"], r2(dec["b2"]))

# --- scband reference (transcript-rebuilt; emitter-appended) ---
"""Pipeline reference for scband-cond-mesh-graph-net-32169305047411 (READ-ONLY COPY).

The authoritative reference and input builder live on the scoring server;
editing this copy changes nothing except your own understanding.
"""

import jax, jax.numpy as jnp
import numpy as np

N = 50000
E = 800000
B = 4
NODE_IN = 128
EDGE_IN = 4
COND_IN = 16
NODE_OUT = 3
H = 64
L = 2


def _linear(key, din, dout):
    W = jax.random.normal(key, (din, dout), dtype=jnp.float32) / jnp.sqrt(din)
    b = jnp.zeros((dout,), jnp.float32)
    return W, b


def _mlp_params(key, din, hid, dout):
    k1, k2 = jax.random.split(key)
    W1, b1 = _linear(k1, din, hid)
    W2, b2 = _linear(k2, hid, dout)
    return {"W1": W1, "b1": b1, "W2": W2, "b2": b2}


def _mlp(x, p):
    h = jnp.maximum(x @ p["W1"] + p["b1"], 0.0)
    return h @ p["W2"] + p["b2"]


def _make_params(key):
    keys = jax.random.split(key, 4 + 2 * L)
    params = {
        "node_enc": _mlp_params(keys[0], NODE_IN, H, H),
        "edge_enc": _mlp_params(keys[1], EDGE_IN, H, H),
        "cond_enc": _mlp_params(keys[2], COND_IN, H, H),
        "dec": _mlp_params(keys[3], H, H, NODE_OUT),
        "layers": [
            {
                "edge": _mlp_params(keys[4 + 2 * i], 4 * H, H, H),
                "node": _mlp_params(keys[5 + 2 * i], 3 * H, H, H),
            }
            for i in range(L)
        ],
    }
    return params


def setup_inputs(seed: int = 0):
    key = jax.random.key(seed)
    ks = jax.random.split(key, 6)
    x = jax.random.normal(ks[0], (N, NODE_IN), dtype=jnp.float32)
    edge_index = jax.random.randint(ks[1], (2, E), 0, N, dtype=jnp.int32)
    edge_attr = jax.random.normal(ks[2], (E, EDGE_IN), dtype=jnp.float32)
    conditions = jax.random.normal(ks[3], (B, COND_IN), dtype=jnp.float32)
    batch = jnp.sort(jax.random.randint(ks[4], (N,), 0, B, dtype=jnp.int32))
    params = _make_params(ks[5])
    return {"x": x, "edge_index": edge_index, "edge_attr": edge_attr,
            "conditions": conditions, "batch": batch, "params": params}


def _forward(x, edge_index, edge_attr, conditions, batch, params):
    # encoders
    h = _mlp(x, params["node_enc"])
    e = _mlp(edge_attr, params["edge_enc"])
    u = _mlp(conditions, params["cond_enc"])
    row = edge_index[0]
    col = edge_index[1]
    edge_batch = batch[row]  # MetaLayer passes batch[row] to the edge model
    for layer in params["layers"]:
        h_res = h
        # EdgeModel: cat([src, dest, edge_attr, u[batch_e]]) -> MLP
        e = _mlp(jnp.concatenate([h[row], h[col], e, u[edge_batch]], axis=1), layer["edge"])
        # NodeModel: scatter-add messages to row (dst in this impl), cat with x and u[batch]
        agg = jnp.zeros_like(h).at[row].add(e)
        h = _mlp(jnp.concatenate([h, agg, u[batch]], axis=1), layer["node"])
        h = h + h_res
    return _mlp(h, params["dec"])


def reference(x, edge_index, edge_attr, conditions, batch, params):
    return _forward(x, edge_index, edge_attr, conditions, batch, params)

if __name__ == "__main__":
    import jax
    _d = setup_inputs()
    print(jax.jit(kernel)(*tuple(_d.values())))

</pallas_src>

<mosaic_0001>
#map = affine_map<(d0, d1) -> (0, 0)>
module attributes {stable_mosaic.version = 14 : i64} {
  func.func @k(%arg0: i32, %arg1: i32, %arg2: memref<50000x128xf32, #tpu.memory_space<hbm>>, %arg3: memref<6400x128xi32, #tpu.memory_space<hbm>>, %arg4: memref<6400x128xi32, #tpu.memory_space<hbm>>, %arg5: memref<800000x128xf32, #tpu.memory_space<hbm>>, %arg6: memref<200x128xi32, #tpu.memory_space<vmem>>, %arg7: memref<200x128xi32, #tpu.memory_space<vmem>>, %arg8: memref<128x128xf32, #tpu.memory_space<vmem>>, %arg9: memref<128x128xf32, #tpu.memory_space<vmem>>, %arg10: memref<128x128xf32, #tpu.memory_space<vmem>>, %arg11: memref<128x128xf32, #tpu.memory_space<vmem>>, %arg12: memref<!tpu.dma_semaphore, #tpu.memory_space<semaphore_mem>>, %arg13: memref<!tpu.dma_semaphore, #tpu.memory_space<semaphore_mem>>, %arg14: memref<!tpu.dma_semaphore, #tpu.memory_space<semaphore_mem>>, %arg15: memref<!tpu.dma_semaphore, #tpu.memory_space<semaphore_mem>>) attributes {dimension_semantics = [#tpu.dimension_semantics<core_parallel>, #tpu.dimension_semantics<subcore_parallel>], iteration_bounds = array<i64: 2, 16>, scalar_prefetch = 0 : i64, scratch_operands = 10 : i64, tpu.core_type = #tpu.core_type<sc_vector_subcore>, window_params = [{transform_indices = #map}, {transform_indices = #map}, {transform_indices = #map}, {transform_indices = #map}]} {
    %mul3A = arith.constant 2 : i32
    %mul3A_0 = arith.muli %arg1, %mul3A : i32
    %add3A = arith.addi %mul3A_0, %arg0 : i32
    %mul3A_1 = arith.constant 200 : i32
    %mul3A_2 = arith.muli %add3A, %mul3A_1 : i32
    %sub3A = arith.constant 6250 : i32
    %sub3A_3 = arith.subi %sub3A, %mul3A_2 : i32
    %jit3A = arith.constant 0 : i32
    %jit3A_4 = arith.constant 200 : i32
    %max3A = arith.maxsi %jit3A, %sub3A_3 : i32
    %min3A = arith.minsi %jit3A_4, %max3A : i32
    "tpu.region"() ({
      %run_scoped3A = tpu.sem_alloc : memref<!tpu.dma_semaphore, #tpu.memory_space<semaphore_mem>>
      %dma_start3A = arith.constant 0 : i32
      %dma_start3A_9 = tpu.memref_slice %arg3[%mul3A_2, %dma_start3A] : memref<6400x128xi32, #tpu.memory_space<hbm>> -> memref<200x128xi32, #tpu.memory_space<hbm>>
      %dma_start3A_10 = arith.constant 0 : i32
      %dma_start3A_11 = tpu.memref_slice %arg3[%mul3A_2, %dma_start3A_10] : memref<6400x128xi32, #tpu.memory_space<hbm>> -> memref<200x128xi32, #tpu.memory_space<hbm>>
      tpu.enqueue_dma source(%dma_start3A_11 : memref<200x128xi32, #tpu.memory_space<hbm>>) target(%arg6 : memref<200x128xi32, #tpu.memory_space<vmem>>) target_semaphore(%run_scoped3A : memref<!tpu.dma_semaphore, #tpu.memory_space<semaphore_mem>>)
      %dma_wait3A = arith.constant 0 : i32
      %dma_wait3A_12 = tpu.memref_slice %arg3[%mul3A_2, %dma_wait3A] : memref<6400x128xi32, #tpu.memory_space<hbm>> -> memref<200x128xi32, #tpu.memory_space<hbm>>
      %dma_wait3A_13 = arith.constant 0 : i32
      %dma_wait3A_14 = tpu.memref_slice %arg3[%mul3A_2, %dma_wait3A_13] : memref<6400x128xi32, #tpu.memory_space<hbm>> -> memref<200x128xi32, #tpu.memory_space<hbm>>
      tpu.wait_dma2 semaphore(%run_scoped3A : memref<!tpu.dma_semaphore, #tpu.memory_space<semaphore_mem>>) src(%dma_wait3A_14 : memref<200x128xi32, #tpu.memory_space<hbm>>) dst(%arg6 : memref<200x128xi32, #tpu.memory_space<vmem>>)
      tpu.yield
    }) : () -> ()
    "tpu.region"() ({
      %run_scoped3A = tpu.sem_alloc : memref<!tpu.dma_semaphore, #tpu.memory_space<semaphore_mem>>
      %dma_start3A = arith.constant 0 : i32
      %dma_start3A_9 = tpu.memref_slice %arg4[%mul3A_2, %dma_start3A] : memref<6400x128xi32, #tpu.memory_space<hbm>> -> memref<200x128xi32, #tpu.memory_space<hbm>>
      %dma_start3A_10 = arith.constant 0 : i32
      %dma_start3A_11 = tpu.memref_slice %arg4[%mul3A_2, %dma_start3A_10] : memref<6400x128xi32, #tpu.memory_space<hbm>> -> memref<200x128xi32, #tpu.memory_space<hbm>>
      tpu.enqueue_dma source(%dma_start3A_11 : memref<200x128xi32, #tpu.memory_space<hbm>>) target(%arg7 : memref<200x128xi32, #tpu.memory_space<vmem>>) target_semaphore(%run_scoped3A : memref<!tpu.dma_semaphore, #tpu.memory_space<semaphore_mem>>)
      %dma_wait3A = arith.constant 0 : i32
      %dma_wait3A_12 = tpu.memref_slice %arg4[%mul3A_2, %dma_wait3A] : memref<6400x128xi32, #tpu.memory_space<hbm>> -> memref<200x128xi32, #tpu.memory_space<hbm>>
      %dma_wait3A_13 = arith.constant 0 : i32
      %dma_wait3A_14 = tpu.memref_slice %arg4[%mul3A_2, %dma_wait3A_13] : memref<6400x128xi32, #tpu.memory_space<hbm>> -> memref<200x128xi32, #tpu.memory_space<hbm>>
      tpu.wait_dma2 semaphore(%run_scoped3A : memref<!tpu.dma_semaphore, #tpu.memory_space<semaphore_mem>>) src(%dma_wait3A_14 : memref<200x128xi32, #tpu.memory_space<hbm>>) dst(%arg7 : memref<200x128xi32, #tpu.memory_space<vmem>>)
      tpu.yield
    }) : () -> ()
    %scan3A = arith.constant 0 : i32
    %scan3A_5 = arith.constant 100 : i32
    %scan3A_6 = arith.addi %scan3A, %scan3A_5 : i32
    %scan3A_7 = arith.constant 1 : i32
    scf.for %scan3A_9 = %scan3A to %scan3A_6 step %scan3A_7  : i32 {
      %mul3A_10 = arith.constant 2 : i32
      %mul3A_11 = arith.muli %mul3A_10, %scan3A_9 : i32
      %mul3A_12 = arith.constant 2 : i32
      %mul3A_13 = arith.muli %mul3A_12, %scan3A_9 : i32
      %add3A_14 = arith.constant 1 : i32
      %add3A_15 = arith.addi %mul3A_13, %add3A_14 : i32
      %lt3A = arith.cmpi slt, %mul3A_11, %min3A : i32
      %convert_element_type3A = arith.extui %lt3A : i1 to i32
      %cond3A = arith.constant 0 : i32
      %cond3A_16 = arith.cmpi ne, %convert_element_type3A, %cond3A : i32
      scf.if %cond3A_16 {
        %dma_start3A = arith.constant 0 : i32
        %dma_start3A_29 = tpu.memref_slice %arg6[%mul3A_11, %dma_start3A] : memref<200x128xi32, #tpu.memory_space<vmem>> -> memref<1x128xi32, #tpu.memory_space<vmem>>
        %dma_start3A_30 = tpu.memref_squeeze %dma_start3A_29 : memref<1x128xi32, #tpu.memory_space<vmem>> -> memref<128xi32, #tpu.memory_space<vmem>>
        %dma_start3A_31 = arith.constant 0 : i32
        %dma_start3A_32 = arith.constant 0 : i32
        %dma_start3A_33 = tpu.memref_slice %arg2[%dma_start3A_31, %dma_start3A_32] : memref<50000x128xf32, #tpu.memory_space<hbm>> -> memref<50000x128xf32, #tpu.memory_space<hbm>>
        tpu.enqueue_indirect_dma source(%dma_start3A_33 : memref<50000x128xf32, #tpu.memory_space<hbm>>) target(%arg8 : memref<128x128xf32, #tpu.memory_space<vmem>>) offsets(%dma_start3A_30 : memref<128xi32, #tpu.memory_space<vmem>>) semaphore(%arg12 : memref<!tpu.dma_semaphore, #tpu.memory_space<semaphore_mem>>)
        %dma_start3A_34 = arith.constant 0 : i32
        %dma_start3A_35 = tpu.memref_slice %arg7[%mul3A_11, %dma_start3A_34] : memref<200x128xi32, #tpu.memory_space<vmem>> -> memref<1x128xi32, #tpu.memory_space<vmem>>
        %dma_start3A_36 = tpu.memref_squeeze %dma_start3A_35 : memref<1x128xi32, #tpu.memory_space<vmem>> -> memref<128xi32, #tpu.memory_space<vmem>>
        %dma_start3A_37 = arith.constant 0 : i32
        %dma_start3A_38 = arith.constant 0 : i32
        %dma_start3A_39 = tpu.memref_slice %arg2[%dma_start3A_37, %dma_start3A_38] : memref<50000x128xf32, #tpu.memory_space<hbm>> -> memref<50000x128xf32, #tpu.memory_space<hbm>>
        tpu.enqueue_indirect_dma source(%dma_start3A_39 : memref<50000x128xf32, #tpu.memory_space<hbm>>) target(%arg9 : memref<128x128xf32, #tpu.memory_space<vmem>>) offsets(%dma_start3A_36 : memref<128xi32, #tpu.memory_space<vmem>>) semaphore(%arg13 : memref<!tpu.dma_semaphore, #tpu.memory_space<semaphore_mem>>)
      } else {
      }
      %lt3A_17 = arith.cmpi slt, %add3A_15, %min3A : i32
      %convert_element_type3A_18 = arith.extui %lt3A_17 : i1 to i32
      %cond3A_19 = arith.constant 0 : i32
      %cond3A_20 = arith.cmpi ne, %convert_element_type3A_18, %cond3A_19 : i32
      scf.if %cond3A_20 {
        %dma_start3A = arith.constant 0 : i32
        %dma_start3A_29 = tpu.memref_slice %arg6[%add3A_15, %dma_start3A] : memref<200x128xi32, #tpu.memory_space<vmem>> -> memref<1x128xi32, #tpu.memory_space<vmem>>
        %dma_start3A_30 = tpu.memref_squeeze %dma_start3A_29 : memref<1x128xi32, #tpu.memory_space<vmem>> -> memref<128xi32, #tpu.memory_space<vmem>>
        %dma_start3A_31 = arith.constant 0 : i32
        %dma_start3A_32 = arith.constant 0 : i32
        %dma_start3A_33 = tpu.memref_slice %arg2[%dma_start3A_31, %dma_start3A_32] : memref<50000x128xf32, #tpu.memory_space<hbm>> -> memref<50000x128xf32, #tpu.memory_space<hbm>>
        tpu.enqueue_indirect_dma source(%dma_start3A_33 : memref<50000x128xf32, #tpu.memory_space<hbm>>) target(%arg10 : memref<128x128xf32, #tpu.memory_space<vmem>>) offsets(%dma_start3A_30 : memref<128xi32, #tpu.memory_space<vmem>>) semaphore(%arg14 : memref<!tpu.dma_semaphore, #tpu.memory_space<semaphore_mem>>)
        %dma_start3A_34 = arith.constant 0 : i32
        %dma_start3A_35 = tpu.memref_slice %arg7[%add3A_15, %dma_start3A_34] : memref<200x128xi32, #tpu.memory_space<vmem>> -> memref<1x128xi32, #tpu.memory_space<vmem>>
        %dma_start3A_36 = tpu.memref_squeeze %dma_start3A_35 : memref<1x128xi32, #tpu.memory_space<vmem>> -> memref<128xi32, #tpu.memory_space<vmem>>
        %dma_start3A_37 = arith.constant 0 : i32
        %dma_start3A_38 = arith.constant 0 : i32
        %dma_start3A_39 = tpu.memref_slice %arg2[%dma_start3A_37, %dma_start3A_38] : memref<50000x128xf32, #tpu.memory_space<hbm>> -> memref<50000x128xf32, #tpu.memory_space<hbm>>
        tpu.enqueue_indirect_dma source(%dma_start3A_39 : memref<50000x128xf32, #tpu.memory_space<hbm>>) target(%arg11 : memref<128x128xf32, #tpu.memory_space<vmem>>) offsets(%dma_start3A_36 : memref<128xi32, #tpu.memory_space<vmem>>) semaphore(%arg15 : memref<!tpu.dma_semaphore, #tpu.memory_space<semaphore_mem>>)
      } else {
      }
      %lt3A_21 = arith.cmpi slt, %mul3A_11, %min3A : i32
      %convert_element_type3A_22 = arith.extui %lt3A_21 : i1 to i32
      %cond3A_23 = arith.constant 0 : i32
      %cond3A_24 = arith.cmpi ne, %convert_element_type3A_22, %cond3A_23 : i32
      scf.if %cond3A_24 {
        %add3A_29 = arith.addi %mul3A_2, %mul3A_11 : i32
        %mul3A_30 = arith.constant 128 : i32
        %mul3A_31 = arith.muli %add3A_29, %mul3A_30 : i32
        %dma_wait3A = arith.constant 0 : i32
        %dma_wait3A_32 = tpu.memref_slice %arg6[%mul3A_11, %dma_wait3A] : memref<200x128xi32, #tpu.memory_space<vmem>> -> memref<1x128xi32, #tpu.memory_space<vmem>>
        %dma_wait3A_33 = tpu.memref_squeeze %dma_wait3A_32 : memref<1x128xi32, #tpu.memory_space<vmem>> -> memref<128xi32, #tpu.memory_space<vmem>>
        %dma_wait3A_34 = arith.constant 0 : i32
        %dma_wait3A_35 = arith.constant 0 : i32
        %dma_wait3A_36 = tpu.memref_slice %arg2[%dma_wait3A_34, %dma_wait3A_35] : memref<50000x128xf32, #tpu.memory_space<hbm>> -> memref<50000x128xf32, #tpu.memory_space<hbm>>
        tpu.wait_indirect_dma semaphore(%arg12 : memref<!tpu.dma_semaphore, #tpu.memory_space<semaphore_mem>>) src(%dma_wait3A_36 : memref<50000x128xf32, #tpu.memory_space<hbm>>) dst(%arg8 : memref<128x128xf32, #tpu.memory_space<vmem>>)
        %dma_wait3A_37 = arith.constant 0 : i32
        %dma_wait3A_38 = tpu.memref_slice %arg7[%mul3A_11, %dma_wait3A_37] : memref<200x128xi32, #tpu.memory_space<vmem>> -> memref<1x128xi32, #tpu.memory_space<vmem>>
        %dma_wait3A_39 = tpu.memref_squeeze %dma_wait3A_38 : memref<1x128xi32, #tpu.memory_space<vmem>> -> memref<128xi32, #tpu.memory_space<vmem>>
        %dma_wait3A_40 = arith.constant 0 : i32
        %dma_wait3A_41 = arith.constant 0 : i32
        %dma_wait3A_42 = tpu.memref_slice %arg2[%dma_wait3A_40, %dma_wait3A_41] : memref<50000x128xf32, #tpu.memory_space<hbm>> -> memref<50000x128xf32, #tpu.memory_space<hbm>>
        tpu.wait_indirect_dma semaphore(%arg13 : memref<!tpu.dma_semaphore, #tpu.memory_space<semaphore_mem>>) src(%dma_wait3A_42 : memref<50000x128xf32, #tpu.memory_space<hbm>>) dst(%arg9 : memref<128x128xf32, #tpu.memory_space<vmem>>)
        %scan3A_43 = arith.constant 0 : i32
        %scan3A_44 = arith.constant 128 : i32
        %scan3A_45 = arith.addi %scan3A_43, %scan3A_44 : i32
        %scan3A_46 = arith.constant 1 : i32
        scf.for %scan3A_48 = %scan3A_43 to %scan3A_45 step %scan3A_46  : i32 {
          %get3A = arith.index_cast %scan3A_48 : i32 to index
          %get3A_49 = arith.constant 64 : index
          %get3A_50 = tpu.vector_load %arg9[%get3A, %get3A_49] {strides = array<i32>} : memref<128x128xf32, #tpu.memory_space<vmem>>, vector<1x16xf32>,
          %get3A_51 = vector.shape_cast %get3A_50 : vector<1x16xf32> to vector<16xf32>
          %swap3A = arith.index_cast %scan3A_48 : i32 to index
          %swap3A_52 = arith.constant 64 : index
          %swap3A_53 = tpu.vector_load %arg8[%swap3A, %swap3A_52] {strides = array<i32>} : memref<128x128xf32, #tpu.memory_space<vmem>>, vector<1x16xf32>,
          %swap3A_54 = vector.shape_cast %swap3A_53 : vector<1x16xf32> to vector<16xf32>
          %swap3A_55 = vector.shape_cast %get3A_51 : vector<16xf32> to vector<1x16xf32>
          tpu.vector_store %arg8[%swap3A, %swap3A_52], %swap3A_55 {strides = array<i32>} : memref<128x128xf32, #tpu.memory_space<vmem>>, vector<1x16xf32>,
          %get3A_56 = arith.index_cast %scan3A_48 : i32 to index
          %get3A_57 = arith.constant 80 : index
          %get3A_58 = tpu.vector_load %arg9[%get3A_56, %get3A_57] {strides = array<i32>} : memref<128x128xf32, #tpu.memory_space<vmem>>, vector<1x16xf32>,
          %get3A_59 = vector.shape_cast %get3A_58 : vector<1x16xf32> to vector<16xf32>
          %swap3A_60 = arith.index_cast %scan3A_48 : i32 to index
          %swap3A_61 = arith.constant 80 : index
          %swap3A_62 = tpu.vector_load %arg8[%swap3A_60, %swap3A_61] {strides = array<i32>} : memref<128x128xf32, #tpu.memory_space<vmem>>, vector<1x16xf32>,
          %swap3A_63 = vector.shape_cast %swap3A_62 : vector<1x16xf32> to vector<16xf32>
          %swap3A_64 = vector.shape_cast %get3A_59 : vector<16xf32> to vector<1x16xf32>
          tpu.vector_store %arg8[%swap3A_60, %swap3A_61], %swap3A_64 {strides = array<i32>} : memref<128x128xf32, #tpu.memory_space<vmem>>, vector<1x16xf32>,
          %get3A_65 = arith.index_cast %scan3A_48 : i32 to index
          %get3A_66 = arith.constant 96 : index
          %get3A_67 = tpu.vector_load %arg9[%get3A_65, %get3A_66] {strides = array<i32>} : memref<128x128xf32, #tpu.memory_space<vmem>>, vector<1x16xf32>,
          %get3A_68 = vector.shape_cast %get3A_67 : vector<1x16xf32> to vector<16xf32>
          %swap3A_69 = arith.index_cast %scan3A_48 : i32 to index
          %swap3A_70 = arith.constant 96 : index
          %swap3A_71 = tpu.vector_load %arg8[%swap3A_69, %swap3A_70] {strides = array<i32>} : memref<128x128xf32, #tpu.memory_space<vmem>>, vector<1x16xf32>,
          %swap3A_72 = vector.shape_cast %swap3A_71 : vector<1x16xf32> to vector<16xf32>
          %swap3A_73 = vector.shape_cast %get3A_68 : vector<16xf32> to vector<1x16xf32>
          tpu.vector_store %arg8[%swap3A_69, %swap3A_70], %swap3A_73 {strides = array<i32>} : memref<128x128xf32, #tpu.memory_space<vmem>>, vector<1x16xf32>,
          %get3A_74 = arith.index_cast %scan3A_48 : i32 to index
          %get3A_75 = arith.constant 112 : index
          %get3A_76 = tpu.vector_load %arg9[%get3A_74, %get3A_75] {strides = array<i32>} : memref<128x128xf32, #tpu.memory_space<vmem>>, vector<1x16xf32>,
          %get3A_77 = vector.shape_cast %get3A_76 : vector<1x16xf32> to vector<16xf32>
          %swap3A_78 = arith.index_cast %scan3A_48 : i32 to index
          %swap3A_79 = arith.constant 112 : index
          %swap3A_80 = tpu.vector_load %arg8[%swap3A_78, %swap3A_79] {strides = array<i32>} : memref<128x128xf32, #tpu.memory_space<vmem>>, vector<1x16xf32>,
          %swap3A_81 = vector.shape_cast %swap3A_80 : vector<1x16xf32> to vector<16xf32>
          %swap3A_82 = vector.shape_cast %get3A_77 : vector<16xf32> to vector<1x16xf32>
          tpu.vector_store %arg8[%swap3A_78, %swap3A_79], %swap3A_82 {strides = array<i32>} : memref<128x128xf32, #tpu.memory_space<vmem>>, vector<1x16xf32>,
        }
        %scan3A_47 = arith.constant 128 : i32
        "tpu.region"() ({
          %run_scoped3A = tpu.sem_alloc : memref<!tpu.dma_semaphore, #tpu.memory_space<semaphore_mem>>
          %dma_start3A = arith.constant 0 : i32
          %dma_start3A_48 = tpu.memref_slice %arg5[%mul3A_31, %dma_start3A] : memref<800000x128xf32, #tpu.memory_space<hbm>> -> memref<128x128xf32, #tpu.memory_space<hbm>>
          %dma_start3A_49 = arith.constant 0 : i32
          %dma_start3A_50 = tpu.memref_slice %arg5[%mul3A_31, %dma_start3A_49] : memref<800000x128xf32, #tpu.memory_space<hbm>> -> memref<128x128xf32, #tpu.memory_space<hbm>>
          tpu.enqueue_dma source(%arg8 : memref<128x128xf32, #tpu.memory_space<vmem>>) target(%dma_start3A_50 : memref<128x128xf32, #tpu.memory_space<hbm>>) target_semaphore(%run_scoped3A : memref<!tpu.dma_semaphore, #tpu.memory_space<semaphore_mem>>)
          %dma_wait3A_51 = arith.constant 0 : i32
          %dma_wait3A_52 = tpu.memref_slice %arg5[%mul3A_31, %dma_wait3A_51] : memref<800000x128xf32, #tpu.memory_space<hbm>> -> memref<128x128xf32, #tpu.memory_space<hbm>>
          %dma_wait3A_53 = arith.constant 0 : i32
          %dma_wait3A_54 = tpu.memref_slice %arg5[%mul3A_31, %dma_wait3A_53] : memref<800000x128xf32, #tpu.memory_space<hbm>> -> memref<128x128xf32, #tpu.memory_space<hbm>>
          tpu.wait_dma2 semaphore(%run_scoped3A : memref<!tpu.dma_semaphore, #tpu.memory_space<semaphore_mem>>) src(%arg8 : memref<128x128xf32, #tpu.memory_space<vmem>>) dst(%dma_wait3A_54 : memref<128x128xf32, #tpu.memory_space<hbm>>)
          tpu.yield
        }) : () -> ()
      } else {
      }
      %lt3A_25 = arith.cmpi slt, %add3A_15, %min3A : i32
      %convert_element_type3A_26 = arith.extui %lt3A_25 : i1 to i32
      %cond3A_27 = arith.constant 0 : i32
      %cond3A_28 = arith.cmpi ne, %convert_element_type3A_26, %cond3A_27 : i32
      scf.if %cond3A_28 {
        %add3A_29 = arith.addi %mul3A_2, %add3A_15 : i32
        %mul3A_30 = arith.constant 128 : i32
        %mul3A_31 = arith.muli %add3A_29, %mul3A_30 : i32
        %dma_wait3A = arith.constant 0 : i32
        %dma_wait3A_32 = tpu.memref_slice %arg6[%add3A_15, %dma_wait3A] : memref<200x128xi32, #tpu.memory_space<vmem>> -> memref<1x128xi32, #tpu.memory_space<vmem>>
        %dma_wait3A_33 = tpu.memref_squeeze %dma_wait3A_32 : memref<1x128xi32, #tpu.memory_space<vmem>> -> memref<128xi32, #tpu.memory_space<vmem>>
        %dma_wait3A_34 = arith.constant 0 : i32
        %dma_wait3A_35 = arith.constant 0 : i32
        %dma_wait3A_36 = tpu.memref_slice %arg2[%dma_wait3A_34, %dma_wait3A_35] : memref<50000x128xf32, #tpu.memory_space<hbm>> -> memref<50000x128xf32, #tpu.memory_space<hbm>>
        tpu.wait_indirect_dma semaphore(%arg14 : memref<!tpu.dma_semaphore, #tpu.memory_space<semaphore_mem>>) src(%dma_wait3A_36 : memref<50000x128xf32, #tpu.memory_space<hbm>>) dst(%arg10 : memref<128x128xf32, #tpu.memory_space<vmem>>)
        %dma_wait3A_37 = arith.constant 0 : i32
        %dma_wait3A_38 = tpu.memref_slice %arg7[%add3A_15, %dma_wait3A_37] : memref<200x128xi32, #tpu.memory_space<vmem>> -> memref<1x128xi32, #tpu.memory_space<vmem>>
        %dma_wait3A_39 = tpu.memref_squeeze %dma_wait3A_38 : memref<1x128xi32, #tpu.memory_space<vmem>> -> memref<128xi32, #tpu.memory_space<vmem>>
        %dma_wait3A_40 = arith.constant 0 : i32
        %dma_wait3A_41 = arith.constant 0 : i32
        %dma_wait3A_42 = tpu.memref_slice %arg2[%dma_wait3A_40, %dma_wait3A_41] : memref<50000x128xf32, #tpu.memory_space<hbm>> -> memref<50000x128xf32, #tpu.memory_space<hbm>>
        tpu.wait_indirect_dma semaphore(%arg15 : memref<!tpu.dma_semaphore, #tpu.memory_space<semaphore_mem>>) src(%dma_wait3A_42 : memref<50000x128xf32, #tpu.memory_space<hbm>>) dst(%arg11 : memref<128x128xf32, #tpu.memory_space<vmem>>)
        %scan3A_43 = arith.constant 0 : i32
        %scan3A_44 = arith.constant 128 : i32
        %scan3A_45 = arith.addi %scan3A_43, %scan3A_44 : i32
        %scan3A_46 = arith.constant 1 : i32
        scf.for %scan3A_48 = %scan3A_43 to %scan3A_45 step %scan3A_46  : i32 {
          %get3A = arith.index_cast %scan3A_48 : i32 to index
          %get3A_49 = arith.constant 64 : index
          %get3A_50 = tpu.vector_load %arg11[%get3A, %get3A_49] {strides = array<i32>} : memref<128x128xf32, #tpu.memory_space<vmem>>, vector<1x16xf32>,
          %get3A_51 = vector.shape_cast %get3A_50 : vector<1x16xf32> to vector<16xf32>
          %swap3A = arith.index_cast %scan3A_48 : i32 to index
          %swap3A_52 = arith.constant 64 : index
          %swap3A_53 = tpu.vector_load %arg10[%swap3A, %swap3A_52] {strides = array<i32>} : memref<128x128xf32, #tpu.memory_space<vmem>>, vector<1x16xf32>,
          %swap3A_54 = vector.shape_cast %swap3A_53 : vector<1x16xf32> to vector<16xf32>
          %swap3A_55 = vector.shape_cast %get3A_51 : vector<16xf32> to vector<1x16xf32>
          tpu.vector_store %arg10[%swap3A, %swap3A_52], %swap3A_55 {strides = array<i32>} : memref<128x128xf32, #tpu.memory_space<vmem>>, vector<1x16xf32>,
          %get3A_56 = arith.index_cast %scan3A_48 : i32 to index
          %get3A_57 = arith.constant 80 : index
          %get3A_58 = tpu.vector_load %arg11[%get3A_56, %get3A_57] {strides = array<i32>} : memref<128x128xf32, #tpu.memory_space<vmem>>, vector<1x16xf32>,
          %get3A_59 = vector.shape_cast %get3A_58 : vector<1x16xf32> to vector<16xf32>
          %swap3A_60 = arith.index_cast %scan3A_48 : i32 to index
          %swap3A_61 = arith.constant 80 : index
          %swap3A_62 = tpu.vector_load %arg10[%swap3A_60, %swap3A_61] {strides = array<i32>} : memref<128x128xf32, #tpu.memory_space<vmem>>, vector<1x16xf32>,
          %swap3A_63 = vector.shape_cast %swap3A_62 : vector<1x16xf32> to vector<16xf32>
          %swap3A_64 = vector.shape_cast %get3A_59 : vector<16xf32> to vector<1x16xf32>
          tpu.vector_store %arg10[%swap3A_60, %swap3A_61], %swap3A_64 {strides = array<i32>} : memref<128x128xf32, #tpu.memory_space<vmem>>, vector<1x16xf32>,
          %get3A_65 = arith.index_cast %scan3A_48 : i32 to index
          %get3A_66 = arith.constant 96 : index
          %get3A_67 = tpu.vector_load %arg11[%get3A_65, %get3A_66] {strides = array<i32>} : memref<128x128xf32, #tpu.memory_space<vmem>>, vector<1x16xf32>,
          %get3A_68 = vector.shape_cast %get3A_67 : vector<1x16xf32> to vector<16xf32>
          %swap3A_69 = arith.index_cast %scan3A_48 : i32 to index
          %swap3A_70 = arith.constant 96 : index
          %swap3A_71 = tpu.vector_load %arg10[%swap3A_69, %swap3A_70] {strides = array<i32>} : memref<128x128xf32, #tpu.memory_space<vmem>>, vector<1x16xf32>,
          %swap3A_72 = vector.shape_cast %swap3A_71 : vector<1x16xf32> to vector<16xf32>
          %swap3A_73 = vector.shape_cast %get3A_68 : vector<16xf32> to vector<1x16xf32>
          tpu.vector_store %arg10[%swap3A_69, %swap3A_70], %swap3A_73 {strides = array<i32>} : memref<128x128xf32, #tpu.memory_space<vmem>>, vector<1x16xf32>,
          %get3A_74 = arith.index_cast %scan3A_48 : i32 to index
          %get3A_75 = arith.constant 112 : index
          %get3A_76 = tpu.vector_load %arg11[%get3A_74, %get3A_75] {strides = array<i32>} : memref<128x128xf32, #tpu.memory_space<vmem>>, vector<1x16xf32>,
          %get3A_77 = vector.shape_cast %get3A_76 : vector<1x16xf32> to vector<16xf32>
          %swap3A_78 = arith.index_cast %scan3A_48 : i32 to index
          %swap3A_79 = arith.constant 112 : index
          %swap3A_80 = tpu.vector_load %arg10[%swap3A_78, %swap3A_79] {strides = array<i32>} : memref<128x128xf32, #tpu.memory_space<vmem>>, vector<1x16xf32>,
          %swap3A_81 = vector.shape_cast %swap3A_80 : vector<1x16xf32> to vector<16xf32>
          %swap3A_82 = vector.shape_cast %get3A_77 : vector<16xf32> to vector<1x16xf32>
          tpu.vector_store %arg10[%swap3A_78, %swap3A_79], %swap3A_82 {strides = array<i32>} : memref<128x128xf32, #tpu.memory_space<vmem>>, vector<1x16xf32>,
        }
        %scan3A_47 = arith.constant 128 : i32
        "tpu.region"() ({
          %run_scoped3A = tpu.sem_alloc : memref<!tpu.dma_semaphore, #tpu.memory_space<semaphore_mem>>
          %dma_start3A = arith.constant 0 : i32
          %dma_start3A_48 = tpu.memref_slice %arg5[%mul3A_31, %dma_start3A] : memref<800000x128xf32, #tpu.memory_space<hbm>> -> memref<128x128xf32, #tpu.memory_space<hbm>>
          %dma_start3A_49 = arith.constant 0 : i32
          %dma_start3A_50 = tpu.memref_slice %arg5[%mul3A_31, %dma_start3A_49] : memref<800000x128xf32, #tpu.memory_space<hbm>> -> memref<128x128xf32, #tpu.memory_space<hbm>>
          tpu.enqueue_dma source(%arg10 : memref<128x128xf32, #tpu.memory_space<vmem>>) target(%dma_start3A_50 : memref<128x128xf32, #tpu.memory_space<hbm>>) target_semaphore(%run_scoped3A : memref<!tpu.dma_semaphore, #tpu.memory_space<semaphore_mem>>)
          %dma_wait3A_51 = arith.constant 0 : i32
          %dma_wait3A_52 = tpu.memref_slice %arg5[%mul3A_31, %dma_wait3A_51] : memref<800000x128xf32, #tpu.memory_space<hbm>> -> memref<128x128xf32, #tpu.memory_space<hbm>>
          %dma_wait3A_53 = arith.constant 0 : i32
          %dma_wait3A_54 = tpu.memref_slice %arg5[%mul3A_31, %dma_wait3A_53] : memref<800000x128xf32, #tpu.memory_space<hbm>> -> memref<128x128xf32, #tpu.memory_space<hbm>>
          tpu.wait_dma2 semaphore(%run_scoped3A : memref<!tpu.dma_semaphore, #tpu.memory_space<semaphore_mem>>) src(%arg10 : memref<128x128xf32, #tpu.memory_space<vmem>>) dst(%dma_wait3A_54 : memref<128x128xf32, #tpu.memory_space<hbm>>)
          tpu.yield
        }) : () -> ()
      } else {
      }
    }
    %scan3A_8 = arith.constant 100 : i32
    return
  }
}

#map = affine_map<(d0, d1) -> (0, 0)>
module attributes {stable_mosaic.version = 14 : i64} {
  func.func @k(%arg0: i32, %arg1: i32, %arg2: memref<50000x128xf32, #tpu.memory_space<hbm>>, %arg3: memref<6400x128xi32, #tpu.memory_space<hbm>>, %arg4: memref<6400x128xi32, #tpu.memory_space<hbm>>, %arg5: memref<800000x128xf32, #tpu.memory_space<hbm>>, %arg6: memref<200x128xi32, #tpu.memory_space<vmem>>, %arg7: memref<200x128xi32, #tpu.memory_space<vmem>>, %arg8: memref<128x128xf32, #tpu.memory_space<vmem>>, %arg9: memref<128x128xf32, #tpu.memory_space<vmem>>, %arg10: memref<128x128xf32, #tpu.memory_space<vmem>>, %arg11: memref<128x128xf32, #tpu.memory_space<vmem>>, %arg12: memref<!tpu.dma_semaphore, #tpu.memory_space<semaphore_mem>>, %arg13: memref<!tpu.dma_semaphore, #tpu.memory_space<semaphore_mem>>, %arg14: memref<!tpu.dma_semaphore, #tpu.memory_space<semaphore_mem>>, %arg15: memref<!tpu.dma_semaphore, #tpu.memory_space<semaphore_mem>>) attributes {dimension_semantics = [#tpu.dimension_semantics<core_parallel>, #tpu.dimension_semantics<subcore_parallel>], iteration_bounds = array<i64: 2, 16>, scalar_prefetch = 0 : i64, scratch_operands = 10 : i64, tpu.core_type = #tpu.core_type<sc_vector_subcore>, window_params = [{transform_indices = #map}, {transform_indices = #map}, {transform_indices = #map}, {transform_indices = #map}]} {
    %mul3A = arith.constant 2 : i32
    %mul3A_0 = arith.muli %arg1, %mul3A : i32
    %add3A = arith.addi %mul3A_0, %arg0 : i32
    %mul3A_1 = arith.constant 200 : i32
    %mul3A_2 = arith.muli %add3A, %mul3A_1 : i32
    %sub3A = arith.constant 6250 : i32
    %sub3A_3 = arith.subi %sub3A, %mul3A_2 : i32
    %jit3A = arith.constant 0 : i32
    %jit3A_4 = arith.constant 200 : i32
    %max3A = arith.maxsi %jit3A, %sub3A_3 : i32
    %min3A = arith.minsi %jit3A_4, %max3A : i32
    "tpu.region"() ({
      %run_scoped3A = tpu.sem_alloc : memref<!tpu.dma_semaphore, #tpu.memory_space<semaphore_mem>>
      %dma_start3A = arith.constant 0 : i32
      %dma_start3A_9 = tpu.memref_slice %arg3[%mul3A_2, %dma_start3A] : memref<6400x128xi32, #tpu.memory_space<hbm>> -> memref<200x128xi32, #tpu.memory_space<hbm>>
      %dma_start3A_10 = arith.constant 0 : i32
      %dma_start3A_11 = tpu.memref_slice %arg3[%mul3A_2, %dma_start3A_10] : memref<6400x128xi32, #tpu.memory_space<hbm>> -> memref<200x128xi32, #tpu.memory_space<hbm>>
      tpu.enqueue_dma source(%dma_start3A_11 : memref<200x128xi32, #tpu.memory_space<hbm>>) target(%arg6 : memref<200x128xi32, #tpu.memory_space<vmem>>) target_semaphore(%run_scoped3A : memref<!tpu.dma_semaphore, #tpu.memory_space<semaphore_mem>>)
      %dma_wait3A = arith.constant 0 : i32
      %dma_wait3A_12 = tpu.memref_slice %arg3[%mul3A_2, %dma_wait3A] : memref<6400x128xi32, #tpu.memory_space<hbm>> -> memref<200x128xi32, #tpu.memory_space<hbm>>
      %dma_wait3A_13 = arith.constant 0 : i32
      %dma_wait3A_14 = tpu.memref_slice %arg3[%mul3A_2, %dma_wait3A_13] : memref<6400x128xi32, #tpu.memory_space<hbm>> -> memref<200x128xi32, #tpu.memory_space<hbm>>
      tpu.wait_dma2 semaphore(%run_scoped3A : memref<!tpu.dma_semaphore, #tpu.memory_space<semaphore_mem>>) src(%dma_wait3A_14 : memref<200x128xi32, #tpu.memory_space<hbm>>) dst(%arg6 : memref<200x128xi32, #tpu.memory_space<vmem>>)
      tpu.yield
    }) : () -> ()
    "tpu.region"() ({
      %run_scoped3A = tpu.sem_alloc : memref<!tpu.dma_semaphore, #tpu.memory_space<semaphore_mem>>
      %dma_start3A = arith.constant 0 : i32
      %dma_start3A_9 = tpu.memref_slice %arg4[%mul3A_2, %dma_start3A] : memref<6400x128xi32, #tpu.memory_space<hbm>> -> memref<200x128xi32, #tpu.memory_space<hbm>>
      %dma_start3A_10 = arith.constant 0 : i32
      %dma_start3A_11 = tpu.memref_slice %arg4[%mul3A_2, %dma_start3A_10] : memref<6400x128xi32, #tpu.memory_space<hbm>> -> memref<200x128xi32, #tpu.memory_space<hbm>>
      tpu.enqueue_dma source(%dma_start3A_11 : memref<200x128xi32, #tpu.memory_space<hbm>>) target(%arg7 : memref<200x128xi32, #tpu.memory_space<vmem>>) target_semaphore(%run_scoped3A : memref<!tpu.dma_semaphore, #tpu.memory_space<semaphore_mem>>)
      %dma_wait3A = arith.constant 0 : i32
      %dma_wait3A_12 = tpu.memref_slice %arg4[%mul3A_2, %dma_wait3A] : memref<6400x128xi32, #tpu.memory_space<hbm>> -> memref<200x128xi32, #tpu.memory_space<hbm>>
      %dma_wait3A_13 = arith.constant 0 : i32
      %dma_wait3A_14 = tpu.memref_slice %arg4[%mul3A_2, %dma_wait3A_13] : memref<6400x128xi32, #tpu.memory_space<hbm>> -> memref<200x128xi32, #tpu.memory_space<hbm>>
      tpu.wait_dma2 semaphore(%run_scoped3A : memref<!tpu.dma_semaphore, #tpu.memory_space<semaphore_mem>>) src(%dma_wait3A_14 : memref<200x128xi32, #tpu.memory_space<hbm>>) dst(%arg7 : memref<200x128xi32, #tpu.memory_space<vmem>>)
      tpu.yield
    }) : () -> ()
    %scan3A = arith.constant 0 : i32
    %scan3A_5 = arith.constant 100 : i32
    %scan3A_6 = arith.addi %scan3A, %scan3A_5 : i32
    %scan3A_7 = arith.constant 1 : i32
    scf.for %scan3A_9 = %scan3A to %scan3A_6 step %scan3A_7  : i32 {
      %mul3A_10 = arith.constant 2 : i32
      %mul3A_11 = arith.muli %mul3A_10, %scan3A_9 : i32
      %mul3A_12 = arith.constant 2 : i32
      %mul3A_13 = arith.muli %mul3A_12, %scan3A_9 : i32
      %add3A_14 = arith.constant 1 : i32
      %add3A_15 = arith.addi %mul3A_13, %add3A_14 : i32
      %lt3A = arith.cmpi slt, %mul3A_11, %min3A : i32
      %convert_element_type3A = arith.extui %lt3A : i1 to i32
      %cond3A = arith.constant 0 : i32
      %cond3A_16 = arith.cmpi ne, %convert_element_type3A, %cond3A : i32
      scf.if %cond3A_16 {
        %dma_start3A = arith.constant 0 : i32
        %dma_start3A_29 = tpu.memref_slice %arg6[%mul3A_11, %dma_start3A] : memref<200x128xi32, #tpu.memory_space<vmem>> -> memref<1x128xi32, #tpu.memory_space<vmem>>
        %dma_start3A_30 = tpu.memref_squeeze %dma_start3A_29 : memref<1x128xi32, #tpu.memory_space<vmem>> -> memref<128xi32, #tpu.memory_space<vmem>>
        %dma_start3A_31 = arith.constant 0 : i32
        %dma_start3A_32 = arith.constant 0 : i32
        %dma_start3A_33 = tpu.memref_slice %arg2[%dma_start3A_31, %dma_start3A_32] : memref<50000x128xf32, #tpu.memory_space<hbm>> -> memref<50000x128xf32, #tpu.memory_space<hbm>>
        tpu.enqueue_indirect_dma source(%dma_start3A_33 : memref<50000x128xf32, #tpu.memory_space<hbm>>) target(%arg8 : memref<128x128xf32, #tpu.memory_space<vmem>>) offsets(%dma_start3A_30 : memref<128xi32, #tpu.memory_space<vmem>>) semaphore(%arg12 : memref<!tpu.dma_semaphore, #tpu.memory_space<semaphore_mem>>)
        %dma_start3A_34 = arith.constant 0 : i32
        %dma_start3A_35 = tpu.memref_slice %arg7[%mul3A_11, %dma_start3A_34] : memref<200x128xi32, #tpu.memory_space<vmem>> -> memref<1x128xi32, #tpu.memory_space<vmem>>
        %dma_start3A_36 = tpu.memref_squeeze %dma_start3A_35 : memref<1x128xi32, #tpu.memory_space<vmem>> -> memref<128xi32, #tpu.memory_space<vmem>>
        %dma_start3A_37 = arith.constant 0 : i32
        %dma_start3A_38 = arith.constant 0 : i32
        %dma_start3A_39 = tpu.memref_slice %arg2[%dma_start3A_37, %dma_start3A_38] : memref<50000x128xf32, #tpu.memory_space<hbm>> -> memref<50000x128xf32, #tpu.memory_space<hbm>>
        tpu.enqueue_indirect_dma source(%dma_start3A_39 : memref<50000x128xf32, #tpu.memory_space<hbm>>) target(%arg9 : memref<128x128xf32, #tpu.memory_space<vmem>>) offsets(%dma_start3A_36 : memref<128xi32, #tpu.memory_space<vmem>>) semaphore(%arg13 : memref<!tpu.dma_semaphore, #tpu.memory_space<semaphore_mem>>)
      } else {
      }
      %lt3A_17 = arith.cmpi slt, %add3A_15, %min3A : i32
      %convert_element_type3A_18 = arith.extui %lt3A_17 : i1 to i32
      %cond3A_19 = arith.constant 0 : i32
      %cond3A_20 = arith.cmpi ne, %convert_element_type3A_18, %cond3A_19 : i32
      scf.if %cond3A_20 {
        %dma_start3A = arith.constant 0 : i32
        %dma_start3A_29 = tpu.memref_slice %arg6[%add3A_15, %dma_start3A] : memref<200x128xi32, #tpu.memory_space<vmem>> -> memref<1x128xi32, #tpu.memory_space<vmem>>
        %dma_start3A_30 = tpu.memref_squeeze %dma_start3A_29 : memref<1x128xi32, #tpu.memory_space<vmem>> -> memref<128xi32, #tpu.memory_space<vmem>>
        %dma_start3A_31 = arith.constant 0 : i32
        %dma_start3A_32 = arith.constant 0 : i32
        %dma_start3A_33 = tpu.memref_slice %arg2[%dma_start3A_31, %dma_start3A_32] : memref<50000x128xf32, #tpu.memory_space<hbm>> -> memref<50000x128xf32, #tpu.memory_space<hbm>>
        tpu.enqueue_indirect_dma source(%dma_start3A_33 : memref<50000x128xf32, #tpu.memory_space<hbm>>) target(%arg10 : memref<128x128xf32, #tpu.memory_space<vmem>>) offsets(%dma_start3A_30 : memref<128xi32, #tpu.memory_space<vmem>>) semaphore(%arg14 : memref<!tpu.dma_semaphore, #tpu.memory_space<semaphore_mem>>)
        %dma_start3A_34 = arith.constant 0 : i32
        %dma_start3A_35 = tpu.memref_slice %arg7[%add3A_15, %dma_start3A_34] : memref<200x128xi32, #tpu.memory_space<vmem>> -> memref<1x128xi32, #tpu.memory_space<vmem>>
        %dma_start3A_36 = tpu.memref_squeeze %dma_start3A_35 : memref<1x128xi32, #tpu.memory_space<vmem>> -> memref<128xi32, #tpu.memory_space<vmem>>
        %dma_start3A_37 = arith.constant 0 : i32
        %dma_start3A_38 = arith.constant 0 : i32
        %dma_start3A_39 = tpu.memref_slice %arg2[%dma_start3A_37, %dma_start3A_38] : memref<50000x128xf32, #tpu.memory_space<hbm>> -> memref<50000x128xf32, #tpu.memory_space<hbm>>
        tpu.enqueue_indirect_dma source(%dma_start3A_39 : memref<50000x128xf32, #tpu.memory_space<hbm>>) target(%arg11 : memref<128x128xf32, #tpu.memory_space<vmem>>) offsets(%dma_start3A_36 : memref<128xi32, #tpu.memory_space<vmem>>) semaphore(%arg15 : memref<!tpu.dma_semaphore, #tpu.memory_space<semaphore_mem>>)
      } else {
      }
      %lt3A_21 = arith.cmpi slt, %mul3A_11, %min3A : i32
      %convert_element_type3A_22 = arith.extui %lt3A_21 : i1 to i32
      %cond3A_23 = arith.constant 0 : i32
      %cond3A_24 = arith.cmpi ne, %convert_element_type3A_22, %cond3A_23 : i32
      scf.if %cond3A_24 {
        %add3A_29 = arith.addi %mul3A_2, %mul3A_11 : i32
        %mul3A_30 = arith.constant 128 : i32
        %mul3A_31 = arith.muli %add3A_29, %mul3A_30 : i32
        %dma_wait3A = arith.constant 0 : i32
        %dma_wait3A_32 = tpu.memref_slice %arg6[%mul3A_11, %dma_wait3A] : memref<200x128xi32, #tpu.memory_space<vmem>> -> memref<1x128xi32, #tpu.memory_space<vmem>>
        %dma_wait3A_33 = tpu.memref_squeeze %dma_wait3A_32 : memref<1x128xi32, #tpu.memory_space<vmem>> -> memref<128xi32, #tpu.memory_space<vmem>>
        %dma_wait3A_34 = arith.constant 0 : i32
        %dma_wait3A_35 = arith.constant 0 : i32
        %dma_wait3A_36 = tpu.memref_slice %arg2[%dma_wait3A_34, %dma_wait3A_35] : memref<50000x128xf32, #tpu.memory_space<hbm>> -> memref<50000x128xf32, #tpu.memory_space<hbm>>
        tpu.wait_indirect_dma semaphore(%arg12 : memref<!tpu.dma_semaphore, #tpu.memory_space<semaphore_mem>>) src(%dma_wait3A_36 : memref<50000x128xf32, #tpu.memory_space<hbm>>) dst(%arg8 : memref<128x128xf32, #tpu.memory_space<vmem>>)
        %dma_wait3A_37 = arith.constant 0 : i32
        %dma_wait3A_38 = tpu.memref_slice %arg7[%mul3A_11, %dma_wait3A_37] : memref<200x128xi32, #tpu.memory_space<vmem>> -> memref<1x128xi32, #tpu.memory_space<vmem>>
        %dma_wait3A_39 = tpu.memref_squeeze %dma_wait3A_38 : memref<1x128xi32, #tpu.memory_space<vmem>> -> memref<128xi32, #tpu.memory_space<vmem>>
        %dma_wait3A_40 = arith.constant 0 : i32
        %dma_wait3A_41 = arith.constant 0 : i32
        %dma_wait3A_42 = tpu.memref_slice %arg2[%dma_wait3A_40, %dma_wait3A_41] : memref<50000x128xf32, #tpu.memory_space<hbm>> -> memref<50000x128xf32, #tpu.memory_space<hbm>>
        tpu.wait_indirect_dma semaphore(%arg13 : memref<!tpu.dma_semaphore, #tpu.memory_space<semaphore_mem>>) src(%dma_wait3A_42 : memref<50000x128xf32, #tpu.memory_space<hbm>>) dst(%arg9 : memref<128x128xf32, #tpu.memory_space<vmem>>)
        %scan3A_43 = arith.constant 0 : i32
        %scan3A_44 = arith.constant 128 : i32
        %scan3A_45 = arith.addi %scan3A_43, %scan3A_44 : i32
        %scan3A_46 = arith.constant 1 : i32
        scf.for %scan3A_48 = %scan3A_43 to %scan3A_45 step %scan3A_46  : i32 {
          %get3A = arith.index_cast %scan3A_48 : i32 to index
          %get3A_49 = arith.constant 64 : index
          %get3A_50 = tpu.vector_load %arg9[%get3A, %get3A_49] {strides = array<i32>} : memref<128x128xf32, #tpu.memory_space<vmem>>, vector<1x16xf32>,
          %get3A_51 = vector.shape_cast %get3A_50 : vector<1x16xf32> to vector<16xf32>
          %swap3A = arith.index_cast %scan3A_48 : i32 to index
          %swap3A_52 = arith.constant 64 : index
          %swap3A_53 = tpu.vector_load %arg8[%swap3A, %swap3A_52] {strides = array<i32>} : memref<128x128xf32, #tpu.memory_space<vmem>>, vector<1x16xf32>,
          %swap3A_54 = vector.shape_cast %swap3A_53 : vector<1x16xf32> to vector<16xf32>
          %swap3A_55 = vector.shape_cast %get3A_51 : vector<16xf32> to vector<1x16xf32>
          tpu.vector_store %arg8[%swap3A, %swap3A_52], %swap3A_55 {strides = array<i32>} : memref<128x128xf32, #tpu.memory_space<vmem>>, vector<1x16xf32>,
          %get3A_56 = arith.index_cast %scan3A_48 : i32 to index
          %get3A_57 = arith.constant 80 : index
          %get3A_58 = tpu.vector_load %arg9[%get3A_56, %get3A_57] {strides = array<i32>} : memref<128x128xf32, #tpu.memory_space<vmem>>, vector<1x16xf32>,
          %get3A_59 = vector.shape_cast %get3A_58 : vector<1x16xf32> to vector<16xf32>
          %swap3A_60 = arith.index_cast %scan3A_48 : i32 to index
          %swap3A_61 = arith.constant 80 : index
          %swap3A_62 = tpu.vector_load %arg8[%swap3A_60, %swap3A_61] {strides = array<i32>} : memref<128x128xf32, #tpu.memory_space<vmem>>, vector<1x16xf32>,
          %swap3A_63 = vector.shape_cast %swap3A_62 : vector<1x16xf32> to vector<16xf32>
          %swap3A_64 = vector.shape_cast %get3A_59 : vector<16xf32> to vector<1x16xf32>
          tpu.vector_store %arg8[%swap3A_60, %swap3A_61], %swap3A_64 {strides = array<i32>} : memref<128x128xf32, #tpu.memory_space<vmem>>, vector<1x16xf32>,
          %get3A_65 = arith.index_cast %scan3A_48 : i32 to index
          %get3A_66 = arith.constant 96 : index
          %get3A_67 = tpu.vector_load %arg9[%get3A_65, %get3A_66] {strides = array<i32>} : memref<128x128xf32, #tpu.memory_space<vmem>>, vector<1x16xf32>,
          %get3A_68 = vector.shape_cast %get3A_67 : vector<1x16xf32> to vector<16xf32>
          %swap3A_69 = arith.index_cast %scan3A_48 : i32 to index
          %swap3A_70 = arith.constant 96 : index
          %swap3A_71 = tpu.vector_load %arg8[%swap3A_69, %swap3A_70] {strides = array<i32>} : memref<128x128xf32, #tpu.memory_space<vmem>>, vector<1x16xf32>,
          %swap3A_72 = vector.shape_cast %swap3A_71 : vector<1x16xf32> to vector<16xf32>
          %swap3A_73 = vector.shape_cast %get3A_68 : vector<16xf32> to vector<1x16xf32>
          tpu.vector_store %arg8[%swap3A_69, %swap3A_70], %swap3A_73 {strides = array<i32>} : memref<128x128xf32, #tpu.memory_space<vmem>>, vector<1x16xf32>,
          %get3A_74 = arith.index_cast %scan3A_48 : i32 to index
          %get3A_75 = arith.constant 112 : index
          %get3A_76 = tpu.vector_load %arg9[%get3A_74, %get3A_75] {strides = array<i32>} : memref<128x128xf32, #tpu.memory_space<vmem>>, vector<1x16xf32>,
          %get3A_77 = vector.shape_cast %get3A_76 : vector<1x16xf32> to vector<16xf32>
          %swap3A_78 = arith.index_cast %scan3A_48 : i32 to index
          %swap3A_79 = arith.constant 112 : index
          %swap3A_80 = tpu.vector_load %arg8[%swap3A_78, %swap3A_79] {strides = array<i32>} : memref<128x128xf32, #tpu.memory_space<vmem>>, vector<1x16xf32>,
          %swap3A_81 = vector.shape_cast %swap3A_80 : vector<1x16xf32> to vector<16xf32>
          %swap3A_82 = vector.shape_cast %get3A_77 : vector<16xf32> to vector<1x16xf32>
          tpu.vector_store %arg8[%swap3A_78, %swap3A_79], %swap3A_82 {strides = array<i32>} : memref<128x128xf32, #tpu.memory_space<vmem>>, vector<1x16xf32>,
        }
        %scan3A_47 = arith.constant 128 : i32
        "tpu.region"() ({
          %run_scoped3A = tpu.sem_alloc : memref<!tpu.dma_semaphore, #tpu.memory_space<semaphore_mem>>
          %dma_start3A = arith.constant 0 : i32
          %dma_start3A_48 = tpu.memref_slice %arg5[%mul3A_31, %dma_start3A] : memref<800000x128xf32, #tpu.memory_space<hbm>> -> memref<128x128xf32, #tpu.memory_space<hbm>>
          %dma_start3A_49 = arith.constant 0 : i32
          %dma_start3A_50 = tpu.memref_slice %arg5[%mul3A_31, %dma_start3A_49] : memref<800000x128xf32, #tpu.memory_space<hbm>> -> memref<128x128xf32, #tpu.memory_space<hbm>>
          tpu.enqueue_dma source(%arg8 : memref<128x128xf32, #tpu.memory_space<vmem>>) target(%dma_start3A_50 : memref<128x128xf32, #tpu.memory_space<hbm>>) target_semaphore(%run_scoped3A : memref<!tpu.dma_semaphore, #tpu.memory_space<semaphore_mem>>)
          %dma_wait3A_51 = arith.constant 0 : i32
          %dma_wait3A_52 = tpu.memref_slice %arg5[%mul3A_31, %dma_wait3A_51] : memref<800000x128xf32, #tpu.memory_space<hbm>> -> memref<128x128xf32, #tpu.memory_space<hbm>>
          %dma_wait3A_53 = arith.constant 0 : i32
          %dma_wait3A_54 = tpu.memref_slice %arg5[%mul3A_31, %dma_wait3A_53] : memref<800000x128xf32, #tpu.memory_space<hbm>> -> memref<128x128xf32, #tpu.memory_space<hbm>>
          tpu.wait_dma2 semaphore(%run_scoped3A : memref<!tpu.dma_semaphore, #tpu.memory_space<semaphore_mem>>) src(%arg8 : memref<128x128xf32, #tpu.memory_space<vmem>>) dst(%dma_wait3A_54 : memref<128x128xf32, #tpu.memory_space<hbm>>)
          tpu.yield
        }) : () -> ()
      } else {
      }
      %lt3A_25 = arith.cmpi slt, %add3A_15, %min3A : i32
      %convert_element_type3A_26 = arith.extui %lt3A_25 : i1 to i32
      %cond3A_27 = arith.constant 0 : i32
      %cond3A_28 = arith.cmpi ne, %convert_element_type3A_26, %cond3A_27 : i32
      scf.if %cond3A_28 {
        %add3A_29 = arith.addi %mul3A_2, %add3A_15 : i32
        %mul3A_30 = arith.constant 128 : i32
        %mul3A_31 = arith.muli %add3A_29, %mul3A_30 : i32
        %dma_wait3A = arith.constant 0 : i32
        %dma_wait3A_32 = tpu.memref_slice %arg6[%add3A_15, %dma_wait3A] : memref<200x128xi32, #tpu.memory_space<vmem>> -> memref<1x128xi32, #tpu.memory_space<vmem>>
        %dma_wait3A_33 = tpu.memref_squeeze %dma_wait3A_32 : memref<1x128xi32, #tpu.memory_space<vmem>> -> memref<128xi32, #tpu.memory_space<vmem>>
        %dma_wait3A_34 = arith.constant 0 : i32
        %dma_wait3A_35 = arith.constant 0 : i32
        %dma_wait3A_36 = tpu.memref_slice %arg2[%dma_wait3A_34, %dma_wait3A_35] : memref<50000x128xf32, #tpu.memory_space<hbm>> -> memref<50000x128xf32, #tpu.memory_space<hbm>>
        tpu.wait_indirect_dma semaphore(%arg14 : memref<!tpu.dma_semaphore, #tpu.memory_space<semaphore_mem>>) src(%dma_wait3A_36 : memref<50000x128xf32, #tpu.memory_space<hbm>>) dst(%arg10 : memref<128x128xf32, #tpu.memory_space<vmem>>)
        %dma_wait3A_37 = arith.constant 0 : i32
        %dma_wait3A_38 = tpu.memref_slice %arg7[%add3A_15, %dma_wait3A_37] : memref<200x128xi32, #tpu.memory_space<vmem>> -> memref<1x128xi32, #tpu.memory_space<vmem>>
        %dma_wait3A_39 = tpu.memref_squeeze %dma_wait3A_38 : memref<1x128xi32, #tpu.memory_space<vmem>> -> memref<128xi32, #tpu.memory_space<vmem>>
        %dma_wait3A_40 = arith.constant 0 : i32
        %dma_wait3A_41 = arith.constant 0 : i32
        %dma_wait3A_42 = tpu.memref_slice %arg2[%dma_wait3A_40, %dma_wait3A_41] : memref<50000x128xf32, #tpu.memory_space<hbm>> -> memref<50000x128xf32, #tpu.memory_space<hbm>>
        tpu.wait_indirect_dma semaphore(%arg15 : memref<!tpu.dma_semaphore, #tpu.memory_space<semaphore_mem>>) src(%dma_wait3A_42 : memref<50000x128xf32, #tpu.memory_space<hbm>>) dst(%arg11 : memref<128x128xf32, #tpu.memory_space<vmem>>)
        %scan3A_43 = arith.constant 0 : i32
        %scan3A_44 = arith.constant 128 : i32
        %scan3A_45 = arith.addi %scan3A_43, %scan3A_44 : i32
        %scan3A_46 = arith.constant 1 : i32
        scf.for %scan3A_48 = %scan3A_43 to %scan3A_45 step %scan3A_46  : i32 {
          %get3A = arith.index_cast %scan3A_48 : i32 to index
          %get3A_49 = arith.constant 64 : index
          %get3A_50 = tpu.vector_load %arg11[%get3A, %get3A_49] {strides = array<i32>} : memref<128x128xf32, #tpu.memory_space<vmem>>, vector<1x16xf32>,
          %get3A_51 = vector.shape_cast %get3A_50 : vector<1x16xf32> to vector<16xf32>
          %swap3A = arith.index_cast %scan3A_48 : i32 to index
          %swap3A_52 = arith.constant 64 : index
          %swap3A_53 = tpu.vector_load %arg10[%swap3A, %swap3A_52] {strides = array<i32>} : memref<128x128xf32, #tpu.memory_space<vmem>>, vector<1x16xf32>,
          %swap3A_54 = vector.shape_cast %swap3A_53 : vector<1x16xf32> to vector<16xf32>
          %swap3A_55 = vector.shape_cast %get3A_51 : vector<16xf32> to vector<1x16xf32>
          tpu.vector_store %arg10[%swap3A, %swap3A_52], %swap3A_55 {strides = array<i32>} : memref<128x128xf32, #tpu.memory_space<vmem>>, vector<1x16xf32>,
          %get3A_56 = arith.index_cast %scan3A_48 : i32 to index
          %get3A_57 = arith.constant 80 : index
          %get3A_58 = tpu.vector_load %arg11[%get3A_56, %get3A_57] {strides = array<i32>} : memref<128x128xf32, #tpu.memory_space<vmem>>, vector<1x16xf32>,
          %get3A_59 = vector.shape_cast %get3A_58 : vector<1x16xf32> to vector<16xf32>
          %swap3A_60 = arith.index_cast %scan3A_48 : i32 to index
          %swap3A_61 = arith.constant 80 : index
          %swap3A_62 = tpu.vector_load %arg10[%swap3A_60, %swap3A_61] {strides = array<i32>} : memref<128x128xf32, #tpu.memory_space<vmem>>, vector<1x16xf32>,
          %swap3A_63 = vector.shape_cast %swap3A_62 : vector<1x16xf32> to vector<16xf32>
          %swap3A_64 = vector.shape_cast %get3A_59 : vector<16xf32> to vector<1x16xf32>
          tpu.vector_store %arg10[%swap3A_60, %swap3A_61], %swap3A_64 {strides = array<i32>} : memref<128x128xf32, #tpu.memory_space<vmem>>, vector<1x16xf32>,
          %get3A_65 = arith.index_cast %scan3A_48 : i32 to index
          %get3A_66 = arith.constant 96 : index
          %get3A_67 = tpu.vector_load %arg11[%get3A_65, %get3A_66] {strides = array<i32>} : memref<128x128xf32, #tpu.memory_space<vmem>>, vector<1x16xf32>,
          %get3A_68 = vector.shape_cast %get3A_67 : vector<1x16xf32> to vector<16xf32>
          %swap3A_69 = arith.index_cast %scan3A_48 : i32 to index
          %swap3A_70 = arith.constant 96 : index
          %swap3A_71 = tpu.vector_load %arg10[%swap3A_69, %swap3A_70] {strides = array<i32>} : memref<128x128xf32, #tpu.memory_space<vmem>>, vector<1x16xf32>,
          %swap3A_72 = vector.shape_cast %swap3A_71 : vector<1x16xf32> to vector<16xf32>
          %swap3A_73 = vector.shape_cast %get3A_68 : vector<16xf32> to vector<1x16xf32>
          tpu.vector_store %arg10[%swap3A_69, %swap3A_70], %swap3A_73 {strides = array<i32>} : memref<128x128xf32, #tpu.memory_space<vmem>>, vector<1x16xf32>,
          %get3A_74 = arith.index_cast %scan3A_48 : i32 to index
          %get3A_75 = arith.constant 112 : index
          %get3A_76 = tpu.vector_load %arg11[%get3A_74, %get3A_75] {strides = array<i32>} : memref<128x128xf32, #tpu.memory_space<vmem>>, vector<1x16xf32>,
          %get3A_77 = vector.shape_cast %get3A_76 : vector<1x16xf32> to vector<16xf32>
          %swap3A_78 = arith.index_cast %scan3A_48 : i32 to index
          %swap3A_79 = arith.constant 112 : index
          %swap3A_80 = tpu.vector_load %arg10[%swap3A_78, %swap3A_79] {strides = array<i32>} : memref<128x128xf32, #tpu.memory_space<vmem>>, vector<1x16xf32>,
          %swap3A_81 = vector.shape_cast %swap3A_80 : vector<1x16xf32> to vector<16xf32>
          %swap3A_82 = vector.shape_cast %get3A_77 : vector<16xf32> to vector<1x16xf32>
          tpu.vector_store %arg10[%swap3A_78, %swap3A_79], %swap3A_82 {strides = array<i32>} : memref<128x128xf32, #tpu.memory_space<vmem>>, vector<1x16xf32>,
        }
        %scan3A_47 = arith.constant 128 : i32
        "tpu.region"() ({
          %run_scoped3A = tpu.sem_alloc : memref<!tpu.dma_semaphore, #tpu.memory_space<semaphore_mem>>
          %dma_start3A = arith.constant 0 : i32
          %dma_start3A_48 = tpu.memref_slice %arg5[%mul3A_31, %dma_start3A] : memref<800000x128xf32, #tpu.memory_space<hbm>> -> memref<128x128xf32, #tpu.memory_space<hbm>>
          %dma_start3A_49 = arith.constant 0 : i32
          %dma_start3A_50 = tpu.memref_slice %arg5[%mul3A_31, %dma_start3A_49] : memref<800000x128xf32, #tpu.memory_space<hbm>> -> memref<128x128xf32, #tpu.memory_space<hbm>>
          tpu.enqueue_dma source(%arg10 : memref<128x128xf32, #tpu.memory_space<vmem>>) target(%dma_start3A_50 : memref<128x128xf32, #tpu.memory_space<hbm>>) target_semaphore(%run_scoped3A : memref<!tpu.dma_semaphore, #tpu.memory_space<semaphore_mem>>)
          %dma_wait3A_51 = arith.constant 0 : i32
          %dma_wait3A_52 = tpu.memref_slice %arg5[%mul3A_31, %dma_wait3A_51] : memref<800000x128xf32, #tpu.memory_space<hbm>> -> memref<128x128xf32, #tpu.memory_space<hbm>>
          %dma_wait3A_53 = arith.constant 0 : i32
          %dma_wait3A_54 = tpu.memref_slice %arg5[%mul3A_31, %dma_wait3A_53] : memref<800000x128xf32, #tpu.memory_space<hbm>> -> memref<128x128xf32, #tpu.memory_space<hbm>>
          tpu.wait_dma2 semaphore(%run_scoped3A : memref<!tpu.dma_semaphore, #tpu.memory_space<semaphore_mem>>) src(%arg10 : memref<128x128xf32, #tpu.memory_space<vmem>>) dst(%dma_wait3A_54 : memref<128x128xf32, #tpu.memory_space<hbm>>)
          tpu.yield
        }) : () -> ()
      } else {
      }
    }
    %scan3A_8 = arith.constant 100 : i32
    return
  }
}

#map = affine_map<(d0, d1) -> (0, 0)>
module attributes {stable_mosaic.version = 14 : i64} {
  func.func @k(%arg0: i32, %arg1: i32, %arg2: memref<800000x64xf32, #tpu.memory_space<hbm>>, %arg3: memref<6400x128xi32, #tpu.memory_space<hbm>>, %arg4: memref<50000x64xf32, #tpu.memory_space<hbm>>, %arg5: memref<50x128xi32, #tpu.memory_space<vmem>>, %arg6: memref<128x32xf32, #tpu.memory_space<vmem>>, %arg7: memref<128x32xf32, #tpu.memory_space<vmem>>, %arg8: memref<125x32xf32, #tpu.memory_space<vmem>>, %arg9: memref<50000x32xf32, #tpu.memory_space<vmem_shared>>, %arg10: memref<!tpu.dma_semaphore, #tpu.memory_space<semaphore_mem>>, %arg11: memref<!tpu.dma_semaphore, #tpu.memory_space<semaphore_mem>>) attributes {dimension_semantics = [#tpu.dimension_semantics<core_parallel>, #tpu.dimension_semantics<subcore_parallel>], iteration_bounds = array<i64: 2, 16>, scalar_prefetch = 0 : i64, scratch_operands = 7 : i64, tpu.core_type = #tpu.core_type<sc_vector_subcore>, window_params = [{transform_indices = #map}, {transform_indices = #map}, {transform_indices = #map}]} {
    %mul3A = arith.constant 32 : i32
    %mul3A_0 = arith.muli %arg0, %mul3A : i32
    %mul3A_1 = arith.constant 400 : i32
    %mul3A_2 = arith.muli %arg1, %mul3A_1 : i32
    %sub3A = arith.constant 6250 : i32
    %sub3A_3 = arith.subi %sub3A, %mul3A_2 : i32
    %jit3A = arith.constant 0 : i32
    %jit3A_4 = arith.constant 400 : i32
    %max3A = arith.maxsi %jit3A, %sub3A_3 : i32
    %min3A = arith.minsi %jit3A_4, %max3A : i32
    %scan3A = arith.constant 0 : i32
    %scan3A_5 = arith.constant 125 : i32
    %scan3A_6 = arith.addi %scan3A, %scan3A_5 : i32
    %scan3A_7 = arith.constant 1 : i32
    scf.for %scan3A_25 = %scan3A to %scan3A_6 step %scan3A_7  : i32 {
      %broadcast_in_dim3A = arith.constant 0.000000e+00 : f32
      %broadcast_in_dim3A_26 = vector.broadcast %broadcast_in_dim3A : f32 to vector<16xf32>
      %swap3A = arith.index_cast %scan3A_25 : i32 to index
      %swap3A_27 = arith.constant 0 : index
      %swap3A_28 = tpu.vector_load %arg8[%swap3A, %swap3A_27] {strides = array<i32>} : memref<125x32xf32, #tpu.memory_space<vmem>>, vector<1x16xf32>,
      %swap3A_29 = vector.shape_cast %swap3A_28 : vector<1x16xf32> to vector<16xf32>
      %swap3A_30 = vector.shape_cast %broadcast_in_dim3A_26 : vector<16xf32> to vector<1x16xf32>
      tpu.vector_store %arg8[%swap3A, %swap3A_27], %swap3A_30 {strides = array<i32>} : memref<125x32xf32, #tpu.memory_space<vmem>>, vector<1x16xf32>,
      %broadcast_in_dim3A_31 = arith.constant 0.000000e+00 : f32
      %broadcast_in_dim3A_32 = vector.broadcast %broadcast_in_dim3A_31 : f32 to vector<16xf32>
      %swap3A_33 = arith.index_cast %scan3A_25 : i32 to index
      %swap3A_34 = arith.constant 16 : index
      %swap3A_35 = tpu.vector_load %arg8[%swap3A_33, %swap3A_34] {strides = array<i32>} : memref<125x32xf32, #tpu.memory_space<vmem>>, vector<1x16xf32>,
      %swap3A_36 = vector.shape_cast %swap3A_35 : vector<1x16xf32> to vector<16xf32>
      %swap3A_37 = vector.shape_cast %broadcast_in_dim3A_32 : vector<16xf32> to vector<1x16xf32>
      tpu.vector_store %arg8[%swap3A_33, %swap3A_34], %swap3A_37 {strides = array<i32>} : memref<125x32xf32, #tpu.memory_space<vmem>>, vector<1x16xf32>,
    }
    %scan3A_8 = arith.constant 125 : i32
    %scan3A_9 = arith.constant 0 : i32
    %scan3A_10 = arith.constant 25 : i32
    %scan3A_11 = arith.addi %scan3A_9, %scan3A_10 : i32
    %scan3A_12 = arith.constant 1 : i32
    scf.for %scan3A_25 = %scan3A_9 to %scan3A_11 step %scan3A_12  : i32 {
      %mul3A_26 = arith.constant 3125 : i32
      %mul3A_27 = arith.muli %arg1, %mul3A_26 : i32
      %mul3A_28 = arith.constant 125 : i32
      %mul3A_29 = arith.muli %scan3A_25, %mul3A_28 : i32
      %add3A = arith.addi %mul3A_27, %mul3A_29 : i32
      "tpu.region"() ({
        %run_scoped3A = tpu.sem_alloc : memref<!tpu.dma_semaphore, #tpu.memory_space<semaphore_mem>>
        %dma_start3A = arith.constant 0 : i32
        %dma_start3A_30 = tpu.memref_slice %arg9[%add3A, %dma_start3A] : memref<50000x32xf32, #tpu.memory_space<vmem_shared>> -> memref<125x32xf32, #tpu.memory_space<vmem_shared>>
        %dma_start3A_31 = arith.constant 0 : i32
        %dma_start3A_32 = tpu.memref_slice %arg9[%add3A, %dma_start3A_31] : memref<50000x32xf32, #tpu.memory_space<vmem_shared>> -> memref<125x32xf32, #tpu.memory_space<vmem_shared>>
        tpu.enqueue_dma source(%arg8 : memref<125x32xf32, #tpu.memory_space<vmem>>) target(%dma_start3A_32 : memref<125x32xf32, #tpu.memory_space<vmem_shared>>) target_semaphore(%run_scoped3A : memref<!tpu.dma_semaphore, #tpu.memory_space<semaphore_mem>>)
        %dma_wait3A = arith.constant 0 : i32
        %dma_wait3A_33 = tpu.memref_slice %arg9[%add3A, %dma_wait3A] : memref<50000x32xf32, #tpu.memory_space<vmem_shared>> -> memref<125x32xf32, #tpu.memory_space<vmem_shared>>
        %dma_wait3A_34 = arith.constant 0 : i32
        %dma_wait3A_35 = tpu.memref_slice %arg9[%add3A, %dma_wait3A_34] : memref<50000x32xf32, #tpu.memory_space<vmem_shared>> -> memref<125x32xf32, #tpu.memory_space<vmem_shared>>
        tpu.wait_dma2 semaphore(%run_scoped3A : memref<!tpu.dma_semaphore, #tpu.memory_space<semaphore_mem>>) src(%arg8 : memref<125x32xf32, #tpu.memory_space<vmem>>) dst(%dma_wait3A_35 : memref<125x32xf32, #tpu.memory_space<vmem_shared>>)
        tpu.yield
      }) : () -> ()
    }
    %scan3A_13 = arith.constant 25 : i32
    %barrier3A = arith.constant 0 : index
    tpu.barrier barrier_id(%barrier3A)
    %scan3A_14 = arith.constant 0 : i32
    %scan3A_15 = arith.constant 8 : i32
    %scan3A_16 = arith.addi %scan3A_14, %scan3A_15 : i32
    %scan3A_17 = arith.constant 1 : i32
    scf.for %scan3A_25 = %scan3A_14 to %scan3A_16 step %scan3A_17  : i32 {
      %mul3A_26 = arith.constant 50 : i32
      %mul3A_27 = arith.muli %scan3A_25, %mul3A_26 : i32
      %add3A = arith.addi %mul3A_2, %mul3A_27 : i32
      "tpu.region"() ({
        %run_scoped3A = tpu.sem_alloc : memref<!tpu.dma_semaphore, #tpu.memory_space<semaphore_mem>>
        %dma_start3A = arith.constant 0 : i32
        %dma_start3A_33 = tpu.memref_slice %arg3[%add3A, %dma_start3A] : memref<6400x128xi32, #tpu.memory_space<hbm>> -> memref<50x128xi32, #tpu.memory_space<hbm>>
        %dma_start3A_34 = arith.constant 0 : i32
        %dma_start3A_35 = tpu.memref_slice %arg3[%add3A, %dma_start3A_34] : memref<6400x128xi32, #tpu.memory_space<hbm>> -> memref<50x128xi32, #tpu.memory_space<hbm>>
        tpu.enqueue_dma source(%dma_start3A_35 : memref<50x128xi32, #tpu.memory_space<hbm>>) target(%arg5 : memref<50x128xi32, #tpu.memory_space<vmem>>) target_semaphore(%run_scoped3A : memref<!tpu.dma_semaphore, #tpu.memory_space<semaphore_mem>>)
        %dma_wait3A = arith.constant 0 : i32
        %dma_wait3A_36 = tpu.memref_slice %arg3[%add3A, %dma_wait3A] : memref<6400x128xi32, #tpu.memory_space<hbm>> -> memref<50x128xi32, #tpu.memory_space<hbm>>
        %dma_wait3A_37 = arith.constant 0 : i32
        %dma_wait3A_38 = tpu.memref_slice %arg3[%add3A, %dma_wait3A_37] : memref<6400x128xi32, #tpu.memory_space<hbm>> -> memref<50x128xi32, #tpu.memory_space<hbm>>
        tpu.wait_dma2 semaphore(%run_scoped3A : memref<!tpu.dma_semaphore, #tpu.memory_space<semaphore_mem>>) src(%dma_wait3A_38 : memref<50x128xi32, #tpu.memory_space<hbm>>) dst(%arg5 : memref<50x128xi32, #tpu.memory_space<vmem>>)
        tpu.yield
      }) : () -> ()
      %scan3A_28 = arith.constant 0 : i32
      %scan3A_29 = arith.constant 25 : i32
      %scan3A_30 = arith.addi %scan3A_28, %scan3A_29 : i32
      %scan3A_31 = arith.constant 1 : i32
      scf.for %scan3A_33 = %scan3A_28 to %scan3A_30 step %scan3A_31  : i32 {
        %mul3A_34 = arith.constant 50 : i32
        %mul3A_35 = arith.muli %scan3A_25, %mul3A_34 : i32
        %mul3A_36 = arith.constant 2 : i32
        %mul3A_37 = arith.muli %mul3A_36, %scan3A_33 : i32
        %add3A_38 = arith.addi %mul3A_35, %mul3A_37 : i32
        %mul3A_39 = arith.constant 50 : i32
        %mul3A_40 = arith.muli %scan3A_25, %mul3A_39 : i32
        %mul3A_41 = arith.constant 2 : i32
        %mul3A_42 = arith.muli %mul3A_41, %scan3A_33 : i32
        %add3A_43 = arith.addi %mul3A_40, %mul3A_42 : i32
        %add3A_44 = arith.constant 1 : i32
        %add3A_45 = arith.addi %add3A_43, %add3A_44 : i32
        %mul3A_46 = arith.constant 2 : i32
        %mul3A_47 = arith.muli %mul3A_46, %scan3A_33 : i32
        %mul3A_48 = arith.constant 2 : i32
        %mul3A_49 = arith.muli %mul3A_48, %scan3A_33 : i32
        %add3A_50 = arith.constant 1 : i32
        %add3A_51 = arith.addi %mul3A_49, %add3A_50 : i32
        %lt3A = arith.cmpi slt, %add3A_38, %min3A : i32
        %convert_element_type3A = arith.extui %lt3A : i1 to i32
        %cond3A = arith.constant 0 : i32
        %cond3A_52 = arith.cmpi ne, %convert_element_type3A, %cond3A : i32
        scf.if %cond3A_52 {
          %add3A_65 = arith.addi %mul3A_2, %add3A_38 : i32
          %mul3A_66 = arith.constant 128 : i32
          %mul3A_67 = arith.muli %add3A_65, %mul3A_66 : i32
          %dma_start3A = tpu.memref_slice %arg2[%mul3A_67, %mul3A_0] : memref<800000x64xf32, #tpu.memory_space<hbm>> -> memref<128x32xf32, #tpu.memory_space<hbm>>
          %dma_start3A_68 = tpu.memref_slice %arg2[%mul3A_67, %mul3A_0] : memref<800000x64xf32, #tpu.memory_space<hbm>> -> memref<128x32xf32, #tpu.memory_space<hbm>>
          tpu.enqueue_dma source(%dma_start3A_68 : memref<128x32xf32, #tpu.memory_space<hbm>>) target(%arg6 : memref<128x32xf32, #tpu.memory_space<vmem>>) target_semaphore(%arg10 : memref<!tpu.dma_semaphore, #tpu.memory_space<semaphore_mem>>)
        } else {
        }
        %lt3A_53 = arith.cmpi slt, %add3A_45, %min3A : i32
        %convert_element_type3A_54 = arith.extui %lt3A_53 : i1 to i32
        %cond3A_55 = arith.constant 0 : i32
        %cond3A_56 = arith.cmpi ne, %convert_element_type3A_54, %cond3A_55 : i32
        scf.if %cond3A_56 {
          %add3A_65 = arith.addi %mul3A_2, %add3A_45 : i32
          %mul3A_66 = arith.constant 128 : i32
          %mul3A_67 = arith.muli %add3A_65, %mul3A_66 : i32
          %dma_start3A = tpu.memref_slice %arg2[%mul3A_67, %mul3A_0] : memref<800000x64xf32, #tpu.memory_space<hbm>> -> memref<128x32xf32, #tpu.memory_space<hbm>>
          %dma_start3A_68 = tpu.memref_slice %arg2[%mul3A_67, %mul3A_0] : memref<800000x64xf32, #tpu.memory_space<hbm>> -> memref<128x32xf32, #tpu.memory_space<hbm>>
          tpu.enqueue_dma source(%dma_start3A_68 : memref<128x32xf32, #tpu.memory_space<hbm>>) target(%arg7 : memref<128x32xf32, #tpu.memory_space<vmem>>) target_semaphore(%arg11 : memref<!tpu.dma_semaphore, #tpu.memory_space<semaphore_mem>>)
        } else {
        }
        %lt3A_57 = arith.cmpi slt, %add3A_38, %min3A : i32
        %convert_element_type3A_58 = arith.extui %lt3A_57 : i1 to i32
        %cond3A_59 = arith.constant 0 : i32
        %cond3A_60 = arith.cmpi ne, %convert_element_type3A_58, %cond3A_59 : i32
        scf.if %cond3A_60 {
          %add3A_65 = arith.addi %mul3A_2, %add3A_38 : i32
          %mul3A_66 = arith.constant 128 : i32
          %mul3A_67 = arith.muli %add3A_65, %mul3A_66 : i32
          %dma_wait3A = tpu.memref_slice %arg2[%mul3A_67, %mul3A_0] : memref<800000x64xf32, #tpu.memory_space<hbm>> -> memref<128x32xf32, #tpu.memory_space<hbm>>
          %dma_wait3A_68 = tpu.memref_slice %arg2[%mul3A_67, %mul3A_0] : memref<800000x64xf32, #tpu.memory_space<hbm>> -> memref<128x32xf32, #tpu.memory_space<hbm>>
          tpu.wait_dma2 semaphore(%arg10 : memref<!tpu.dma_semaphore, #tpu.memory_space<semaphore_mem>>) src(%dma_wait3A_68 : memref<128x32xf32, #tpu.memory_space<hbm>>) dst(%arg6 : memref<128x32xf32, #tpu.memory_space<vmem>>)
          "tpu.region"() ({
            %run_scoped3A = tpu.sem_alloc : memref<!tpu.dma_semaphore, #tpu.memory_space<semaphore_mem>>
            %dma_start3A = arith.constant 0 : i32
            %dma_start3A_69 = tpu.memref_slice %arg5[%mul3A_47, %dma_start3A] : memref<50x128xi32, #tpu.memory_space<vmem>> -> memref<1x128xi32, #tpu.memory_space<vmem>>
            %dma_start3A_70 = tpu.memref_squeeze %dma_start3A_69 : memref<1x128xi32, #tpu.memory_space<vmem>> -> memref<128xi32, #tpu.memory_space<vmem>>
            %dma_start3A_71 = arith.constant 0 : i32
            %dma_start3A_72 = arith.constant 0 : i32
            %dma_start3A_73 = tpu.memref_slice %arg9[%dma_start3A_71, %dma_start3A_72] : memref<50000x32xf32, #tpu.memory_space<vmem_shared>> -> memref<50000x32xf32, #tpu.memory_space<vmem_shared>>
            tpu.enqueue_indirect_dma source(%arg6 : memref<128x32xf32, #tpu.memory_space<vmem>>) target(%dma_start3A_73 : memref<50000x32xf32, #tpu.memory_space<vmem_shared>>) offsets(%dma_start3A_70 : memref<128xi32, #tpu.memory_space<vmem>>) semaphore(%run_scoped3A : memref<!tpu.dma_semaphore, #tpu.memory_space<semaphore_mem>>) {add = true}
            %dma_wait3A_74 = arith.constant 0 : i32
            %dma_wait3A_75 = tpu.memref_slice %arg5[%mul3A_47, %dma_wait3A_74] : memref<50x128xi32, #tpu.memory_space<vmem>> -> memref<1x128xi32, #tpu.memory_space<vmem>>
            %dma_wait3A_76 = tpu.memref_squeeze %dma_wait3A_75 : memref<1x128xi32, #tpu.memory_space<vmem>> -> memref<128xi32, #tpu.memory_space<vmem>>
            %dma_wait3A_77 = arith.constant 0 : i32
            %dma_wait3A_78 = arith.constant 0 : i32
            %dma_wait3A_79 = tpu.memref_slice %arg9[%dma_wait3A_77, %dma_wait3A_78] : memref<50000x32xf32, #tpu.memory_space<vmem_shared>> -> memref<50000x32xf32, #tpu.memory_space<vmem_shared>>
            tpu.wait_indirect_dma semaphore(%run_scoped3A : memref<!tpu.dma_semaphore, #tpu.memory_space<semaphore_mem>>) src(%arg6 : memref<128x32xf32, #tpu.memory_space<vmem>>) dst(%dma_wait3A_79 : memref<50000x32xf32, #tpu.memory_space<vmem_shared>>)
            tpu.yield
          }) : () -> ()
        } else {
        }
        %lt3A_61 = arith.cmpi slt, %add3A_45, %min3A : i32
        %convert_element_type3A_62 = arith.extui %lt3A_61 : i1 to i32
        %cond3A_63 = arith.constant 0 : i32
        %cond3A_64 = arith.cmpi ne, %convert_element_type3A_62, %cond3A_63 : i32
        scf.if %cond3A_64 {
          %add3A_65 = arith.addi %mul3A_2, %add3A_45 : i32
          %mul3A_66 = arith.constant 128 : i32
          %mul3A_67 = arith.muli %add3A_65, %mul3A_66 : i32
          %dma_wait3A = tpu.memref_slice %arg2[%mul3A_67, %mul3A_0] : memref<800000x64xf32, #tpu.memory_space<hbm>> -> memref<128x32xf32, #tpu.memory_space<hbm>>
          %dma_wait3A_68 = tpu.memref_slice %arg2[%mul3A_67, %mul3A_0] : memref<800000x64xf32, #tpu.memory_space<hbm>> -> memref<128x32xf32, #tpu.memory_space<hbm>>
          tpu.wait_dma2 semaphore(%arg11 : memref<!tpu.dma_semaphore, #tpu.memory_space<semaphore_mem>>) src(%dma_wait3A_68 : memref<128x32xf32, #tpu.memory_space<hbm>>) dst(%arg7 : memref<128x32xf32, #tpu.memory_space<vmem>>)
          "tpu.region"() ({
            %run_scoped3A = tpu.sem_alloc : memref<!tpu.dma_semaphore, #tpu.memory_space<semaphore_mem>>
            %dma_start3A = arith.constant 0 : i32
            %dma_start3A_69 = tpu.memref_slice %arg5[%add3A_51, %dma_start3A] : memref<50x128xi32, #tpu.memory_space<vmem>> -> memref<1x128xi32, #tpu.memory_space<vmem>>
            %dma_start3A_70 = tpu.memref_squeeze %dma_start3A_69 : memref<1x128xi32, #tpu.memory_space<vmem>> -> memref<128xi32, #tpu.memory_space<vmem>>
            %dma_start3A_71 = arith.constant 0 : i32
            %dma_start3A_72 = arith.constant 0 : i32
            %dma_start3A_73 = tpu.memref_slice %arg9[%dma_start3A_71, %dma_start3A_72] : memref<50000x32xf32, #tpu.memory_space<vmem_shared>> -> memref<50000x32xf32, #tpu.memory_space<vmem_shared>>
            tpu.enqueue_indirect_dma source(%arg7 : memref<128x32xf32, #tpu.memory_space<vmem>>) target(%dma_start3A_73 : memref<50000x32xf32, #tpu.memory_space<vmem_shared>>) offsets(%dma_start3A_70 : memref<128xi32, #tpu.memory_space<vmem>>) semaphore(%run_scoped3A : memref<!tpu.dma_semaphore, #tpu.memory_space<semaphore_mem>>) {add = true}
            %dma_wait3A_74 = arith.constant 0 : i32
            %dma_wait3A_75 = tpu.memref_slice %arg5[%add3A_51, %dma_wait3A_74] : memref<50x128xi32, #tpu.memory_space<vmem>> -> memref<1x128xi32, #tpu.memory_space<vmem>>
            %dma_wait3A_76 = tpu.memref_squeeze %dma_wait3A_75 : memref<1x128xi32, #tpu.memory_space<vmem>> -> memref<128xi32, #tpu.memory_space<vmem>>
            %dma_wait3A_77 = arith.constant 0 : i32
            %dma_wait3A_78 = arith.constant 0 : i32
            %dma_wait3A_79 = tpu.memref_slice %arg9[%dma_wait3A_77, %dma_wait3A_78] : memref<50000x32xf32, #tpu.memory_space<vmem_shared>> -> memref<50000x32xf32, #tpu.memory_space<vmem_shared>>
            tpu.wait_indirect_dma semaphore(%run_scoped3A : memref<!tpu.dma_semaphore, #tpu.memory_space<semaphore_mem>>) src(%arg7 : memref<128x32xf32, #tpu.memory_space<vmem>>) dst(%dma_wait3A_79 : memref<50000x32xf32, #tpu.memory_space<vmem_shared>>)
            tpu.yield
          }) : () -> ()
        } else {
        }
      }
      %scan3A_32 = arith.constant 25 : i32
    }
    %scan3A_18 = arith.constant 8 : i32
    %barrier3A_19 = arith.constant 0 : index
    tpu.barrier barrier_id(%barrier3A_19)
    %scan3A_20 = arith.constant 0 : i32
    %scan3A_21 = arith.constant 25 : i32
    %scan3A_22 = arith.addi %scan3A_20, %scan3A_21 : i32
    %scan3A_23 = arith.constant 1 : i32
    scf.for %scan3A_25 = %scan3A_20 to %scan3A_22 step %scan3A_23  : i32 {
      %mul3A_26 = arith.constant 3125 : i32
      %mul3A_27 = arith.muli %arg1, %mul3A_26 : i32
      %mul3A_28 = arith.constant 125 : i32
      %mul3A_29 = arith.muli %scan3A_25, %mul3A_28 : i32
      %add3A = arith.addi %mul3A_27, %mul3A_29 : i32
      "tpu.region"() ({
        %run_scoped3A = tpu.sem_alloc : memref<!tpu.dma_semaphore, #tpu.memory_space<semaphore_mem>>
        %dma_start3A = arith.constant 0 : i32
        %dma_start3A_30 = tpu.memref_slice %arg9[%add3A, %dma_start3A] : memref<50000x32xf32, #tpu.memory_space<vmem_shared>> -> memref<125x32xf32, #tpu.memory_space<vmem_shared>>
        %dma_start3A_31 = arith.constant 0 : i32
        %dma_start3A_32 = tpu.memref_slice %arg9[%add3A, %dma_start3A_31] : memref<50000x32xf32, #tpu.memory_space<vmem_shared>> -> memref<125x32xf32, #tpu.memory_space<vmem_shared>>
        tpu.enqueue_dma source(%dma_start3A_32 : memref<125x32xf32, #tpu.memory_space<vmem_shared>>) target(%arg8 : memref<125x32xf32, #tpu.memory_space<vmem>>) target_semaphore(%run_scoped3A : memref<!tpu.dma_semaphore, #tpu.memory_space<semaphore_mem>>)
        %dma_wait3A = arith.constant 0 : i32
        %dma_wait3A_33 = tpu.memref_slice %arg9[%add3A, %dma_wait3A] : memref<50000x32xf32, #tpu.memory_space<vmem_shared>> -> memref<125x32xf32, #tpu.memory_space<vmem_shared>>
        %dma_wait3A_34 = arith.constant 0 : i32
        %dma_wait3A_35 = tpu.memref_slice %arg9[%add3A, %dma_wait3A_34] : memref<50000x32xf32, #tpu.memory_space<vmem_shared>> -> memref<125x32xf32, #tpu.memory_space<vmem_shared>>
        tpu.wait_dma2 semaphore(%run_scoped3A : memref<!tpu.dma_semaphore, #tpu.memory_space<semaphore_mem>>) src(%dma_wait3A_35 : memref<125x32xf32, #tpu.memory_space<vmem_shared>>) dst(%arg8 : memref<125x32xf32, #tpu.memory_space<vmem>>)
        tpu.yield
      }) : () -> ()
      "tpu.region"() ({
        %run_scoped3A = tpu.sem_alloc : memref<!tpu.dma_semaphore, #tpu.memory_space<semaphore_mem>>
        %dma_start3A = tpu.memref_slice %arg4[%add3A, %mul3A_0] : memref<50000x64xf32, #tpu.memory_space<hbm>> -> memref<125x32xf32, #tpu.memory_space<hbm>>
        %dma_start3A_30 = tpu.memref_slice %arg4[%add3A, %mul3A_0] : memref<50000x64xf32, #tpu.memory_space<hbm>> -> memref<125x32xf32, #tpu.memory_space<hbm>>
        tpu.enqueue_dma source(%arg8 : memref<125x32xf32, #tpu.memory_space<vmem>>) target(%dma_start3A_30 : memref<125x32xf32, #tpu.memory_space<hbm>>) target_semaphore(%run_scoped3A : memref<!tpu.dma_semaphore, #tpu.memory_space<semaphore_mem>>)
        %dma_wait3A = tpu.memref_slice %arg4[%add3A, %mul3A_0] : memref<50000x64xf32, #tpu.memory_space<hbm>> -> memref<125x32xf32, #tpu.memory_space<hbm>>
        %dma_wait3A_31 = tpu.memref_slice %arg4[%add3A, %mul3A_0] : memref<50000x64xf32, #tpu.memory_space<hbm>> -> memref<125x32xf32, #tpu.memory_space<hbm>>
        tpu.wait_dma2 semaphore(%run_scoped3A : memref<!tpu.dma_semaphore, #tpu.memory_space<semaphore_mem>>) src(%arg8 : memref<125x32xf32, #tpu.memory_space<vmem>>) dst(%dma_wait3A_31 : memref<125x32xf32, #tpu.memory_space<hbm>>)
        tpu.yield
      }) : () -> ()
    }
    %scan3A_24 = arith.constant 25 : i32
    return
  }
}

#map = affine_map<(d0, d1) -> (0, 0)>
module attributes {stable_mosaic.version = 14 : i64} {
  func.func @k(%arg0: i32, %arg1: i32, %arg2: memref<800000x64xf32, #tpu.memory_space<hbm>>, %arg3: memref<6400x128xi32, #tpu.memory_space<hbm>>, %arg4: memref<50000x64xf32, #tpu.memory_space<hbm>>, %arg5: memref<50x128xi32, #tpu.memory_space<vmem>>, %arg6: memref<128x32xf32, #tpu.memory_space<vmem>>, %arg7: memref<128x32xf32, #tpu.memory_space<vmem>>, %arg8: memref<125x32xf32, #tpu.memory_space<vmem>>, %arg9: memref<50000x32xf32, #tpu.memory_space<vmem_shared>>, %arg10: memref<!tpu.dma_semaphore, #tpu.memory_space<semaphore_mem>>, %arg11: memref<!tpu.dma_semaphore, #tpu.memory_space<semaphore_mem>>) attributes {dimension_semantics = [#tpu.dimension_semantics<core_parallel>, #tpu.dimension_semantics<subcore_parallel>], iteration_bounds = array<i64: 2, 16>, scalar_prefetch = 0 : i64, scratch_operands = 7 : i64, tpu.core_type = #tpu.core_type<sc_vector_subcore>, window_params = [{transform_indices = #map}, {transform_indices = #map}, {transform_indices = #map}]} {
    %mul3A = arith.constant 32 : i32
    %mul3A_0 = arith.muli %arg0, %mul3A : i32
    %mul3A_1 = arith.constant 400 : i32
    %mul3A_2 = arith.muli %arg1, %mul3A_1 : i32
    %sub3A = arith.constant 6250 : i32
    %sub3A_3 = arith.subi %sub3A, %mul3A_2 : i32
    %jit3A = arith.constant 0 : i32
    %jit3A_4 = arith.constant 400 : i32
    %max3A = arith.maxsi %jit3A, %sub3A_3 : i32
    %min3A = arith.minsi %jit3A_4, %max3A : i32
    %scan3A = arith.constant 0 : i32
    %scan3A_5 = arith.constant 125 : i32
    %scan3A_6 = arith.addi %scan3A, %scan3A_5 : i32
    %scan3A_7 = arith.constant 1 : i32
    scf.for %scan3A_25 = %scan3A to %scan3A_6 step %scan3A_7  : i32 {
      %broadcast_in_dim3A = arith.constant 0.000000e+00 : f32
      %broadcast_in_dim3A_26 = vector.broadcast %broadcast_in_dim3A : f32 to vector<16xf32>
      %swap3A = arith.index_cast %scan3A_25 : i32 to index
      %swap3A_27 = arith.constant 0 : index
      %swap3A_28 = tpu.vector_load %arg8[%swap3A, %swap3A_27] {strides = array<i32>} : memref<125x32xf32, #tpu.memory_space<vmem>>, vector<1x16xf32>,
      %swap3A_29 = vector.shape_cast %swap3A_28 : vector<1x16xf32> to vector<16xf32>
      %swap3A_30 = vector.shape_cast %broadcast_in_dim3A_26 : vector<16xf32> to vector<1x16xf32>
      tpu.vector_store %arg8[%swap3A, %swap3A_27], %swap3A_30 {strides = array<i32>} : memref<125x32xf32, #tpu.memory_space<vmem>>, vector<1x16xf32>,
      %broadcast_in_dim3A_31 = arith.constant 0.000000e+00 : f32
      %broadcast_in_dim3A_32 = vector.broadcast %broadcast_in_dim3A_31 : f32 to vector<16xf32>
      %swap3A_33 = arith.index_cast %scan3A_25 : i32 to index
      %swap3A_34 = arith.constant 16 : index
      %swap3A_35 = tpu.vector_load %arg8[%swap3A_33, %swap3A_34] {strides = array<i32>} : memref<125x32xf32, #tpu.memory_space<vmem>>, vector<1x16xf32>,
      %swap3A_36 = vector.shape_cast %swap3A_35 : vector<1x16xf32> to vector<16xf32>
      %swap3A_37 = vector.shape_cast %broadcast_in_dim3A_32 : vector<16xf32> to vector<1x16xf32>
      tpu.vector_store %arg8[%swap3A_33, %swap3A_34], %swap3A_37 {strides = array<i32>} : memref<125x32xf32, #tpu.memory_space<vmem>>, vector<1x16xf32>,
    }
    %scan3A_8 = arith.constant 125 : i32
    %scan3A_9 = arith.constant 0 : i32
    %scan3A_10 = arith.constant 25 : i32
    %scan3A_11 = arith.addi %scan3A_9, %scan3A_10 : i32
    %scan3A_12 = arith.constant 1 : i32
    scf.for %scan3A_25 = %scan3A_9 to %scan3A_11 step %scan3A_12  : i32 {
      %mul3A_26 = arith.constant 3125 : i32
      %mul3A_27 = arith.muli %arg1, %mul3A_26 : i32
      %mul3A_28 = arith.constant 125 : i32
      %mul3A_29 = arith.muli %scan3A_25, %mul3A_28 : i32
      %add3A = arith.addi %mul3A_27, %mul3A_29 : i32
      "tpu.region"() ({
        %run_scoped3A = tpu.sem_alloc : memref<!tpu.dma_semaphore, #tpu.memory_space<semaphore_mem>>
        %dma_start3A = arith.constant 0 : i32
        %dma_start3A_30 = tpu.memref_slice %arg9[%add3A, %dma_start3A] : memref<50000x32xf32, #tpu.memory_space<vmem_shared>> -> memref<125x32xf32, #tpu.memory_space<vmem_shared>>
        %dma_start3A_31 = arith.constant 0 : i32
        %dma_start3A_32 = tpu.memref_slice %arg9[%add3A, %dma_start3A_31] : memref<50000x32xf32, #tpu.memory_space<vmem_shared>> -> memref<125x32xf32, #tpu.memory_space<vmem_shared>>
        tpu.enqueue_dma source(%arg8 : memref<125x32xf32, #tpu.memory_space<vmem>>) target(%dma_start3A_32 : memref<125x32xf32, #tpu.memory_space<vmem_shared>>) target_semaphore(%run_scoped3A : memref<!tpu.dma_semaphore, #tpu.memory_space<semaphore_mem>>)
        %dma_wait3A = arith.constant 0 : i32
        %dma_wait3A_33 = tpu.memref_slice %arg9[%add3A, %dma_wait3A] : memref<50000x32xf32, #tpu.memory_space<vmem_shared>> -> memref<125x32xf32, #tpu.memory_space<vmem_shared>>
        %dma_wait3A_34 = arith.constant 0 : i32
        %dma_wait3A_35 = tpu.memref_slice %arg9[%add3A, %dma_wait3A_34] : memref<50000x32xf32, #tpu.memory_space<vmem_shared>> -> memref<125x32xf32, #tpu.memory_space<vmem_shared>>
        tpu.wait_dma2 semaphore(%run_scoped3A : memref<!tpu.dma_semaphore, #tpu.memory_space<semaphore_mem>>) src(%arg8 : memref<125x32xf32, #tpu.memory_space<vmem>>) dst(%dma_wait3A_35 : memref<125x32xf32, #tpu.memory_space<vmem_shared>>)
        tpu.yield
      }) : () -> ()
    }
    %scan3A_13 = arith.constant 25 : i32
    %barrier3A = arith.constant 0 : index
    tpu.barrier barrier_id(%barrier3A)
    %scan3A_14 = arith.constant 0 : i32
    %scan3A_15 = arith.constant 8 : i32
    %scan3A_16 = arith.addi %scan3A_14, %scan3A_15 : i32
    %scan3A_17 = arith.constant 1 : i32
    scf.for %scan3A_25 = %scan3A_14 to %scan3A_16 step %scan3A_17  : i32 {
      %mul3A_26 = arith.constant 50 : i32
      %mul3A_27 = arith.muli %scan3A_25, %mul3A_26 : i32
      %add3A = arith.addi %mul3A_2, %mul3A_27 : i32
      "tpu.region"() ({
        %run_scoped3A = tpu.sem_alloc : memref<!tpu.dma_semaphore, #tpu.memory_space<semaphore_mem>>
        %dma_start3A = arith.constant 0 : i32
        %dma_start3A_33 = tpu.memref_slice %arg3[%add3A, %dma_start3A] : memref<6400x128xi32, #tpu.memory_space<hbm>> -> memref<50x128xi32, #tpu.memory_space<hbm>>
        %dma_start3A_34 = arith.constant 0 : i32
        %dma_start3A_35 = tpu.memref_slice %arg3[%add3A, %dma_start3A_34] : memref<6400x128xi32, #tpu.memory_space<hbm>> -> memref<50x128xi32, #tpu.memory_space<hbm>>
        tpu.enqueue_dma source(%dma_start3A_35 : memref<50x128xi32, #tpu.memory_space<hbm>>) target(%arg5 : memref<50x128xi32, #tpu.memory_space<vmem>>) target_semaphore(%run_scoped3A : memref<!tpu.dma_semaphore, #tpu.memory_space<semaphore_mem>>)
        %dma_wait3A = arith.constant 0 : i32
        %dma_wait3A_36 = tpu.memref_slice %arg3[%add3A, %dma_wait3A] : memref<6400x128xi32, #tpu.memory_space<hbm>> -> memref<50x128xi32, #tpu.memory_space<hbm>>
        %dma_wait3A_37 = arith.constant 0 : i32
        %dma_wait3A_38 = tpu.memref_slice %arg3[%add3A, %dma_wait3A_37] : memref<6400x128xi32, #tpu.memory_space<hbm>> -> memref<50x128xi32, #tpu.memory_space<hbm>>
        tpu.wait_dma2 semaphore(%run_scoped3A : memref<!tpu.dma_semaphore, #tpu.memory_space<semaphore_mem>>) src(%dma_wait3A_38 : memref<50x128xi32, #tpu.memory_space<hbm>>) dst(%arg5 : memref<50x128xi32, #tpu.memory_space<vmem>>)
        tpu.yield
      }) : () -> ()
      %scan3A_28 = arith.constant 0 : i32
      %scan3A_29 = arith.constant 25 : i32
      %scan3A_30 = arith.addi %scan3A_28, %scan3A_29 : i32
      %scan3A_31 = arith.constant 1 : i32
      scf.for %scan3A_33 = %scan3A_28 to %scan3A_30 step %scan3A_31  : i32 {
        %mul3A_34 = arith.constant 50 : i32
        %mul3A_35 = arith.muli %scan3A_25, %mul3A_34 : i32
        %mul3A_36 = arith.constant 2 : i32
        %mul3A_37 = arith.muli %mul3A_36, %scan3A_33 : i32
        %add3A_38 = arith.addi %mul3A_35, %mul3A_37 : i32
        %mul3A_39 = arith.constant 50 : i32
        %mul3A_40 = arith.muli %scan3A_25, %mul3A_39 : i32
        %mul3A_41 = arith.constant 2 : i32
        %mul3A_42 = arith.muli %mul3A_41, %scan3A_33 : i32
        %add3A_43 = arith.addi %mul3A_40, %mul3A_42 : i32
        %add3A_44 = arith.constant 1 : i32
        %add3A_45 = arith.addi %add3A_43, %add3A_44 : i32
        %mul3A_46 = arith.constant 2 : i32
        %mul3A_47 = arith.muli %mul3A_46, %scan3A_33 : i32
        %mul3A_48 = arith.constant 2 : i32
        %mul3A_49 = arith.muli %mul3A_48, %scan3A_33 : i32
        %add3A_50 = arith.constant 1 : i32
        %add3A_51 = arith.addi %mul3A_49, %add3A_50 : i32
        %lt3A = arith.cmpi slt, %add3A_38, %min3A : i32
        %convert_element_type3A = arith.extui %lt3A : i1 to i32
        %cond3A = arith.constant 0 : i32
        %cond3A_52 = arith.cmpi ne, %convert_element_type3A, %cond3A : i32
        scf.if %cond3A_52 {
          %add3A_65 = arith.addi %mul3A_2, %add3A_38 : i32
          %mul3A_66 = arith.constant 128 : i32
          %mul3A_67 = arith.muli %add3A_65, %mul3A_66 : i32
          %dma_start3A = tpu.memref_slice %arg2[%mul3A_67, %mul3A_0] : memref<800000x64xf32, #tpu.memory_space<hbm>> -> memref<128x32xf32, #tpu.memory_space<hbm>>
          %dma_start3A_68 = tpu.memref_slice %arg2[%mul3A_67, %mul3A_0] : memref<800000x64xf32, #tpu.memory_space<hbm>> -> memref<128x32xf32, #tpu.memory_space<hbm>>
          tpu.enqueue_dma source(%dma_start3A_68 : memref<128x32xf32, #tpu.memory_space<hbm>>) target(%arg6 : memref<128x32xf32, #tpu.memory_space<vmem>>) target_semaphore(%arg10 : memref<!tpu.dma_semaphore, #tpu.memory_space<semaphore_mem>>)
        } else {
        }
        %lt3A_53 = arith.cmpi slt, %add3A_45, %min3A : i32
        %convert_element_type3A_54 = arith.extui %lt3A_53 : i1 to i32
        %cond3A_55 = arith.constant 0 : i32
        %cond3A_56 = arith.cmpi ne, %convert_element_type3A_54, %cond3A_55 : i32
        scf.if %cond3A_56 {
          %add3A_65 = arith.addi %mul3A_2, %add3A_45 : i32
          %mul3A_66 = arith.constant 128 : i32
          %mul3A_67 = arith.muli %add3A_65, %mul3A_66 : i32
          %dma_start3A = tpu.memref_slice %arg2[%mul3A_67, %mul3A_0] : memref<800000x64xf32, #tpu.memory_space<hbm>> -> memref<128x32xf32, #tpu.memory_space<hbm>>
          %dma_start3A_68 = tpu.memref_slice %arg2[%mul3A_67, %mul3A_0] : memref<800000x64xf32, #tpu.memory_space<hbm>> -> memref<128x32xf32, #tpu.memory_space<hbm>>
          tpu.enqueue_dma source(%dma_start3A_68 : memref<128x32xf32, #tpu.memory_space<hbm>>) target(%arg7 : memref<128x32xf32, #tpu.memory_space<vmem>>) target_semaphore(%arg11 : memref<!tpu.dma_semaphore, #tpu.memory_space<semaphore_mem>>)
        } else {
        }
        %lt3A_57 = arith.cmpi slt, %add3A_38, %min3A : i32
        %convert_element_type3A_58 = arith.extui %lt3A_57 : i1 to i32
        %cond3A_59 = arith.constant 0 : i32
        %cond3A_60 = arith.cmpi ne, %convert_element_type3A_58, %cond3A_59 : i32
        scf.if %cond3A_60 {
          %add3A_65 = arith.addi %mul3A_2, %add3A_38 : i32
          %mul3A_66 = arith.constant 128 : i32
          %mul3A_67 = arith.muli %add3A_65, %mul3A_66 : i32
          %dma_wait3A = tpu.memref_slice %arg2[%mul3A_67, %mul3A_0] : memref<800000x64xf32, #tpu.memory_space<hbm>> -> memref<128x32xf32, #tpu.memory_space<hbm>>
          %dma_wait3A_68 = tpu.memref_slice %arg2[%mul3A_67, %mul3A_0] : memref<800000x64xf32, #tpu.memory_space<hbm>> -> memref<128x32xf32, #tpu.memory_space<hbm>>
          tpu.wait_dma2 semaphore(%arg10 : memref<!tpu.dma_semaphore, #tpu.memory_space<semaphore_mem>>) src(%dma_wait3A_68 : memref<128x32xf32, #tpu.memory_space<hbm>>) dst(%arg6 : memref<128x32xf32, #tpu.memory_space<vmem>>)
          "tpu.region"() ({
            %run_scoped3A = tpu.sem_alloc : memref<!tpu.dma_semaphore, #tpu.memory_space<semaphore_mem>>
            %dma_start3A = arith.constant 0 : i32
            %dma_start3A_69 = tpu.memref_slice %arg5[%mul3A_47, %dma_start3A] : memref<50x128xi32, #tpu.memory_space<vmem>> -> memref<1x128xi32, #tpu.memory_space<vmem>>
            %dma_start3A_70 = tpu.memref_squeeze %dma_start3A_69 : memref<1x128xi32, #tpu.memory_space<vmem>> -> memref<128xi32, #tpu.memory_space<vmem>>
            %dma_start3A_71 = arith.constant 0 : i32
            %dma_start3A_72 = arith.constant 0 : i32
            %dma_start3A_73 = tpu.memref_slice %arg9[%dma_start3A_71, %dma_start3A_72] : memref<50000x32xf32, #tpu.memory_space<vmem_shared>> -> memref<50000x32xf32, #tpu.memory_space<vmem_shared>>
            tpu.enqueue_indirect_dma source(%arg6 : memref<128x32xf32, #tpu.memory_space<vmem>>) target(%dma_start3A_73 : memref<50000x32xf32, #tpu.memory_space<vmem_shared>>) offsets(%dma_start3A_70 : memref<128xi32, #tpu.memory_space<vmem>>) semaphore(%run_scoped3A : memref<!tpu.dma_semaphore, #tpu.memory_space<semaphore_mem>>) {add = true}
            %dma_wait3A_74 = arith.constant 0 : i32
            %dma_wait3A_75 = tpu.memref_slice %arg5[%mul3A_47, %dma_wait3A_74] : memref<50x128xi32, #tpu.memory_space<vmem>> -> memref<1x128xi32, #tpu.memory_space<vmem>>
            %dma_wait3A_76 = tpu.memref_squeeze %dma_wait3A_75 : memref<1x128xi32, #tpu.memory_space<vmem>> -> memref<128xi32, #tpu.memory_space<vmem>>
            %dma_wait3A_77 = arith.constant 0 : i32
            %dma_wait3A_78 = arith.constant 0 : i32
            %dma_wait3A_79 = tpu.memref_slice %arg9[%dma_wait3A_77, %dma_wait3A_78] : memref<50000x32xf32, #tpu.memory_space<vmem_shared>> -> memref<50000x32xf32, #tpu.memory_space<vmem_shared>>
            tpu.wait_indirect_dma semaphore(%run_scoped3A : memref<!tpu.dma_semaphore, #tpu.memory_space<semaphore_mem>>) src(%arg6 : memref<128x32xf32, #tpu.memory_space<vmem>>) dst(%dma_wait3A_79 : memref<50000x32xf32, #tpu.memory_space<vmem_shared>>)
            tpu.yield
          }) : () -> ()
        } else {
        }
        %lt3A_61 = arith.cmpi slt, %add3A_45, %min3A : i32
        %convert_element_type3A_62 = arith.extui %lt3A_61 : i1 to i32
        %cond3A_63 = arith.constant 0 : i32
        %cond3A_64 = arith.cmpi ne, %convert_element_type3A_62, %cond3A_63 : i32
        scf.if %cond3A_64 {
          %add3A_65 = arith.addi %mul3A_2, %add3A_45 : i32
          %mul3A_66 = arith.constant 128 : i32
          %mul3A_67 = arith.muli %add3A_65, %mul3A_66 : i32
          %dma_wait3A = tpu.memref_slice %arg2[%mul3A_67, %mul3A_0] : memref<800000x64xf32, #tpu.memory_space<hbm>> -> memref<128x32xf32, #tpu.memory_space<hbm>>
          %dma_wait3A_68 = tpu.memref_slice %arg2[%mul3A_67, %mul3A_0] : memref<800000x64xf32, #tpu.memory_space<hbm>> -> memref<128x32xf32, #tpu.memory_space<hbm>>
          tpu.wait_dma2 semaphore(%arg11 : memref<!tpu.dma_semaphore, #tpu.memory_space<semaphore_mem>>) src(%dma_wait3A_68 : memref<128x32xf32, #tpu.memory_space<hbm>>) dst(%arg7 : memref<128x32xf32, #tpu.memory_space<vmem>>)
          "tpu.region"() ({
            %run_scoped3A = tpu.sem_alloc : memref<!tpu.dma_semaphore, #tpu.memory_space<semaphore_mem>>
            %dma_start3A = arith.constant 0 : i32
            %dma_start3A_69 = tpu.memref_slice %arg5[%add3A_51, %dma_start3A] : memref<50x128xi32, #tpu.memory_space<vmem>> -> memref<1x128xi32, #tpu.memory_space<vmem>>
            %dma_start3A_70 = tpu.memref_squeeze %dma_start3A_69 : memref<1x128xi32, #tpu.memory_space<vmem>> -> memref<128xi32, #tpu.memory_space<vmem>>
            %dma_start3A_71 = arith.constant 0 : i32
            %dma_start3A_72 = arith.constant 0 : i32
            %dma_start3A_73 = tpu.memref_slice %arg9[%dma_start3A_71, %dma_start3A_72] : memref<50000x32xf32, #tpu.memory_space<vmem_shared>> -> memref<50000x32xf32, #tpu.memory_space<vmem_shared>>
            tpu.enqueue_indirect_dma source(%arg7 : memref<128x32xf32, #tpu.memory_space<vmem>>) target(%dma_start3A_73 : memref<50000x32xf32, #tpu.memory_space<vmem_shared>>) offsets(%dma_start3A_70 : memref<128xi32, #tpu.memory_space<vmem>>) semaphore(%run_scoped3A : memref<!tpu.dma_semaphore, #tpu.memory_space<semaphore_mem>>) {add = true}
            %dma_wait3A_74 = arith.constant 0 : i32
            %dma_wait3A_75 = tpu.memref_slice %arg5[%add3A_51, %dma_wait3A_74] : memref<50x128xi32, #tpu.memory_space<vmem>> -> memref<1x128xi32, #tpu.memory_space<vmem>>
            %dma_wait3A_76 = tpu.memref_squeeze %dma_wait3A_75 : memref<1x128xi32, #tpu.memory_space<vmem>> -> memref<128xi32, #tpu.memory_space<vmem>>
            %dma_wait3A_77 = arith.constant 0 : i32
            %dma_wait3A_78 = arith.constant 0 : i32
            %dma_wait3A_79 = tpu.memref_slice %arg9[%dma_wait3A_77, %dma_wait3A_78] : memref<50000x32xf32, #tpu.memory_space<vmem_shared>> -> memref<50000x32xf32, #tpu.memory_space<vmem_shared>>
            tpu.wait_indirect_dma semaphore(%run_scoped3A : memref<!tpu.dma_semaphore, #tpu.memory_space<semaphore_mem>>) src(%arg7 : memref<128x32xf32, #tpu.memory_space<vmem>>) dst(%dma_wait3A_79 : memref<50000x32xf32, #tpu.memory_space<vmem_shared>>)
            tpu.yield
          }) : () -> ()
        } else {
        }
      }
      %scan3A_32 = arith.constant 25 : i32
    }
    %scan3A_18 = arith.constant 8 : i32
    %barrier3A_19 = arith.constant 0 : index
    tpu.barrier barrier_id(%barrier3A_19)
    %scan3A_20 = arith.constant 0 : i32
    %scan3A_21 = arith.constant 25 : i32
    %scan3A_22 = arith.addi %scan3A_20, %scan3A_21 : i32
    %scan3A_23 = arith.constant 1 : i32
    scf.for %scan3A_25 = %scan3A_20 to %scan3A_22 step %scan3A_23  : i32 {
      %mul3A_26 = arith.constant 3125 : i32
      %mul3A_27 = arith.muli %arg1, %mul3A_26 : i32
      %mul3A_28 = arith.constant 125 : i32
      %mul3A_29 = arith.muli %scan3A_25, %mul3A_28 : i32
      %add3A = arith.addi %mul3A_27, %mul3A_29 : i32
      "tpu.region"() ({
        %run_scoped3A = tpu.sem_alloc : memref<!tpu.dma_semaphore, #tpu.memory_space<semaphore_mem>>
        %dma_start3A = arith.constant 0 : i32
        %dma_start3A_30 = tpu.memref_slice %arg9[%add3A, %dma_start3A] : memref<50000x32xf32, #tpu.memory_space<vmem_shared>> -> memref<125x32xf32, #tpu.memory_space<vmem_shared>>
        %dma_start3A_31 = arith.constant 0 : i32
        %dma_start3A_32 = tpu.memref_slice %arg9[%add3A, %dma_start3A_31] : memref<50000x32xf32, #tpu.memory_space<vmem_shared>> -> memref<125x32xf32, #tpu.memory_space<vmem_shared>>
        tpu.enqueue_dma source(%dma_start3A_32 : memref<125x32xf32, #tpu.memory_space<vmem_shared>>) target(%arg8 : memref<125x32xf32, #tpu.memory_space<vmem>>) target_semaphore(%run_scoped3A : memref<!tpu.dma_semaphore, #tpu.memory_space<semaphore_mem>>)
        %dma_wait3A = arith.constant 0 : i32
        %dma_wait3A_33 = tpu.memref_slice %arg9[%add3A, %dma_wait3A] : memref<50000x32xf32, #tpu.memory_space<vmem_shared>> -> memref<125x32xf32, #tpu.memory_space<vmem_shared>>
        %dma_wait3A_34 = arith.constant 0 : i32
        %dma_wait3A_35 = tpu.memref_slice %arg9[%add3A, %dma_wait3A_34] : memref<50000x32xf32, #tpu.memory_space<vmem_shared>> -> memref<125x32xf32, #tpu.memory_space<vmem_shared>>
        tpu.wait_dma2 semaphore(%run_scoped3A : memref<!tpu.dma_semaphore, #tpu.memory_space<semaphore_mem>>) src(%dma_wait3A_35 : memref<125x32xf32, #tpu.memory_space<vmem_shared>>) dst(%arg8 : memref<125x32xf32, #tpu.memory_space<vmem>>)
        tpu.yield
      }) : () -> ()
      "tpu.region"() ({
        %run_scoped3A = tpu.sem_alloc : memref<!tpu.dma_semaphore, #tpu.memory_space<semaphore_mem>>
        %dma_start3A = tpu.memref_slice %arg4[%add3A, %mul3A_0] : memref<50000x64xf32, #tpu.memory_space<hbm>> -> memref<125x32xf32, #tpu.memory_space<hbm>>
        %dma_start3A_30 = tpu.memref_slice %arg4[%add3A, %mul3A_0] : memref<50000x64xf32, #tpu.memory_space<hbm>> -> memref<125x32xf32, #tpu.memory_space<hbm>>
        tpu.enqueue_dma source(%arg8 : memref<125x32xf32, #tpu.memory_space<vmem>>) target(%dma_start3A_30 : memref<125x32xf32, #tpu.memory_space<hbm>>) target_semaphore(%run_scoped3A : memref<!tpu.dma_semaphore, #tpu.memory_space<semaphore_mem>>)
        %dma_wait3A = tpu.memref_slice %arg4[%add3A, %mul3A_0] : memref<50000x64xf32, #tpu.memory_space<hbm>> -> memref<125x32xf32, #tpu.memory_space<hbm>>
        %dma_wait3A_31 = tpu.memref_slice %arg4[%add3A, %mul3A_0] : memref<50000x64xf32, #tpu.memory_space<hbm>> -> memref<125x32xf32, #tpu.memory_space<hbm>>
        tpu.wait_dma2 semaphore(%run_scoped3A : memref<!tpu.dma_semaphore, #tpu.memory_space<semaphore_mem>>) src(%arg8 : memref<125x32xf32, #tpu.memory_space<vmem>>) dst(%dma_wait3A_31 : memref<125x32xf32, #tpu.memory_space<hbm>>)
        tpu.yield
      }) : () -> ()
    }
    %scan3A_24 = arith.constant 25 : i32
    return
  }
}

module attributes {stable_mosaic.version = 14 : i64} {
  func.func @_cond_tables_body(%arg0: memref<4x16xf32, #tpu.memory_space<vmem>>, %arg1: memref<16x64xf32, #tpu.memory_space<vmem>>, %arg2: memref<1x64xf32, #tpu.memory_space<vmem>>, %arg3: memref<64x64xf32, #tpu.memory_space<vmem>>, %arg4: memref<1x64xf32, #tpu.memory_space<vmem>>, %arg5: memref<256x64xf32, #tpu.memory_space<vmem>>, %arg6: memref<4x64xf32, #tpu.memory_space<vmem>>, %arg7: memref<16x64xf32, #tpu.memory_space<vmem>>) attributes {dimension_semantics = [], scalar_prefetch = 0 : i64, scratch_operands = 0 : i64, tpu.core_type = #tpu.core_type<tc>} {
    %get3A = arith.constant 0 : index
    %get3A_0 = arith.constant 0 : index
    %get3A_1 = vector.load %arg0[%get3A, %get3A_0] : memref<4x16xf32, #tpu.memory_space<vmem>>, vector<4x16xf32>
    %get3A_2 = arith.constant 0 : index
    %get3A_3 = arith.constant 0 : index
    %get3A_4 = vector.load %arg1[%get3A_2, %get3A_3] : memref<16x64xf32, #tpu.memory_space<vmem>>, vector<16x64xf32>
    %dot_general3A = arith.constant dense<0.000000e+00> : vector<4x64xf32>
    %dot_general3A_5 = tpu.matmul %get3A_1, %get3A_4, %dot_general3A {dimension_numbers = #tpu.dot_dimension_numbers<[1], [0], [0], [1], [0, 0, 1, 1], [], []>, transpose_lhs_hint = false} : vector<4x16xf32>, vector<16x64xf32>, vector<4x64xf32> -> vector<4x64xf32>
    %get3A_6 = arith.constant 0 : index
    %get3A_7 = arith.constant 0 : index
    %get3A_8 = vector.load %arg2[%get3A_6, %get3A_7] : memref<1x64xf32, #tpu.memory_space<vmem>>, vector<1x64xf32>
    %add3A = vector.broadcast %get3A_8 : vector<1x64xf32> to vector<4x64xf32>
    %add3A_9 = arith.addf %dot_general3A_5, %add3A : vector<4x64xf32>
    %max3A = arith.constant 0.000000e+00 : f32
    %max3A_10 = vector.broadcast %max3A : f32 to vector<4x64xf32>
    %max3A_11 = arith.maximumf %add3A_9, %max3A_10 : vector<4x64xf32>
    %get3A_12 = arith.constant 0 : index
    %get3A_13 = arith.constant 0 : index
    %get3A_14 = vector.load %arg3[%get3A_12, %get3A_13] : memref<64x64xf32, #tpu.memory_space<vmem>>, vector<64x64xf32>
    %dot_general3A_15 = arith.constant dense<0.000000e+00> : vector<4x64xf32>
    %dot_general3A_16 = tpu.matmul %max3A_11, %get3A_14, %dot_general3A_15 {dimension_numbers = #tpu.dot_dimension_numbers<[1], [0], [0], [1], [0, 0, 1, 1], [], []>, transpose_lhs_hint = false} : vector<4x64xf32>, vector<64x64xf32>, vector<4x64xf32> -> vector<4x64xf32>
    %get3A_17 = arith.constant 0 : index
    %get3A_18 = arith.constant 0 : index
    %get3A_19 = vector.load %arg4[%get3A_17, %get3A_18] : memref<1x64xf32, #tpu.memory_space<vmem>>, vector<1x64xf32>
    %add3A_20 = vector.broadcast %get3A_19 : vector<1x64xf32> to vector<4x64xf32>
    %add3A_21 = arith.addf %dot_general3A_16, %add3A_20 : vector<4x64xf32>
    %get3A_22 = arith.constant 0 : index
    %get3A_23 = arith.constant 0 : index
    %get3A_24 = vector.load %arg5[%get3A_22, %get3A_23] : memref<256x64xf32, #tpu.memory_space<vmem>>, vector<64x64xf32>
    %dot_general3A_25 = arith.constant dense<0.000000e+00> : vector<4x64xf32>
    %dot_general3A_26 = tpu.matmul %add3A_21, %get3A_24, %dot_general3A_25 {dimension_numbers = #tpu.dot_dimension_numbers<[1], [0], [0], [1], [0, 0, 1, 1], [], []>, transpose_lhs_hint = false} : vector<4x64xf32>, vector<64x64xf32>, vector<4x64xf32> -> vector<4x64xf32>
    %get3A_27 = arith.constant 0 : index
    %get3A_28 = arith.constant 0 : index
    %get3A_29 = vector.load %arg6[%get3A_27, %get3A_28] : memref<4x64xf32, #tpu.memory_space<vmem>>, vector<1x64xf32>
    %add3A_30 = vector.broadcast %get3A_29 : vector<1x64xf32> to vector<4x64xf32>
    %add3A_31 = arith.addf %dot_general3A_26, %add3A_30 : vector<4x64xf32>
    %swap3A = arith.constant 0 : index
    %swap3A_32 = arith.constant 0 : index
    %swap3A_33 = vector.load %arg7[%swap3A, %swap3A_32] : memref<16x64xf32, #tpu.memory_space<vmem>>, vector<4x64xf32>
    tpu.vector_store %arg7[%swap3A, %swap3A_32], %add3A_31 {strides = array<i32>} : memref<16x64xf32, #tpu.memory_space<vmem>>, vector<4x64xf32>,
    %get3A_34 = arith.constant 64 : index
    %get3A_35 = arith.constant 0 : index
    %get3A_36 = vector.load %arg5[%get3A_34, %get3A_35] : memref<256x64xf32, #tpu.memory_space<vmem>>, vector<64x64xf32>
    %dot_general3A_37 = arith.constant dense<0.000000e+00> : vector<4x64xf32>
    %dot_general3A_38 = tpu.matmul %add3A_21, %get3A_36, %dot_general3A_37 {dimension_numbers = #tpu.dot_dimension_numbers<[1], [0], [0], [1], [0, 0, 1, 1], [], []>, transpose_lhs_hint = false} : vector<4x64xf32>, vector<64x64xf32>, vector<4x64xf32> -> vector<4x64xf32>
    %get3A_39 = arith.constant 1 : index
    %get3A_40 = arith.constant 0 : index
    %get3A_41 = vector.load %arg6[%get3A_39, %get3A_40] : memref<4x64xf32, #tpu.memory_space<vmem>>, vector<1x64xf32>
    %add3A_42 = vector.broadcast %get3A_41 : vector<1x64xf32> to vector<4x64xf32>
    %add3A_43 = arith.addf %dot_general3A_38, %add3A_42 : vector<4x64xf32>
    %swap3A_44 = arith.constant 4 : index
    %swap3A_45 = arith.constant 0 : index
    %swap3A_46 = vector.load %arg7[%swap3A_44, %swap3A_45] : memref<16x64xf32, #tpu.memory_space<vmem>>, vector<4x64xf32>
    tpu.vector_store %arg7[%swap3A_44, %swap3A_45], %add3A_43 {strides = array<i32>} : memref<16x64xf32, #tpu.memory_space<vmem>>, vector<4x64xf32>,
    %get3A_47 = arith.constant 128 : index
    %get3A_48 = arith.constant 0 : index
    %get3A_49 = vector.load %arg5[%get3A_47, %get3A_48] : memref<256x64xf32, #tpu.memory_space<vmem>>, vector<64x64xf32>
    %dot_general3A_50 = arith.constant dense<0.000000e+00> : vector<4x64xf32>
    %dot_general3A_51 = tpu.matmul %add3A_21, %get3A_49, %dot_general3A_50 {dimension_numbers = #tpu.dot_dimension_numbers<[1], [0], [0], [1], [0, 0, 1, 1], [], []>, transpose_lhs_hint = false} : vector<4x64xf32>, vector<64x64xf32>, vector<4x64xf32> -> vector<4x64xf32>
    %get3A_52 = arith.constant 2 : index
    %get3A_53 = arith.constant 0 : index
    %get3A_54 = vector.load %arg6[%get3A_52, %get3A_53] : memref<4x64xf32, #tpu.memory_space<vmem>>, vector<1x64xf32>
    %add3A_55 = vector.broadcast %get3A_54 : vector<1x64xf32> to vector<4x64xf32>
    %add3A_56 = arith.addf %dot_general3A_51, %add3A_55 : vector<4x64xf32>
    %swap3A_57 = arith.constant 8 : index
    %swap3A_58 = arith.constant 0 : index
    %swap3A_59 = vector.load %arg7[%swap3A_57, %swap3A_58] : memref<16x64xf32, #tpu.memory_space<vmem>>, vector<4x64xf32>
    tpu.vector_store %arg7[%swap3A_57, %swap3A_58], %add3A_56 {strides = array<i32>} : memref<16x64xf32, #tpu.memory_space<vmem>>, vector<4x64xf32>,
    %get3A_60 = arith.constant 192 : index
    %get3A_61 = arith.constant 0 : index
    %get3A_62 = vector.load %arg5[%get3A_60, %get3A_61] : memref<256x64xf32, #tpu.memory_space<vmem>>, vector<64x64xf32>
    %dot_general3A_63 = arith.constant dense<0.000000e+00> : vector<4x64xf32>
    %dot_general3A_64 = tpu.matmul %add3A_21, %get3A_62, %dot_general3A_63 {dimension_numbers = #tpu.dot_dimension_numbers<[1], [0], [0], [1], [0, 0, 1, 1], [], []>, transpose_lhs_hint = false} : vector<4x64xf32>, vector<64x64xf32>, vector<4x64xf32> -> vector<4x64xf32>
    %get3A_65 = arith.constant 3 : index
    %get3A_66 = arith.constant 0 : index
    %get3A_67 = vector.load %arg6[%get3A_65, %get3A_66] : memref<4x64xf32, #tpu.memory_space<vmem>>, vector<1x64xf32>
    %add3A_68 = vector.broadcast %get3A_67 : vector<1x64xf32> to vector<4x64xf32>
    %add3A_69 = arith.addf %dot_general3A_64, %add3A_68 : vector<4x64xf32>
    %swap3A_70 = arith.constant 12 : index
    %swap3A_71 = arith.constant 0 : index
    %swap3A_72 = vector.load %arg7[%swap3A_70, %swap3A_71] : memref<16x64xf32, #tpu.memory_space<vmem>>, vector<4x64xf32>
    tpu.vector_store %arg7[%swap3A_70, %swap3A_71], %add3A_69 {strides = array<i32>} : memref<16x64xf32, #tpu.memory_space<vmem>>, vector<4x64xf32>,
    return
  }
}

module attributes {stable_mosaic.version = 14 : i64} {
  func.func @_node_enc_body(%arg0: i32, %arg1: memref<2000x128xf32, #tpu.memory_space<vmem>>, %arg2: memref<2000x1xi32, #tpu.memory_space<vmem>>, %arg3: memref<128x64xf32, #tpu.memory_space<vmem>>, %arg4: memref<1x64xf32, #tpu.memory_space<vmem>>, %arg5: memref<64x64xf32, #tpu.memory_space<vmem>>, %arg6: memref<1x64xf32, #tpu.memory_space<vmem>>, %arg7: memref<64x64xf32, #tpu.memory_space<vmem>>, %arg8: memref<64x64xf32, #tpu.memory_space<vmem>>, %arg9: memref<4x64xf32, #tpu.memory_space<vmem>>, %arg10: memref<2000x64xf32, #tpu.memory_space<vmem>>, %arg11: memref<2000x128xf32, #tpu.memory_space<vmem>>) attributes {dimension_semantics = [#tpu.dimension_semantics<arbitrary>], iteration_bounds = array<i64: 25>, scalar_prefetch = 0 : i64, scratch_operands = 0 : i64, tpu.core_type = #tpu.core_type<tc>, window_params = [{transform_indices = @transform_0, window_bounds = array<i64: 2000, 128>}, {transform_indices = @transform_1, window_bounds = array<i64: 2000, 1>}, {pipeline_mode = #tpu.pipeline_mode<synchronous>, transform_indices = @transform_2, window_bounds = array<i64: 128, 64>}, {pipeline_mode = #tpu.pipeline_mode<synchronous>, transform_indices = @transform_3, window_bounds = array<i64: 1, 64>}, {pipeline_mode = #tpu.pipeline_mode<synchronous>, transform_indices = @transform_4, window_bounds = array<i64: 64, 64>}, {pipeline_mode = #tpu.pipeline_mode<synchronous>, transform_indices = @transform_5, window_bounds = array<i64: 1, 64>}, {pipeline_mode = #tpu.pipeline_mode<synchronous>, transform_indices = @transform_6, window_bounds = array<i64: 64, 64>}, {pipeline_mode = #tpu.pipeline_mode<synchronous>, transform_indices = @transform_7, window_bounds = array<i64: 64, 64>}, {pipeline_mode = #tpu.pipeline_mode<synchronous>, transform_indices = @transform_8, window_bounds = array<i64: 4, 64>}, {transform_indices = @transform_9, window_bounds = array<i64: 2000, 64>}, {transform_indices = @transform_10, window_bounds = array<i64: 2000, 128>}]} {
    %get3A = arith.constant 0 : index
    %get3A_0 = arith.constant 0 : index
    %get3A_1 = vector.load %arg1[%get3A, %get3A_0] : memref<2000x128xf32, #tpu.memory_space<vmem>>, vector<2000x128xf32>
    %get3A_2 = arith.constant 0 : index
    %get3A_3 = arith.constant 0 : index
    %get3A_4 = vector.load %arg3[%get3A_2, %get3A_3] : memref<128x64xf32, #tpu.memory_space<vmem>>, vector<128x64xf32>
    %dot_general3A = arith.constant dense<0.000000e+00> : vector<2000x64xf32>
    %dot_general3A_5 = tpu.matmul %get3A_1, %get3A_4, %dot_general3A {dimension_numbers = #tpu.dot_dimension_numbers<[1], [0], [0], [1], [0, 0, 1, 1], [], []>, transpose_lhs_hint = false} : vector<2000x128xf32>, vector<128x64xf32>, vector<2000x64xf32> -> vector<2000x64xf32>
    %get3A_6 = arith.constant 0 : index
    %get3A_7 = arith.constant 0 : index
    %get3A_8 = vector.load %arg4[%get3A_6, %get3A_7] : memref<1x64xf32, #tpu.memory_space<vmem>>, vector<1x64xf32>
    %add3A = vector.broadcast %get3A_8 : vector<1x64xf32> to vector<2000x64xf32>
    %add3A_9 = arith.addf %dot_general3A_5, %add3A : vector<2000x64xf32>
    %max3A = arith.constant 0.000000e+00 : f32
    %max3A_10 = vector.broadcast %max3A : f32 to vector<2000x64xf32>
    %max3A_11 = arith.maximumf %add3A_9, %max3A_10 : vector<2000x64xf32>
    %get3A_12 = arith.constant 0 : index
    %get3A_13 = arith.constant 0 : index
    %get3A_14 = vector.load %arg5[%get3A_12, %get3A_13] : memref<64x64xf32, #tpu.memory_space<vmem>>, vector<64x64xf32>
    %dot_general3A_15 = arith.constant dense<0.000000e+00> : vector<2000x64xf32>
    %dot_general3A_16 = tpu.matmul %max3A_11, %get3A_14, %dot_general3A_15 {dimension_numbers = #tpu.dot_dimension_numbers<[1], [0], [0], [1], [0, 0, 1, 1], [], []>, transpose_lhs_hint = false} : vector<2000x64xf32>, vector<64x64xf32>, vector<2000x64xf32> -> vector<2000x64xf32>
    %get3A_17 = arith.constant 0 : index
    %get3A_18 = arith.constant 0 : index
    %get3A_19 = vector.load %arg6[%get3A_17, %get3A_18] : memref<1x64xf32, #tpu.memory_space<vmem>>, vector<1x64xf32>
    %add3A_20 = vector.broadcast %get3A_19 : vector<1x64xf32> to vector<2000x64xf32>
    %add3A_21 = arith.addf %dot_general3A_16, %add3A_20 : vector<2000x64xf32>
    %swap3A = arith.constant 0 : index
    %swap3A_22 = arith.constant 0 : index
    %swap3A_23 = vector.load %arg10[%swap3A, %swap3A_22] : memref<2000x64xf32, #tpu.memory_space<vmem>>, vector<2000x64xf32>
    tpu.vector_store %arg10[%swap3A, %swap3A_22], %add3A_21 {strides = array<i32>} : memref<2000x64xf32, #tpu.memory_space<vmem>>, vector<2000x64xf32>,
    %get3A_24 = arith.constant 0 : index
    %get3A_25 = arith.constant 0 : index
    %get3A_26 = vector.load %arg7[%get3A_24, %get3A_25] : memref<64x64xf32, #tpu.memory_space<vmem>>, vector<64x64xf32>
    %dot_general3A_27 = arith.constant dense<0.000000e+00> : vector<2000x64xf32>
    %dot_general3A_28 = tpu.matmul %add3A_21, %get3A_26, %dot_general3A_27 {dimension_numbers = #tpu.dot_dimension_numbers<[1], [0], [0], [1], [0, 0, 1, 1], [], []>, transpose_lhs_hint = false} : vector<2000x64xf32>, vector<64x64xf32>, vector<2000x64xf32> -> vector<2000x64xf32>
    %get3A_29 = arith.constant 0 : index
    %get3A_30 = arith.constant 0 : index
    %get3A_31 = vector.load %arg2[%get3A_29, %get3A_30] : memref<2000x1xi32, #tpu.memory_space<vmem>>, vector<2000x1xi32>
    %get3A_32 = arith.constant 0 : index
    %get3A_33 = arith.constant 0 : index
    %get3A_34 = vector.load %arg9[%get3A_32, %get3A_33] : memref<4x64xf32, #tpu.memory_space<vmem>>, vector<4x64xf32>
    %eq3A = arith.constant 0 : i32
    %eq3A_35 = vector.broadcast %eq3A : i32 to vector<2000x1xi32>
    %eq3A_36 = arith.cmpi eq, %get3A_31, %eq3A_35 : vector<2000x1xi32>
    %slice3A = vector.extract_strided_slice %get3A_34 {offsets = [0, 0], sizes = [1, 64], strides = [1, 1]} : vector<4x64xf32> to vector<1x64xf32>
    %jit3A = arith.constant 0.000000e+00 : f32
    %broadcast_in_dim3A = vector.shape_cast %eq3A_36 : vector<2000x1xi1> to vector<2000x1xi1>
    %broadcast_in_dim3A_37 = vector.broadcast %broadcast_in_dim3A : vector<2000x1xi1> to vector<2000x64xi1>
    %broadcast_in_dim3A_38 = vector.shape_cast %slice3A : vector<1x64xf32> to vector<1x64xf32>
    %broadcast_in_dim3A_39 = vector.broadcast %broadcast_in_dim3A_38 : vector<1x64xf32> to vector<2000x64xf32>
    %broadcast_in_dim3A_40 = vector.broadcast %jit3A : f32 to vector<2000x64xf32>
    %select_n3A = arith.select %broadcast_in_dim3A_37, %broadcast_in_dim3A_39, %broadcast_in_dim3A_40 : vector<2000x64xi1>, vector<2000x64xf32>
    %eq3A_41 = arith.constant 1 : i32
    %eq3A_42 = vector.broadcast %eq3A_41 : i32 to vector<2000x1xi32>
    %eq3A_43 = arith.cmpi eq, %get3A_31, %eq3A_42 : vector<2000x1xi32>
    %slice3A_44 = vector.extract_strided_slice %get3A_34 {offsets = [1, 0], sizes = [1, 64], strides = [1, 1]} : vector<4x64xf32> to vector<1x64xf32>
    %jit3A_45 = arith.constant 0.000000e+00 : f32
    %broadcast_in_dim3A_46 = vector.shape_cast %eq3A_43 : vector<2000x1xi1> to vector<2000x1xi1>
    %broadcast_in_dim3A_47 = vector.broadcast %broadcast_in_dim3A_46 : vector<2000x1xi1> to vector<2000x64xi1>
    %broadcast_in_dim3A_48 = vector.shape_cast %slice3A_44 : vector<1x64xf32> to vector<1x64xf32>
    %broadcast_in_dim3A_49 = vector.broadcast %broadcast_in_dim3A_48 : vector<1x64xf32> to vector<2000x64xf32>
    %broadcast_in_dim3A_50 = vector.broadcast %jit3A_45 : f32 to vector<2000x64xf32>
    %select_n3A_51 = arith.select %broadcast_in_dim3A_47, %broadcast_in_dim3A_49, %broadcast_in_dim3A_50 : vector<2000x64xi1>, vector<2000x64xf32>
    %add3A_52 = arith.addf %select_n3A, %select_n3A_51 : vector<2000x64xf32>
    %eq3A_53 = arith.constant 2 : i32
    %eq3A_54 = vector.broadcast %eq3A_53 : i32 to vector<2000x1xi32>
    %eq3A_55 = arith.cmpi eq, %get3A_31, %eq3A_54 : vector<2000x1xi32>
    %slice3A_56 = vector.extract_strided_slice %get3A_34 {offsets = [2, 0], sizes = [1, 64], strides = [1, 1]} : vector<4x64xf32> to vector<1x64xf32>
    %jit3A_57 = arith.constant 0.000000e+00 : f32
    %broadcast_in_dim3A_58 = vector.shape_cast %eq3A_55 : vector<2000x1xi1> to vector<2000x1xi1>
    %broadcast_in_dim3A_59 = vector.broadcast %broadcast_in_dim3A_58 : vector<2000x1xi1> to vector<2000x64xi1>
    %broadcast_in_dim3A_60 = vector.shape_cast %slice3A_56 : vector<1x64xf32> to vector<1x64xf32>
    %broadcast_in_dim3A_61 = vector.broadcast %broadcast_in_dim3A_60 : vector<1x64xf32> to vector<2000x64xf32>
    %broadcast_in_dim3A_62 = vector.broadcast %jit3A_57 : f32 to vector<2000x64xf32>
    %select_n3A_63 = arith.select %broadcast_in_dim3A_59, %broadcast_in_dim3A_61, %broadcast_in_dim3A_62 : vector<2000x64xi1>, vector<2000x64xf32>
    %add3A_64 = arith.addf %add3A_52, %select_n3A_63 : vector<2000x64xf32>
    %eq3A_65 = arith.constant 3 : i32
    %eq3A_66 = vector.broadcast %eq3A_65 : i32 to vector<2000x1xi32>
    %eq3A_67 = arith.cmpi eq, %get3A_31, %eq3A_66 : vector<2000x1xi32>
    %slice3A_68 = vector.extract_strided_slice %get3A_34 {offsets = [3, 0], sizes = [1, 64], strides = [1, 1]} : vector<4x64xf32> to vector<1x64xf32>
    %jit3A_69 = arith.constant 0.000000e+00 : f32
    %broadcast_in_dim3A_70 = vector.shape_cast %eq3A_67 : vector<2000x1xi1> to vector<2000x1xi1>
    %broadcast_in_dim3A_71 = vector.broadcast %broadcast_in_dim3A_70 : vector<2000x1xi1> to vector<2000x64xi1>
    %broadcast_in_dim3A_72 = vector.shape_cast %slice3A_68 : vector<1x64xf32> to vector<1x64xf32>
    %broadcast_in_dim3A_73 = vector.broadcast %broadcast_in_dim3A_72 : vector<1x64xf32> to vector<2000x64xf32>
    %broadcast_in_dim3A_74 = vector.broadcast %jit3A_69 : f32 to vector<2000x64xf32>
    %select_n3A_75 = arith.select %broadcast_in_dim3A_71, %broadcast_in_dim3A_73, %broadcast_in_dim3A_74 : vector<2000x64xi1>, vector<2000x64xf32>
    %add3A_76 = arith.addf %add3A_64, %select_n3A_75 : vector<2000x64xf32>
    %add3A_77 = arith.addf %dot_general3A_28, %add3A_76 : vector<2000x64xf32>
    %get3A_78 = arith.constant 0 : index
    %get3A_79 = arith.constant 0 : index
    %get3A_80 = vector.load %arg8[%get3A_78, %get3A_79] : memref<64x64xf32, #tpu.memory_space<vmem>>, vector<64x64xf32>
    %dot_general3A_81 = arith.constant dense<0.000000e+00> : vector<2000x64xf32>
    %dot_general3A_82 = tpu.matmul %add3A_21, %get3A_80, %dot_general3A_81 {dimension_numbers = #tpu.dot_dimension_numbers<[1], [0], [0], [1], [0, 0, 1, 1], [], []>, transpose_lhs_hint = false} : vector<2000x64xf32>, vector<64x64xf32>, vector<2000x64xf32> -> vector<2000x64xf32>
    %concatenate3A = tpu.concatenate %add3A_77, %dot_general3A_82 in 1 : vector<2000x64xf32>, vector<2000x64xf32> -> vector<2000x128xf32>
    %swap3A_83 = arith.constant 0 : index
    %swap3A_84 = arith.constant 0 : index
    %swap3A_85 = vector.load %arg11[%swap3A_83, %swap3A_84] : memref<2000x128xf32, #tpu.memory_space<vmem>>, vector<2000x128xf32>
    tpu.vector_store %arg11[%swap3A_83, %swap3A_84], %concatenate3A {strides = array<i32>} : memref<2000x128xf32, #tpu.memory_space<vmem>>, vector<2000x128xf32>,
    return
  }
  func.func @transform_0(%arg0: i32) -> (i32, i32) {
    %c0_i32 = arith.constant 0 : i32
    %c0_i32_0 = arith.constant 0 : i32
    return %arg0, %c0_i32 : i32, i32
  }
  func.func @transform_1(%arg0: i32) -> (i32, i32) {
    %c0_i32 = arith.constant 0 : i32
    %c0_i32_0 = arith.constant 0 : i32
    return %arg0, %c0_i32 : i32, i32
  }
  func.func @transform_2(%arg0: i32) -> (i32, i32) {
    %c0_i32 = arith.constant 0 : i32
    %c0_i32_0 = arith.constant 0 : i32
    %c0_i32_1 = arith.constant 0 : i32
    return %c0_i32, %c0_i32_0 : i32, i32
  }
  func.func @transform_3(%arg0: i32) -> (i32, i32) {
    %c0_i32 = arith.constant 0 : i32
    %c0_i32_0 = arith.constant 0 : i32
    %c0_i32_1 = arith.constant 0 : i32
    return %c0_i32, %c0_i32_0 : i32, i32
  }
  func.func @transform_4(%arg0: i32) -> (i32, i32) {
    %c0_i32 = arith.constant 0 : i32
    %c0_i32_0 = arith.constant 0 : i32
    %c0_i32_1 = arith.constant 0 : i32
    return %c0_i32, %c0_i32_0 : i32, i32
  }
  func.func @transform_5(%arg0: i32) -> (i32, i32) {
    %c0_i32 = arith.constant 0 : i32
    %c0_i32_0 = arith.constant 0 : i32
    %c0_i32_1 = arith.constant 0 : i32
    return %c0_i32, %c0_i32_0 : i32, i32
  }
  func.func @transform_6(%arg0: i32) -> (i32, i32) {
    %c0_i32 = arith.constant 0 : i32
    %c0_i32_0 = arith.constant 0 : i32
    %c0_i32_1 = arith.constant 0 : i32
    return %c0_i32, %c0_i32_0 : i32, i32
  }
  func.func @transform_7(%arg0: i32) -> (i32, i32) {
    %c0_i32 = arith.constant 0 : i32
    %c0_i32_0 = arith.constant 0 : i32
    %c0_i32_1 = arith.constant 0 : i32
    return %c0_i32, %c0_i32_0 : i32, i32
  }
  func.func @transform_8(%arg0: i32) -> (i32, i32) {
    %c0_i32 = arith.constant 0 : i32
    %c0_i32_0 = arith.constant 0 : i32
    %c0_i32_1 = arith.constant 0 : i32
    return %c0_i32, %c0_i32_0 : i32, i32
  }
  func.func @transform_9(%arg0: i32) -> (i32, i32) {
    %c0_i32 = arith.constant 0 : i32
    %c0_i32_0 = arith.constant 0 : i32
    return %arg0, %c0_i32 : i32, i32
  }
  func.func @transform_10(%arg0: i32) -> (i32, i32) {
    %c0_i32 = arith.constant 0 : i32
    %c0_i32_0 = arith.constant 0 : i32
    return %arg0, %c0_i32 : i32, i32
  }
}

module attributes {stable_mosaic.version = 14 : i64} {
  func.func @_edge_enc_body(%arg0: i32, %arg1: memref<8000x4xf32, #tpu.memory_space<vmem>>, %arg2: memref<4x64xf32, #tpu.memory_space<vmem>>, %arg3: memref<1x64xf32, #tpu.memory_space<vmem>>, %arg4: memref<64x64xf32, #tpu.memory_space<vmem>>, %arg5: memref<1x64xf32, #tpu.memory_space<vmem>>, %arg6: memref<8000x64xf32, #tpu.memory_space<vmem>>) attributes {dimension_semantics = [#tpu.dimension_semantics<arbitrary>], iteration_bounds = array<i64: 100>, scalar_prefetch = 0 : i64, scratch_operands = 0 : i64, tpu.core_type = #tpu.core_type<tc>, window_params = [{transform_indices = @transform_0, window_bounds = array<i64: 8000, 4>}, {pipeline_mode = #tpu.pipeline_mode<synchronous>, transform_indices = @transform_1, window_bounds = array<i64: 4, 64>}, {pipeline_mode = #tpu.pipeline_mode<synchronous>, transform_indices = @transform_2, window_bounds = array<i64: 1, 64>}, {pipeline_mode = #tpu.pipeline_mode<synchronous>, transform_indices = @transform_3, window_bounds = array<i64: 64, 64>}, {pipeline_mode = #tpu.pipeline_mode<synchronous>, transform_indices = @transform_4, window_bounds = array<i64: 1, 64>}, {transform_indices = @transform_5, window_bounds = array<i64: 8000, 64>}]} {
    %get3A = arith.constant 0 : index
    %get3A_0 = arith.constant 0 : index
    %get3A_1 = vector.load %arg1[%get3A, %get3A_0] : memref<8000x4xf32, #tpu.memory_space<vmem>>, vector<8000x4xf32>
    %get3A_2 = arith.constant 0 : index
    %get3A_3 = arith.constant 0 : index
    %get3A_4 = vector.load %arg2[%get3A_2, %get3A_3] : memref<4x64xf32, #tpu.memory_space<vmem>>, vector<4x64xf32>
    %dot_general3A = arith.constant dense<0.000000e+00> : vector<8000x64xf32>
    %dot_general3A_5 = tpu.matmul %get3A_1, %get3A_4, %dot_general3A {dimension_numbers = #tpu.dot_dimension_numbers<[1], [0], [0], [1], [0, 0, 1, 1], [], []>, transpose_lhs_hint = false} : vector<8000x4xf32>, vector<4x64xf32>, vector<8000x64xf32> -> vector<8000x64xf32>
    %get3A_6 = arith.constant 0 : index
    %get3A_7 = arith.constant 0 : index
    %get3A_8 = vector.load %arg3[%get3A_6, %get3A_7] : memref<1x64xf32, #tpu.memory_space<vmem>>, vector<1x64xf32>
    %add3A = vector.broadcast %get3A_8 : vector<1x64xf32> to vector<8000x64xf32>
    %add3A_9 = arith.addf %dot_general3A_5, %add3A : vector<8000x64xf32>
    %max3A = arith.constant 0.000000e+00 : f32
    %max3A_10 = vector.broadcast %max3A : f32 to vector<8000x64xf32>
    %max3A_11 = arith.maximumf %add3A_9, %max3A_10 : vector<8000x64xf32>
    %get3A_12 = arith.constant 0 : index
    %get3A_13 = arith.constant 0 : index
    %get3A_14 = vector.load %arg4[%get3A_12, %get3A_13] : memref<64x64xf32, #tpu.memory_space<vmem>>, vector<64x64xf32>
    %dot_general3A_15 = arith.constant dense<0.000000e+00> : vector<8000x64xf32>
    %dot_general3A_16 = tpu.matmul %max3A_11, %get3A_14, %dot_general3A_15 {dimension_numbers = #tpu.dot_dimension_numbers<[1], [0], [0], [1], [0, 0, 1, 1], [], []>, transpose_lhs_hint = false} : vector<8000x64xf32>, vector<64x64xf32>, vector<8000x64xf32> -> vector<8000x64xf32>
    %get3A_17 = arith.constant 0 : index
    %get3A_18 = arith.constant 0 : index
    %get3A_19 = vector.load %arg5[%get3A_17, %get3A_18] : memref<1x64xf32, #tpu.memory_space<vmem>>, vector<1x64xf32>
    %add3A_20 = vector.broadcast %get3A_19 : vector<1x64xf32> to vector<8000x64xf32>
    %add3A_21 = arith.addf %dot_general3A_16, %add3A_20 : vector<8000x64xf32>
    %swap3A = arith.constant 0 : index
    %swap3A_22 = arith.constant 0 : index
    %swap3A_23 = vector.load %arg6[%swap3A, %swap3A_22] : memref<8000x64xf32, #tpu.memory_space<vmem>>, vector<8000x64xf32>
    tpu.vector_store %arg6[%swap3A, %swap3A_22], %add3A_21 {strides = array<i32>} : memref<8000x64xf32, #tpu.memory_space<vmem>>, vector<8000x64xf32>,
    return
  }
  func.func @transform_0(%arg0: i32) -> (i32, i32) {
    %c0_i32 = arith.constant 0 : i32
    %c0_i32_0 = arith.constant 0 : i32
    return %arg0, %c0_i32 : i32, i32
  }
  func.func @transform_1(%arg0: i32) -> (i32, i32) {
    %c0_i32 = arith.constant 0 : i32
    %c0_i32_0 = arith.constant 0 : i32
    %c0_i32_1 = arith.constant 0 : i32
    return %c0_i32, %c0_i32_0 : i32, i32
  }
  func.func @transform_2(%arg0: i32) -> (i32, i32) {
    %c0_i32 = arith.constant 0 : i32
    %c0_i32_0 = arith.constant 0 : i32
    %c0_i32_1 = arith.constant 0 : i32
    return %c0_i32, %c0_i32_0 : i32, i32
  }
  func.func @transform_3(%arg0: i32) -> (i32, i32) {
    %c0_i32 = arith.constant 0 : i32
    %c0_i32_0 = arith.constant 0 : i32
    %c0_i32_1 = arith.constant 0 : i32
    return %c0_i32, %c0_i32_0 : i32, i32
  }
  func.func @transform_4(%arg0: i32) -> (i32, i32) {
    %c0_i32 = arith.constant 0 : i32
    %c0_i32_0 = arith.constant 0 : i32
    %c0_i32_1 = arith.constant 0 : i32
    return %c0_i32, %c0_i32_0 : i32, i32
  }
  func.func @transform_5(%arg0: i32) -> (i32, i32) {
    %c0_i32 = arith.constant 0 : i32
    %c0_i32_0 = arith.constant 0 : i32
    return %arg0, %c0_i32 : i32, i32
  }
}

module attributes {stable_mosaic.version = 14 : i64} {
  func.func @_edge_mlp_body(%arg0: i32, %arg1: memref<8000x128xf32, #tpu.memory_space<vmem>>, %arg2: memref<8000x64xf32, #tpu.memory_space<vmem>>, %arg3: memref<64x64xf32, #tpu.memory_space<vmem>>, %arg4: memref<64x64xf32, #tpu.memory_space<vmem>>, %arg5: memref<1x64xf32, #tpu.memory_space<vmem>>, %arg6: memref<8000x64xf32, #tpu.memory_space<vmem>>) attributes {dimension_semantics = [#tpu.dimension_semantics<arbitrary>], iteration_bounds = array<i64: 100>, scalar_prefetch = 0 : i64, scratch_operands = 0 : i64, tpu.core_type = #tpu.core_type<tc>, window_params = [{transform_indices = @transform_0, window_bounds = array<i64: 8000, 128>}, {transform_indices = @transform_1, window_bounds = array<i64: 8000, 64>}, {pipeline_mode = #tpu.pipeline_mode<synchronous>, transform_indices = @transform_2, window_bounds = array<i64: 64, 64>}, {pipeline_mode = #tpu.pipeline_mode<synchronous>, transform_indices = @transform_3, window_bounds = array<i64: 64, 64>}, {pipeline_mode = #tpu.pipeline_mode<synchronous>, transform_indices = @transform_4, window_bounds = array<i64: 1, 64>}, {transform_indices = @transform_5, window_bounds = array<i64: 8000, 64>}]} {
    %get3A = arith.constant 0 : index
    %get3A_0 = arith.constant 0 : index
    %get3A_1 = vector.load %arg1[%get3A, %get3A_0] : memref<8000x128xf32, #tpu.memory_space<vmem>>, vector<8000x64xf32>
    %get3A_2 = arith.constant 0 : index
    %get3A_3 = arith.constant 64 : index
    %get3A_4 = vector.load %arg1[%get3A_2, %get3A_3] : memref<8000x128xf32, #tpu.memory_space<vmem>>, vector<8000x64xf32>
    %add3A = arith.addf %get3A_1, %get3A_4 : vector<8000x64xf32>
    %get3A_5 = arith.constant 0 : index
    %get3A_6 = arith.constant 0 : index
    %get3A_7 = vector.load %arg2[%get3A_5, %get3A_6] : memref<8000x64xf32, #tpu.memory_space<vmem>>, vector<8000x64xf32>
    %get3A_8 = arith.constant 0 : index
    %get3A_9 = arith.constant 0 : index
    %get3A_10 = vector.load %arg3[%get3A_8, %get3A_9] : memref<64x64xf32, #tpu.memory_space<vmem>>, vector<64x64xf32>
    %dot_general3A = arith.constant dense<0.000000e+00> : vector<8000x64xf32>
    %dot_general3A_11 = tpu.matmul %get3A_7, %get3A_10, %dot_general3A {dimension_numbers = #tpu.dot_dimension_numbers<[1], [0], [0], [1], [0, 0, 1, 1], [], []>, transpose_lhs_hint = false} : vector<8000x64xf32>, vector<64x64xf32>, vector<8000x64xf32> -> vector<8000x64xf32>
    %add3A_12 = arith.addf %add3A, %dot_general3A_11 : vector<8000x64xf32>
    %max3A = arith.constant 0.000000e+00 : f32
    %max3A_13 = vector.broadcast %max3A : f32 to vector<8000x64xf32>
    %max3A_14 = arith.maximumf %add3A_12, %max3A_13 : vector<8000x64xf32>
    %get3A_15 = arith.constant 0 : index
    %get3A_16 = arith.constant 0 : index
    %get3A_17 = vector.load %arg4[%get3A_15, %get3A_16] : memref<64x64xf32, #tpu.memory_space<vmem>>, vector<64x64xf32>
    %dot_general3A_18 = arith.constant dense<0.000000e+00> : vector<8000x64xf32>
    %dot_general3A_19 = tpu.matmul %max3A_14, %get3A_17, %dot_general3A_18 {dimension_numbers = #tpu.dot_dimension_numbers<[1], [0], [0], [1], [0, 0, 1, 1], [], []>, transpose_lhs_hint = false} : vector<8000x64xf32>, vector<64x64xf32>, vector<8000x64xf32> -> vector<8000x64xf32>
    %get3A_20 = arith.constant 0 : index
    %get3A_21 = arith.constant 0 : index
    %get3A_22 = vector.load %arg5[%get3A_20, %get3A_21] : memref<1x64xf32, #tpu.memory_space<vmem>>, vector<1x64xf32>
    %add3A_23 = vector.broadcast %get3A_22 : vector<1x64xf32> to vector<8000x64xf32>
    %add3A_24 = arith.addf %dot_general3A_19, %add3A_23 : vector<8000x64xf32>
    %swap3A = arith.constant 0 : index
    %swap3A_25 = arith.constant 0 : index
    %swap3A_26 = vector.load %arg6[%swap3A, %swap3A_25] : memref<8000x64xf32, #tpu.memory_space<vmem>>, vector<8000x64xf32>
    tpu.vector_store %arg6[%swap3A, %swap3A_25], %add3A_24 {strides = array<i32>} : memref<8000x64xf32, #tpu.memory_space<vmem>>, vector<8000x64xf32>,
    return
  }
  func.func @transform_0(%arg0: i32) -> (i32, i32) {
    %c0_i32 = arith.constant 0 : i32
    %c0_i32_0 = arith.constant 0 : i32
    return %arg0, %c0_i32 : i32, i32
  }
  func.func @transform_1(%arg0: i32) -> (i32, i32) {
    %c0_i32 = arith.constant 0 : i32
    %c0_i32_0 = arith.constant 0 : i32
    return %arg0, %c0_i32 : i32, i32
  }
  func.func @transform_2(%arg0: i32) -> (i32, i32) {
    %c0_i32 = arith.constant 0 : i32
    %c0_i32_0 = arith.constant 0 : i32
    %c0_i32_1 = arith.constant 0 : i32
    return %c0_i32, %c0_i32_0 : i32, i32
  }
  func.func @transform_3(%arg0: i32) -> (i32, i32) {
    %c0_i32 = arith.constant 0 : i32
    %c0_i32_0 = arith.constant 0 : i32
    %c0_i32_1 = arith.constant 0 : i32
    return %c0_i32, %c0_i32_0 : i32, i32
  }
  func.func @transform_4(%arg0: i32) -> (i32, i32) {
    %c0_i32 = arith.constant 0 : i32
    %c0_i32_0 = arith.constant 0 : i32
    %c0_i32_1 = arith.constant 0 : i32
    return %c0_i32, %c0_i32_0 : i32, i32
  }
  func.func @transform_5(%arg0: i32) -> (i32, i32) {
    %c0_i32 = arith.constant 0 : i32
    %c0_i32_0 = arith.constant 0 : i32
    return %arg0, %c0_i32 : i32, i32
  }
}

module attributes {stable_mosaic.version = 14 : i64} {
  func.func @_node_mlp_body(%arg0: i32, %arg1: memref<2000x64xf32, #tpu.memory_space<vmem>>, %arg2: memref<2000x64xf32, #tpu.memory_space<vmem>>, %arg3: memref<2000x1xi32, #tpu.memory_space<vmem>>, %arg4: memref<64x64xf32, #tpu.memory_space<vmem>>, %arg5: memref<64x64xf32, #tpu.memory_space<vmem>>, %arg6: memref<4x64xf32, #tpu.memory_space<vmem>>, %arg7: memref<64x64xf32, #tpu.memory_space<vmem>>, %arg8: memref<1x64xf32, #tpu.memory_space<vmem>>, %arg9: memref<64x64xf32, #tpu.memory_space<vmem>>, %arg10: memref<64x64xf32, #tpu.memory_space<vmem>>, %arg11: memref<4x64xf32, #tpu.memory_space<vmem>>, %arg12: memref<2000x64xf32, #tpu.memory_space<vmem>>, %arg13: memref<2000x128xf32, #tpu.memory_space<vmem>>) attributes {dimension_semantics = [#tpu.dimension_semantics<arbitrary>], iteration_bounds = array<i64: 25>, scalar_prefetch = 0 : i64, scratch_operands = 0 : i64, tpu.core_type = #tpu.core_type<tc>, window_params = [{transform_indices = @transform_0, window_bounds = array<i64: 2000, 64>}, {transform_indices = @transform_1, window_bounds = array<i64: 2000, 64>}, {transform_indices = @transform_2, window_bounds = array<i64: 2000, 1>}, {pipeline_mode = #tpu.pipeline_mode<synchronous>, transform_indices = @transform_3, window_bounds = array<i64: 64, 64>}, {pipeline_mode = #tpu.pipeline_mode<synchronous>, transform_indices = @transform_4, window_bounds = array<i64: 64, 64>}, {pipeline_mode = #tpu.pipeline_mode<synchronous>, transform_indices = @transform_5, window_bounds = array<i64: 4, 64>}, {pipeline_mode = #tpu.pipeline_mode<synchronous>, transform_indices = @transform_6, window_bounds = array<i64: 64, 64>}, {pipeline_mode = #tpu.pipeline_mode<synchronous>, transform_indices = @transform_7, window_bounds = array<i64: 1, 64>}, {pipeline_mode = #tpu.pipeline_mode<synchronous>, transform_indices = @transform_8, window_bounds = array<i64: 64, 64>}, {pipeline_mode = #tpu.pipeline_mode<synchronous>, transform_indices = @transform_9, window_bounds = array<i64: 64, 64>}, {pipeline_mode = #tpu.pipeline_mode<synchronous>, transform_indices = @transform_10, window_bounds = array<i64: 4, 64>}, {transform_indices = @transform_11, window_bounds = array<i64: 2000, 64>}, {transform_indices = @transform_12, window_bounds = array<i64: 2000, 128>}]} {
    %get3A = arith.constant 0 : index
    %get3A_0 = arith.constant 0 : index
    %get3A_1 = vector.load %arg3[%get3A, %get3A_0] : memref<2000x1xi32, #tpu.memory_space<vmem>>, vector<2000x1xi32>
    %get3A_2 = arith.constant 0 : index
    %get3A_3 = arith.constant 0 : index
    %get3A_4 = vector.load %arg1[%get3A_2, %get3A_3] : memref<2000x64xf32, #tpu.memory_space<vmem>>, vector<2000x64xf32>
    %get3A_5 = arith.constant 0 : index
    %get3A_6 = arith.constant 0 : index
    %get3A_7 = vector.load %arg4[%get3A_5, %get3A_6] : memref<64x64xf32, #tpu.memory_space<vmem>>, vector<64x64xf32>
    %dot_general3A = arith.constant dense<0.000000e+00> : vector<2000x64xf32>
    %dot_general3A_8 = tpu.matmul %get3A_4, %get3A_7, %dot_general3A {dimension_numbers = #tpu.dot_dimension_numbers<[1], [0], [0], [1], [0, 0, 1, 1], [], []>, transpose_lhs_hint = false} : vector<2000x64xf32>, vector<64x64xf32>, vector<2000x64xf32> -> vector<2000x64xf32>
    %get3A_9 = arith.constant 0 : index
    %get3A_10 = arith.constant 0 : index
    %get3A_11 = vector.load %arg2[%get3A_9, %get3A_10] : memref<2000x64xf32, #tpu.memory_space<vmem>>, vector<2000x64xf32>
    %get3A_12 = arith.constant 0 : index
    %get3A_13 = arith.constant 0 : index
    %get3A_14 = vector.load %arg5[%get3A_12, %get3A_13] : memref<64x64xf32, #tpu.memory_space<vmem>>, vector<64x64xf32>
    %dot_general3A_15 = arith.constant dense<0.000000e+00> : vector<2000x64xf32>
    %dot_general3A_16 = tpu.matmul %get3A_11, %get3A_14, %dot_general3A_15 {dimension_numbers = #tpu.dot_dimension_numbers<[1], [0], [0], [1], [0, 0, 1, 1], [], []>, transpose_lhs_hint = false} : vector<2000x64xf32>, vector<64x64xf32>, vector<2000x64xf32> -> vector<2000x64xf32>
    %add3A = arith.addf %dot_general3A_8, %dot_general3A_16 : vector<2000x64xf32>
    %get3A_17 = arith.constant 0 : index
    %get3A_18 = arith.constant 0 : index
    %get3A_19 = vector.load %arg6[%get3A_17, %get3A_18] : memref<4x64xf32, #tpu.memory_space<vmem>>, vector<4x64xf32>
    %eq3A = arith.constant 0 : i32
    %eq3A_20 = vector.broadcast %eq3A : i32 to vector<2000x1xi32>
    %eq3A_21 = arith.cmpi eq, %get3A_1, %eq3A_20 : vector<2000x1xi32>
    %slice3A = vector.extract_strided_slice %get3A_19 {offsets = [0, 0], sizes = [1, 64], strides = [1, 1]} : vector<4x64xf32> to vector<1x64xf32>
    %jit3A = arith.constant 0.000000e+00 : f32
    %broadcast_in_dim3A = vector.shape_cast %eq3A_21 : vector<2000x1xi1> to vector<2000x1xi1>
    %broadcast_in_dim3A_22 = vector.broadcast %broadcast_in_dim3A : vector<2000x1xi1> to vector<2000x64xi1>
    %broadcast_in_dim3A_23 = vector.shape_cast %slice3A : vector<1x64xf32> to vector<1x64xf32>
    %broadcast_in_dim3A_24 = vector.broadcast %broadcast_in_dim3A_23 : vector<1x64xf32> to vector<2000x64xf32>
    %broadcast_in_dim3A_25 = vector.broadcast %jit3A : f32 to vector<2000x64xf32>
    %select_n3A = arith.select %broadcast_in_dim3A_22, %broadcast_in_dim3A_24, %broadcast_in_dim3A_25 : vector<2000x64xi1>, vector<2000x64xf32>
    %eq3A_26 = arith.constant 1 : i32
    %eq3A_27 = vector.broadcast %eq3A_26 : i32 to vector<2000x1xi32>
    %eq3A_28 = arith.cmpi eq, %get3A_1, %eq3A_27 : vector<2000x1xi32>
    %slice3A_29 = vector.extract_strided_slice %get3A_19 {offsets = [1, 0], sizes = [1, 64], strides = [1, 1]} : vector<4x64xf32> to vector<1x64xf32>
    %jit3A_30 = arith.constant 0.000000e+00 : f32
    %broadcast_in_dim3A_31 = vector.shape_cast %eq3A_28 : vector<2000x1xi1> to vector<2000x1xi1>
    %broadcast_in_dim3A_32 = vector.broadcast %broadcast_in_dim3A_31 : vector<2000x1xi1> to vector<2000x64xi1>
    %broadcast_in_dim3A_33 = vector.shape_cast %slice3A_29 : vector<1x64xf32> to vector<1x64xf32>
    %broadcast_in_dim3A_34 = vector.broadcast %broadcast_in_dim3A_33 : vector<1x64xf32> to vector<2000x64xf32>
    %broadcast_in_dim3A_35 = vector.broadcast %jit3A_30 : f32 to vector<2000x64xf32>
    %select_n3A_36 = arith.select %broadcast_in_dim3A_32, %broadcast_in_dim3A_34, %broadcast_in_dim3A_35 : vector<2000x64xi1>, vector<2000x64xf32>
    %add3A_37 = arith.addf %select_n3A, %select_n3A_36 : vector<2000x64xf32>
    %eq3A_38 = arith.constant 2 : i32
    %eq3A_39 = vector.broadcast %eq3A_38 : i32 to vector<2000x1xi32>
    %eq3A_40 = arith.cmpi eq, %get3A_1, %eq3A_39 : vector<2000x1xi32>
    %slice3A_41 = vector.extract_strided_slice %get3A_19 {offsets = [2, 0], sizes = [1, 64], strides = [1, 1]} : vector<4x64xf32> to vector<1x64xf32>
    %jit3A_42 = arith.constant 0.000000e+00 : f32
    %broadcast_in_dim3A_43 = vector.shape_cast %eq3A_40 : vector<2000x1xi1> to vector<2000x1xi1>
    %broadcast_in_dim3A_44 = vector.broadcast %broadcast_in_dim3A_43 : vector<2000x1xi1> to vector<2000x64xi1>
    %broadcast_in_dim3A_45 = vector.shape_cast %slice3A_41 : vector<1x64xf32> to vector<1x64xf32>
    %broadcast_in_dim3A_46 = vector.broadcast %broadcast_in_dim3A_45 : vector<1x64xf32> to vector<2000x64xf32>
    %broadcast_in_dim3A_47 = vector.broadcast %jit3A_42 : f32 to vector<2000x64xf32>
    %select_n3A_48 = arith.select %broadcast_in_dim3A_44, %broadcast_in_dim3A_46, %broadcast_in_dim3A_47 : vector<2000x64xi1>, vector<2000x64xf32>
    %add3A_49 = arith.addf %add3A_37, %select_n3A_48 : vector<2000x64xf32>
    %eq3A_50 = arith.constant 3 : i32
    %eq3A_51 = vector.broadcast %eq3A_50 : i32 to vector<2000x1xi32>
    %eq3A_52 = arith.cmpi eq, %get3A_1, %eq3A_51 : vector<2000x1xi32>
    %slice3A_53 = vector.extract_strided_slice %get3A_19 {offsets = [3, 0], sizes = [1, 64], strides = [1, 1]} : vector<4x64xf32> to vector<1x64xf32>
    %jit3A_54 = arith.constant 0.000000e+00 : f32
    %broadcast_in_dim3A_55 = vector.shape_cast %eq3A_52 : vector<2000x1xi1> to vector<2000x1xi1>
    %broadcast_in_dim3A_56 = vector.broadcast %broadcast_in_dim3A_55 : vector<2000x1xi1> to vector<2000x64xi1>
    %broadcast_in_dim3A_57 = vector.shape_cast %slice3A_53 : vector<1x64xf32> to vector<1x64xf32>
    %broadcast_in_dim3A_58 = vector.broadcast %broadcast_in_dim3A_57 : vector<1x64xf32> to vector<2000x64xf32>
    %broadcast_in_dim3A_59 = vector.broadcast %jit3A_54 : f32 to vector<2000x64xf32>
    %select_n3A_60 = arith.select %broadcast_in_dim3A_56, %broadcast_in_dim3A_58, %broadcast_in_dim3A_59 : vector<2000x64xi1>, vector<2000x64xf32>
    %add3A_61 = arith.addf %add3A_49, %select_n3A_60 : vector<2000x64xf32>
    %add3A_62 = arith.addf %add3A, %add3A_61 : vector<2000x64xf32>
    %max3A = arith.constant 0.000000e+00 : f32
    %max3A_63 = vector.broadcast %max3A : f32 to vector<2000x64xf32>
    %max3A_64 = arith.maximumf %add3A_62, %max3A_63 : vector<2000x64xf32>
    %get3A_65 = arith.constant 0 : index
    %get3A_66 = arith.constant 0 : index
    %get3A_67 = vector.load %arg7[%get3A_65, %get3A_66] : memref<64x64xf32, #tpu.memory_space<vmem>>, vector<64x64xf32>
    %dot_general3A_68 = arith.constant dense<0.000000e+00> : vector<2000x64xf32>
    %dot_general3A_69 = tpu.matmul %max3A_64, %get3A_67, %dot_general3A_68 {dimension_numbers = #tpu.dot_dimension_numbers<[1], [0], [0], [1], [0, 0, 1, 1], [], []>, transpose_lhs_hint = false} : vector<2000x64xf32>, vector<64x64xf32>, vector<2000x64xf32> -> vector<2000x64xf32>
    %get3A_70 = arith.constant 0 : index
    %get3A_71 = arith.constant 0 : index
    %get3A_72 = vector.load %arg8[%get3A_70, %get3A_71] : memref<1x64xf32, #tpu.memory_space<vmem>>, vector<1x64xf32>
    %add3A_73 = vector.broadcast %get3A_72 : vector<1x64xf32> to vector<2000x64xf32>
    %add3A_74 = arith.addf %dot_general3A_69, %add3A_73 : vector<2000x64xf32>
    %get3A_75 = arith.constant 0 : index
    %get3A_76 = arith.constant 0 : index
    %get3A_77 = vector.load %arg1[%get3A_75, %get3A_76] : memref<2000x64xf32, #tpu.memory_space<vmem>>, vector<2000x64xf32>
    %add3A_78 = arith.addf %add3A_74, %get3A_77 : vector<2000x64xf32>
    %swap3A = arith.constant 0 : index
    %swap3A_79 = arith.constant 0 : index
    %swap3A_80 = vector.load %arg12[%swap3A, %swap3A_79] : memref<2000x64xf32, #tpu.memory_space<vmem>>, vector<2000x64xf32>
    tpu.vector_store %arg12[%swap3A, %swap3A_79], %add3A_78 {strides = array<i32>} : memref<2000x64xf32, #tpu.memory_space<vmem>>, vector<2000x64xf32>,
    %get3A_81 = arith.constant 0 : index
    %get3A_82 = arith.constant 0 : index
    %get3A_83 = vector.load %arg9[%get3A_81, %get3A_82] : memref<64x64xf32, #tpu.memory_space<vmem>>, vector<64x64xf32>
    %dot_general3A_84 = arith.constant dense<0.000000e+00> : vector<2000x64xf32>
    %dot_general3A_85 = tpu.matmul %add3A_78, %get3A_83, %dot_general3A_84 {dimension_numbers = #tpu.dot_dimension_numbers<[1], [0], [0], [1], [0, 0, 1, 1], [], []>, transpose_lhs_hint = false} : vector<2000x64xf32>, vector<64x64xf32>, vector<2000x64xf32> -> vector<2000x64xf32>
    %get3A_86 = arith.constant 0 : index
    %get3A_87 = arith.constant 0 : index
    %get3A_88 = vector.load %arg11[%get3A_86, %get3A_87] : memref<4x64xf32, #tpu.memory_space<vmem>>, vector<4x64xf32>
    %eq3A_89 = arith.constant 0 : i32
    %eq3A_90 = vector.broadcast %eq3A_89 : i32 to vector<2000x1xi32>
    %eq3A_91 = arith.cmpi eq, %get3A_1, %eq3A_90 : vector<2000x1xi32>
    %slice3A_92 = vector.extract_strided_slice %get3A_88 {offsets = [0, 0], sizes = [1, 64], strides = [1, 1]} : vector<4x64xf32> to vector<1x64xf32>
    %jit3A_93 = arith.constant 0.000000e+00 : f32
    %broadcast_in_dim3A_94 = vector.shape_cast %eq3A_91 : vector<2000x1xi1> to vector<2000x1xi1>
    %broadcast_in_dim3A_95 = vector.broadcast %broadcast_in_dim3A_94 : vector<2000x1xi1> to vector<2000x64xi1>
    %broadcast_in_dim3A_96 = vector.shape_cast %slice3A_92 : vector<1x64xf32> to vector<1x64xf32>
    %broadcast_in_dim3A_97 = vector.broadcast %broadcast_in_dim3A_96 : vector<1x64xf32> to vector<2000x64xf32>
    %broadcast_in_dim3A_98 = vector.broadcast %jit3A_93 : f32 to vector<2000x64xf32>
    %select_n3A_99 = arith.select %broadcast_in_dim3A_95, %broadcast_in_dim3A_97, %broadcast_in_dim3A_98 : vector<2000x64xi1>, vector<2000x64xf32>
    %eq3A_100 = arith.constant 1 : i32
    %eq3A_101 = vector.broadcast %eq3A_100 : i32 to vector<2000x1xi32>
    %eq3A_102 = arith.cmpi eq, %get3A_1, %eq3A_101 : vector<2000x1xi32>
    %slice3A_103 = vector.extract_strided_slice %get3A_88 {offsets = [1, 0], sizes = [1, 64], strides = [1, 1]} : vector<4x64xf32> to vector<1x64xf32>
    %jit3A_104 = arith.constant 0.000000e+00 : f32
    %broadcast_in_dim3A_105 = vector.shape_cast %eq3A_102 : vector<2000x1xi1> to vector<2000x1xi1>
    %broadcast_in_dim3A_106 = vector.broadcast %broadcast_in_dim3A_105 : vector<2000x1xi1> to vector<2000x64xi1>
    %broadcast_in_dim3A_107 = vector.shape_cast %slice3A_103 : vector<1x64xf32> to vector<1x64xf32>
    %broadcast_in_dim3A_108 = vector.broadcast %broadcast_in_dim3A_107 : vector<1x64xf32> to vector<2000x64xf32>
    %broadcast_in_dim3A_109 = vector.broadcast %jit3A_104 : f32 to vector<2000x64xf32>
    %select_n3A_110 = arith.select %broadcast_in_dim3A_106, %broadcast_in_dim3A_108, %broadcast_in_dim3A_109 : vector<2000x64xi1>, vector<2000x64xf32>
    %add3A_111 = arith.addf %select_n3A_99, %select_n3A_110 : vector<2000x64xf32>
    %eq3A_112 = arith.constant 2 : i32
    %eq3A_113 = vector.broadcast %eq3A_112 : i32 to vector<2000x1xi32>
    %eq3A_114 = arith.cmpi eq, %get3A_1, %eq3A_113 : vector<2000x1xi32>
    %slice3A_115 = vector.extract_strided_slice %get3A_88 {offsets = [2, 0], sizes = [1, 64], strides = [1, 1]} : vector<4x64xf32> to vector<1x64xf32>
    %jit3A_116 = arith.constant 0.000000e+00 : f32
    %broadcast_in_dim3A_117 = vector.shape_cast %eq3A_114 : vector<2000x1xi1> to vector<2000x1xi1>
    %broadcast_in_dim3A_118 = vector.broadcast %broadcast_in_dim3A_117 : vector<2000x1xi1> to vector<2000x64xi1>
    %broadcast_in_dim3A_119 = vector.shape_cast %slice3A_115 : vector<1x64xf32> to vector<1x64xf32>
    %broadcast_in_dim3A_120 = vector.broadcast %broadcast_in_dim3A_119 : vector<1x64xf32> to vector<2000x64xf32>
    %broadcast_in_dim3A_121 = vector.broadcast %jit3A_116 : f32 to vector<2000x64xf32>
    %select_n3A_122 = arith.select %broadcast_in_dim3A_118, %broadcast_in_dim3A_120, %broadcast_in_dim3A_121 : vector<2000x64xi1>, vector<2000x64xf32>
    %add3A_123 = arith.addf %add3A_111, %select_n3A_122 : vector<2000x64xf32>
    %eq3A_124 = arith.constant 3 : i32
    %eq3A_125 = vector.broadcast %eq3A_124 : i32 to vector<2000x1xi32>
    %eq3A_126 = arith.cmpi eq, %get3A_1, %eq3A_125 : vector<2000x1xi32>
    %slice3A_127 = vector.extract_strided_slice %get3A_88 {offsets = [3, 0], sizes = [1, 64], strides = [1, 1]} : vector<4x64xf32> to vector<1x64xf32>
    %jit3A_128 = arith.constant 0.000000e+00 : f32
    %broadcast_in_dim3A_129 = vector.shape_cast %eq3A_126 : vector<2000x1xi1> to vector<2000x1xi1>
    %broadcast_in_dim3A_130 = vector.broadcast %broadcast_in_dim3A_129 : vector<2000x1xi1> to vector<2000x64xi1>
    %broadcast_in_dim3A_131 = vector.shape_cast %slice3A_127 : vector<1x64xf32> to vector<1x64xf32>
    %broadcast_in_dim3A_132 = vector.broadcast %broadcast_in_dim3A_131 : vector<1x64xf32> to vector<2000x64xf32>
    %broadcast_in_dim3A_133 = vector.broadcast %jit3A_128 : f32 to vector<2000x64xf32>
    %select_n3A_134 = arith.select %broadcast_in_dim3A_130, %broadcast_in_dim3A_132, %broadcast_in_dim3A_133 : vector<2000x64xi1>, vector<2000x64xf32>
    %add3A_135 = arith.addf %add3A_123, %select_n3A_134 : vector<2000x64xf32>
    %add3A_136 = arith.addf %dot_general3A_85, %add3A_135 : vector<2000x64xf32>
    %get3A_137 = arith.constant 0 : index
    %get3A_138 = arith.constant 0 : index
    %get3A_139 = vector.load %arg10[%get3A_137, %get3A_138] : memref<64x64xf32, #tpu.memory_space<vmem>>, vector<64x64xf32>
    %dot_general3A_140 = arith.constant dense<0.000000e+00> : vector<2000x64xf32>
    %dot_general3A_141 = tpu.matmul %add3A_78, %get3A_139, %dot_general3A_140 {dimension_numbers = #tpu.dot_dimension_numbers<[1], [0], [0], [1], [0, 0, 1, 1], [], []>, transpose_lhs_hint = false} : vector<2000x64xf32>, vector<64x64xf32>, vector<2000x64xf32> -> vector<2000x64xf32>
    %concatenate3A = tpu.concatenate %add3A_136, %dot_general3A_141 in 1 : vector<2000x64xf32>, vector<2000x64xf32> -> vector<2000x128xf32>
    %swap3A_142 = arith.constant 0 : index
    %swap3A_143 = arith.constant 0 : index
    %swap3A_144 = vector.load %arg13[%swap3A_142, %swap3A_143] : memref<2000x128xf32, #tpu.memory_space<vmem>>, vector<2000x128xf32>
    tpu.vector_store %arg13[%swap3A_142, %swap3A_143], %concatenate3A {strides = array<i32>} : memref<2000x128xf32, #tpu.memory_space<vmem>>, vector<2000x128xf32>,
    return
  }
  func.func @transform_0(%arg0: i32) -> (i32, i32) {
    %c0_i32 = arith.constant 0 : i32
    %c0_i32_0 = arith.constant 0 : i32
    return %arg0, %c0_i32 : i32, i32
  }
  func.func @transform_1(%arg0: i32) -> (i32, i32) {
    %c0_i32 = arith.constant 0 : i32
    %c0_i32_0 = arith.constant 0 : i32
    return %arg0, %c0_i32 : i32, i32
  }
  func.func @transform_2(%arg0: i32) -> (i32, i32) {
    %c0_i32 = arith.constant 0 : i32
    %c0_i32_0 = arith.constant 0 : i32
    return %arg0, %c0_i32 : i32, i32
  }
  func.func @transform_3(%arg0: i32) -> (i32, i32) {
    %c0_i32 = arith.constant 0 : i32
    %c0_i32_0 = arith.constant 0 : i32
    %c0_i32_1 = arith.constant 0 : i32
    return %c0_i32, %c0_i32_0 : i32, i32
  }
  func.func @transform_4(%arg0: i32) -> (i32, i32) {
    %c0_i32 = arith.constant 0 : i32
    %c0_i32_0 = arith.constant 0 : i32
    %c0_i32_1 = arith.constant 0 : i32
    return %c0_i32, %c0_i32_0 : i32, i32
  }
  func.func @transform_5(%arg0: i32) -> (i32, i32) {
    %c0_i32 = arith.constant 0 : i32
    %c0_i32_0 = arith.constant 0 : i32
    %c0_i32_1 = arith.constant 0 : i32
    return %c0_i32, %c0_i32_0 : i32, i32
  }
  func.func @transform_6(%arg0: i32) -> (i32, i32) {
    %c0_i32 = arith.constant 0 : i32
    %c0_i32_0 = arith.constant 0 : i32
    %c0_i32_1 = arith.constant 0 : i32
    return %c0_i32, %c0_i32_0 : i32, i32
  }
  func.func @transform_7(%arg0: i32) -> (i32, i32) {
    %c0_i32 = arith.constant 0 : i32
    %c0_i32_0 = arith.constant 0 : i32
    %c0_i32_1 = arith.constant 0 : i32
    return %c0_i32, %c0_i32_0 : i32, i32
  }
  func.func @transform_8(%arg0: i32) -> (i32, i32) {
    %c0_i32 = arith.constant 0 : i32
    %c0_i32_0 = arith.constant 0 : i32
    %c0_i32_1 = arith.constant 0 : i32
    return %c0_i32, %c0_i32_0 : i32, i32
  }
  func.func @transform_9(%arg0: i32) -> (i32, i32) {
    %c0_i32 = arith.constant 0 : i32
    %c0_i32_0 = arith.constant 0 : i32
    %c0_i32_1 = arith.constant 0 : i32
    return %c0_i32, %c0_i32_0 : i32, i32
  }
  func.func @transform_10(%arg0: i32) -> (i32, i32) {
    %c0_i32 = arith.constant 0 : i32
    %c0_i32_0 = arith.constant 0 : i32
    %c0_i32_1 = arith.constant 0 : i32
    return %c0_i32, %c0_i32_0 : i32, i32
  }
  func.func @transform_11(%arg0: i32) -> (i32, i32) {
    %c0_i32 = arith.constant 0 : i32
    %c0_i32_0 = arith.constant 0 : i32
    return %arg0, %c0_i32 : i32, i32
  }
  func.func @transform_12(%arg0: i32) -> (i32, i32) {
    %c0_i32 = arith.constant 0 : i32
    %c0_i32_0 = arith.constant 0 : i32
    return %arg0, %c0_i32 : i32, i32
  }
}

module attributes {stable_mosaic.version = 14 : i64} {
  func.func @_node_dec_body(%arg0: i32, %arg1: memref<2000x64xf32, #tpu.memory_space<vmem>>, %arg2: memref<2000x64xf32, #tpu.memory_space<vmem>>, %arg3: memref<2000x1xi32, #tpu.memory_space<vmem>>, %arg4: memref<64x64xf32, #tpu.memory_space<vmem>>, %arg5: memref<64x64xf32, #tpu.memory_space<vmem>>, %arg6: memref<4x64xf32, #tpu.memory_space<vmem>>, %arg7: memref<64x64xf32, #tpu.memory_space<vmem>>, %arg8: memref<1x64xf32, #tpu.memory_space<vmem>>, %arg9: memref<64x64xf32, #tpu.memory_space<vmem>>, %arg10: memref<1x64xf32, #tpu.memory_space<vmem>>, %arg11: memref<64x3xf32, #tpu.memory_space<vmem>>, %arg12: memref<1x3xf32, #tpu.memory_space<vmem>>, %arg13: memref<2000x3xf32, #tpu.memory_space<vmem>>) attributes {dimension_semantics = [#tpu.dimension_semantics<arbitrary>], iteration_bounds = array<i64: 25>, scalar_prefetch = 0 : i64, scratch_operands = 0 : i64, tpu.core_type = #tpu.core_type<tc>, window_params = [{transform_indices = @transform_0, window_bounds = array<i64: 2000, 64>}, {transform_indices = @transform_1, window_bounds = array<i64: 2000, 64>}, {transform_indices = @transform_2, window_bounds = array<i64: 2000, 1>}, {pipeline_mode = #tpu.pipeline_mode<synchronous>, transform_indices = @transform_3, window_bounds = array<i64: 64, 64>}, {pipeline_mode = #tpu.pipeline_mode<synchronous>, transform_indices = @transform_4, window_bounds = array<i64: 64, 64>}, {pipeline_mode = #tpu.pipeline_mode<synchronous>, transform_indices = @transform_5, window_bounds = array<i64: 4, 64>}, {pipeline_mode = #tpu.pipeline_mode<synchronous>, transform_indices = @transform_6, window_bounds = array<i64: 64, 64>}, {pipeline_mode = #tpu.pipeline_mode<synchronous>, transform_indices = @transform_7, window_bounds = array<i64: 1, 64>}, {pipeline_mode = #tpu.pipeline_mode<synchronous>, transform_indices = @transform_8, window_bounds = array<i64: 64, 64>}, {pipeline_mode = #tpu.pipeline_mode<synchronous>, transform_indices = @transform_9, window_bounds = array<i64: 1, 64>}, {pipeline_mode = #tpu.pipeline_mode<synchronous>, transform_indices = @transform_10, window_bounds = array<i64: 64, 3>}, {pipeline_mode = #tpu.pipeline_mode<synchronous>, transform_indices = @transform_11, window_bounds = array<i64: 1, 3>}, {transform_indices = @transform_12, window_bounds = array<i64: 2000, 3>}]} {
    %get3A = arith.constant 0 : index
    %get3A_0 = arith.constant 0 : index
    %get3A_1 = vector.load %arg1[%get3A, %get3A_0] : memref<2000x64xf32, #tpu.memory_space<vmem>>, vector<2000x64xf32>
    %get3A_2 = arith.constant 0 : index
    %get3A_3 = arith.constant 0 : index
    %get3A_4 = vector.load %arg4[%get3A_2, %get3A_3] : memref<64x64xf32, #tpu.memory_space<vmem>>, vector<64x64xf32>
    %dot_general3A = arith.constant dense<0.000000e+00> : vector<2000x64xf32>
    %dot_general3A_5 = tpu.matmul %get3A_1, %get3A_4, %dot_general3A {dimension_numbers = #tpu.dot_dimension_numbers<[1], [0], [0], [1], [0, 0, 1, 1], [], []>, transpose_lhs_hint = false} : vector<2000x64xf32>, vector<64x64xf32>, vector<2000x64xf32> -> vector<2000x64xf32>
    %get3A_6 = arith.constant 0 : index
    %get3A_7 = arith.constant 0 : index
    %get3A_8 = vector.load %arg2[%get3A_6, %get3A_7] : memref<2000x64xf32, #tpu.memory_space<vmem>>, vector<2000x64xf32>
    %get3A_9 = arith.constant 0 : index
    %get3A_10 = arith.constant 0 : index
    %get3A_11 = vector.load %arg5[%get3A_9, %get3A_10] : memref<64x64xf32, #tpu.memory_space<vmem>>, vector<64x64xf32>
    %dot_general3A_12 = arith.constant dense<0.000000e+00> : vector<2000x64xf32>
    %dot_general3A_13 = tpu.matmul %get3A_8, %get3A_11, %dot_general3A_12 {dimension_numbers = #tpu.dot_dimension_numbers<[1], [0], [0], [1], [0, 0, 1, 1], [], []>, transpose_lhs_hint = false} : vector<2000x64xf32>, vector<64x64xf32>, vector<2000x64xf32> -> vector<2000x64xf32>
    %add3A = arith.addf %dot_general3A_5, %dot_general3A_13 : vector<2000x64xf32>
    %get3A_14 = arith.constant 0 : index
    %get3A_15 = arith.constant 0 : index
    %get3A_16 = vector.load %arg3[%get3A_14, %get3A_15] : memref<2000x1xi32, #tpu.memory_space<vmem>>, vector<2000x1xi32>
    %get3A_17 = arith.constant 0 : index
    %get3A_18 = arith.constant 0 : index
    %get3A_19 = vector.load %arg6[%get3A_17, %get3A_18] : memref<4x64xf32, #tpu.memory_space<vmem>>, vector<4x64xf32>
    %eq3A = arith.constant 0 : i32
    %eq3A_20 = vector.broadcast %eq3A : i32 to vector<2000x1xi32>
    %eq3A_21 = arith.cmpi eq, %get3A_16, %eq3A_20 : vector<2000x1xi32>
    %slice3A = vector.extract_strided_slice %get3A_19 {offsets = [0, 0], sizes = [1, 64], strides = [1, 1]} : vector<4x64xf32> to vector<1x64xf32>
    %jit3A = arith.constant 0.000000e+00 : f32
    %broadcast_in_dim3A = vector.shape_cast %eq3A_21 : vector<2000x1xi1> to vector<2000x1xi1>
    %broadcast_in_dim3A_22 = vector.broadcast %broadcast_in_dim3A : vector<2000x1xi1> to vector<2000x64xi1>
    %broadcast_in_dim3A_23 = vector.shape_cast %slice3A : vector<1x64xf32> to vector<1x64xf32>
    %broadcast_in_dim3A_24 = vector.broadcast %broadcast_in_dim3A_23 : vector<1x64xf32> to vector<2000x64xf32>
    %broadcast_in_dim3A_25 = vector.broadcast %jit3A : f32 to vector<2000x64xf32>
    %select_n3A = arith.select %broadcast_in_dim3A_22, %broadcast_in_dim3A_24, %broadcast_in_dim3A_25 : vector<2000x64xi1>, vector<2000x64xf32>
    %eq3A_26 = arith.constant 1 : i32
    %eq3A_27 = vector.broadcast %eq3A_26 : i32 to vector<2000x1xi32>
    %eq3A_28 = arith.cmpi eq, %get3A_16, %eq3A_27 : vector<2000x1xi32>
    %slice3A_29 = vector.extract_strided_slice %get3A_19 {offsets = [1, 0], sizes = [1, 64], strides = [1, 1]} : vector<4x64xf32> to vector<1x64xf32>
    %jit3A_30 = arith.constant 0.000000e+00 : f32
    %broadcast_in_dim3A_31 = vector.shape_cast %eq3A_28 : vector<2000x1xi1> to vector<2000x1xi1>
    %broadcast_in_dim3A_32 = vector.broadcast %broadcast_in_dim3A_31 : vector<2000x1xi1> to vector<2000x64xi1>
    %broadcast_in_dim3A_33 = vector.shape_cast %slice3A_29 : vector<1x64xf32> to vector<1x64xf32>
    %broadcast_in_dim3A_34 = vector.broadcast %broadcast_in_dim3A_33 : vector<1x64xf32> to vector<2000x64xf32>
    %broadcast_in_dim3A_35 = vector.broadcast %jit3A_30 : f32 to vector<2000x64xf32>
    %select_n3A_36 = arith.select %broadcast_in_dim3A_32, %broadcast_in_dim3A_34, %broadcast_in_dim3A_35 : vector<2000x64xi1>, vector<2000x64xf32>
    %add3A_37 = arith.addf %select_n3A, %select_n3A_36 : vector<2000x64xf32>
    %eq3A_38 = arith.constant 2 : i32
    %eq3A_39 = vector.broadcast %eq3A_38 : i32 to vector<2000x1xi32>
    %eq3A_40 = arith.cmpi eq, %get3A_16, %eq3A_39 : vector<2000x1xi32>
    %slice3A_41 = vector.extract_strided_slice %get3A_19 {offsets = [2, 0], sizes = [1, 64], strides = [1, 1]} : vector<4x64xf32> to vector<1x64xf32>
    %jit3A_42 = arith.constant 0.000000e+00 : f32
    %broadcast_in_dim3A_43 = vector.shape_cast %eq3A_40 : vector<2000x1xi1> to vector<2000x1xi1>
    %broadcast_in_dim3A_44 = vector.broadcast %broadcast_in_dim3A_43 : vector<2000x1xi1> to vector<2000x64xi1>
    %broadcast_in_dim3A_45 = vector.shape_cast %slice3A_41 : vector<1x64xf32> to vector<1x64xf32>
    %broadcast_in_dim3A_46 = vector.broadcast %broadcast_in_dim3A_45 : vector<1x64xf32> to vector<2000x64xf32>
    %broadcast_in_dim3A_47 = vector.broadcast %jit3A_42 : f32 to vector<2000x64xf32>
    %select_n3A_48 = arith.select %broadcast_in_dim3A_44, %broadcast_in_dim3A_46, %broadcast_in_dim3A_47 : vector<2000x64xi1>, vector<2000x64xf32>
    %add3A_49 = arith.addf %add3A_37, %select_n3A_48 : vector<2000x64xf32>
    %eq3A_50 = arith.constant 3 : i32
    %eq3A_51 = vector.broadcast %eq3A_50 : i32 to vector<2000x1xi32>
    %eq3A_52 = arith.cmpi eq, %get3A_16, %eq3A_51 : vector<2000x1xi32>
    %slice3A_53 = vector.extract_strided_slice %get3A_19 {offsets = [3, 0], sizes = [1, 64], strides = [1, 1]} : vector<4x64xf32> to vector<1x64xf32>
    %jit3A_54 = arith.constant 0.000000e+00 : f32
    %broadcast_in_dim3A_55 = vector.shape_cast %eq3A_52 : vector<2000x1xi1> to vector<2000x1xi1>
    %broadcast_in_dim3A_56 = vector.broadcast %broadcast_in_dim3A_55 : vector<2000x1xi1> to vector<2000x64xi1>
    %broadcast_in_dim3A_57 = vector.shape_cast %slice3A_53 : vector<1x64xf32> to vector<1x64xf32>
    %broadcast_in_dim3A_58 = vector.broadcast %broadcast_in_dim3A_57 : vector<1x64xf32> to vector<2000x64xf32>
    %broadcast_in_dim3A_59 = vector.broadcast %jit3A_54 : f32 to vector<2000x64xf32>
    %select_n3A_60 = arith.select %broadcast_in_dim3A_56, %broadcast_in_dim3A_58, %broadcast_in_dim3A_59 : vector<2000x64xi1>, vector<2000x64xf32>
    %add3A_61 = arith.addf %add3A_49, %select_n3A_60 : vector<2000x64xf32>
    %add3A_62 = arith.addf %add3A, %add3A_61 : vector<2000x64xf32>
    %max3A = arith.constant 0.000000e+00 : f32
    %max3A_63 = vector.broadcast %max3A : f32 to vector<2000x64xf32>
    %max3A_64 = arith.maximumf %add3A_62, %max3A_63 : vector<2000x64xf32>
    %get3A_65 = arith.constant 0 : index
    %get3A_66 = arith.constant 0 : index
    %get3A_67 = vector.load %arg7[%get3A_65, %get3A_66] : memref<64x64xf32, #tpu.memory_space<vmem>>, vector<64x64xf32>
    %dot_general3A_68 = arith.constant dense<0.000000e+00> : vector<2000x64xf32>
    %dot_general3A_69 = tpu.matmul %max3A_64, %get3A_67, %dot_general3A_68 {dimension_numbers = #tpu.dot_dimension_numbers<[1], [0], [0], [1], [0, 0, 1, 1], [], []>, transpose_lhs_hint = false} : vector<2000x64xf32>, vector<64x64xf32>, vector<2000x64xf32> -> vector<2000x64xf32>
    %get3A_70 = arith.constant 0 : index
    %get3A_71 = arith.constant 0 : index
    %get3A_72 = vector.load %arg8[%get3A_70, %get3A_71] : memref<1x64xf32, #tpu.memory_space<vmem>>, vector<1x64xf32>
    %add3A_73 = vector.broadcast %get3A_72 : vector<1x64xf32> to vector<2000x64xf32>
    %add3A_74 = arith.addf %dot_general3A_69, %add3A_73 : vector<2000x64xf32>
    %get3A_75 = arith.constant 0 : index
    %get3A_76 = arith.constant 0 : index
    %get3A_77 = vector.load %arg1[%get3A_75, %get3A_76] : memref<2000x64xf32, #tpu.memory_space<vmem>>, vector<2000x64xf32>
    %add3A_78 = arith.addf %add3A_74, %get3A_77 : vector<2000x64xf32>
    %get3A_79 = arith.constant 0 : index
    %get3A_80 = arith.constant 0 : index
    %get3A_81 = vector.load %arg9[%get3A_79, %get3A_80] : memref<64x64xf32, #tpu.memory_space<vmem>>, vector<64x64xf32>
    %dot_general3A_82 = arith.constant dense<0.000000e+00> : vector<2000x64xf32>
    %dot_general3A_83 = tpu.matmul %add3A_78, %get3A_81, %dot_general3A_82 {dimension_numbers = #tpu.dot_dimension_numbers<[1], [0], [0], [1], [0, 0, 1, 1], [], []>, transpose_lhs_hint = false} : vector<2000x64xf32>, vector<64x64xf32>, vector<2000x64xf32> -> vector<2000x64xf32>
    %get3A_84 = arith.constant 0 : index
    %get3A_85 = arith.constant 0 : index
    %get3A_86 = vector.load %arg10[%get3A_84, %get3A_85] : memref<1x64xf32, #tpu.memory_space<vmem>>, vector<1x64xf32>
    %add3A_87 = vector.broadcast %get3A_86 : vector<1x64xf32> to vector<2000x64xf32>
    %add3A_88 = arith.addf %dot_general3A_83, %add3A_87 : vector<2000x64xf32>
    %max3A_89 = arith.constant 0.000000e+00 : f32
    %max3A_90 = vector.broadcast %max3A_89 : f32 to vector<2000x64xf32>
    %max3A_91 = arith.maximumf %add3A_88, %max3A_90 : vector<2000x64xf32>
    %get3A_92 = arith.constant 0 : index
    %get3A_93 = arith.constant 0 : index
    %get3A_94 = vector.load %arg11[%get3A_92, %get3A_93] : memref<64x3xf32, #tpu.memory_space<vmem>>, vector<64x3xf32>
    %dot_general3A_95 = arith.constant dense<0.000000e+00> : vector<2000x3xf32>
    %dot_general3A_96 = tpu.matmul %max3A_91, %get3A_94, %dot_general3A_95 {dimension_numbers = #tpu.dot_dimension_numbers<[1], [0], [0], [1], [0, 0, 1, 1], [], []>, transpose_lhs_hint = false} : vector<2000x64xf32>, vector<64x3xf32>, vector<2000x3xf32> -> vector<2000x3xf32>
    %get3A_97 = arith.constant 0 : index
    %get3A_98 = arith.constant 0 : index
    %get3A_99 = vector.load %arg12[%get3A_97, %get3A_98] : memref<1x3xf32, #tpu.memory_space<vmem>>, vector<1x3xf32>
    %add3A_100 = vector.broadcast %get3A_99 : vector<1x3xf32> to vector<2000x3xf32>
    %add3A_101 = arith.addf %dot_general3A_96, %add3A_100 : vector<2000x3xf32>
    %swap3A = arith.constant 0 : index
    %swap3A_102 = arith.constant 0 : index
    %swap3A_103 = vector.load %arg13[%swap3A, %swap3A_102] : memref<2000x3xf32, #tpu.memory_space<vmem>>, vector<2000x3xf32>
    tpu.vector_store %arg13[%swap3A, %swap3A_102], %add3A_101 {strides = array<i32>} : memref<2000x3xf32, #tpu.memory_space<vmem>>, vector<2000x3xf32>,
    return
  }
  func.func @transform_0(%arg0: i32) -> (i32, i32) {
    %c0_i32 = arith.constant 0 : i32
    %c0_i32_0 = arith.constant 0 : i32
    return %arg0, %c0_i32 : i32, i32
  }
  func.func @transform_1(%arg0: i32) -> (i32, i32) {
    %c0_i32 = arith.constant 0 : i32
    %c0_i32_0 = arith.constant 0 : i32
    return %arg0, %c0_i32 : i32, i32
  }
  func.func @transform_2(%arg0: i32) -> (i32, i32) {
    %c0_i32 = arith.constant 0 : i32
    %c0_i32_0 = arith.constant 0 : i32
    return %arg0, %c0_i32 : i32, i32
  }
  func.func @transform_3(%arg0: i32) -> (i32, i32) {
    %c0_i32 = arith.constant 0 : i32
    %c0_i32_0 = arith.constant 0 : i32
    %c0_i32_1 = arith.constant 0 : i32
    return %c0_i32, %c0_i32_0 : i32, i32
  }
  func.func @transform_4(%arg0: i32) -> (i32, i32) {
    %c0_i32 = arith.constant 0 : i32
    %c0_i32_0 = arith.constant 0 : i32
    %c0_i32_1 = arith.constant 0 : i32
    return %c0_i32, %c0_i32_0 : i32, i32
  }
  func.func @transform_5(%arg0: i32) -> (i32, i32) {
    %c0_i32 = arith.constant 0 : i32
    %c0_i32_0 = arith.constant 0 : i32
    %c0_i32_1 = arith.constant 0 : i32
    return %c0_i32, %c0_i32_0 : i32, i32
  }
  func.func @transform_6(%arg0: i32) -> (i32, i32) {
    %c0_i32 = arith.constant 0 : i32
    %c0_i32_0 = arith.constant 0 : i32
    %c0_i32_1 = arith.constant 0 : i32
    return %c0_i32, %c0_i32_0 : i32, i32
  }
  func.func @transform_7(%arg0: i32) -> (i32, i32) {
    %c0_i32 = arith.constant 0 : i32
    %c0_i32_0 = arith.constant 0 : i32
    %c0_i32_1 = arith.constant 0 : i32
    return %c0_i32, %c0_i32_0 : i32, i32
  }
  func.func @transform_8(%arg0: i32) -> (i32, i32) {
    %c0_i32 = arith.constant 0 : i32
    %c0_i32_0 = arith.constant 0 : i32
    %c0_i32_1 = arith.constant 0 : i32
    return %c0_i32, %c0_i32_0 : i32, i32
  }
  func.func @transform_9(%arg0: i32) -> (i32, i32) {
    %c0_i32 = arith.constant 0 : i32
    %c0_i32_0 = arith.constant 0 : i32
    %c0_i32_1 = arith.constant 0 : i32
    return %c0_i32, %c0_i32_0 : i32, i32
  }
  func.func @transform_10(%arg0: i32) -> (i32, i32) {
    %c0_i32 = arith.constant 0 : i32
    %c0_i32_0 = arith.constant 0 : i32
    %c0_i32_1 = arith.constant 0 : i32
    return %c0_i32, %c0_i32_0 : i32, i32
  }
  func.func @transform_11(%arg0: i32) -> (i32, i32) {
    %c0_i32 = arith.constant 0 : i32
    %c0_i32_0 = arith.constant 0 : i32
    %c0_i32_1 = arith.constant 0 : i32
    return %c0_i32, %c0_i32_0 : i32, i32
  }
  func.func @transform_12(%arg0: i32) -> (i32, i32) {
    %c0_i32 = arith.constant 0 : i32
    %c0_i32_0 = arith.constant 0 : i32
    return %arg0, %c0_i32 : i32, i32
  }
}

</mosaic_0001>

<sc_bundles>
// kernel: kernel.13.cloned.1.call-start
scs
__scs_entry_jumppad:
0x0: {  	(pc) =	sbr.rel $0x88, $3  }
0x1: {  	(tag) =	ssettag $0x0;
	lr =	simm.s32 $0x1  }
0x2: {  	[smem:$0x3F7C] =	sst lr;
	_ =	strace $0xD0000000  }
0x3: {  	_ = 	snop  }
0x4: {  	_ = 	snop  }
0x5: {  	_ = 	snop  }
0x6: {  	_ = 	snop  }
0x7: {  	_ = 	snop  }
__scs_overlays_trampoline_lowered:
0x8: {  	[smem:$0x3F8B] =	sst s0  }
0x9: {  	[smem:$0x3F8C] =	sst s1  }
0xa: {  	[smem:$0x3F8D] =	sst s2  }
0xb: {  	[smem:$0x3F8E] =	sst s3  }
0xc: {  	[smem:$0x3F8F] =	sst s4  }
0xd: {  	[smem:$0x3F90] =	sst s5  }
0xe: {  	[smem:$0x3F91] =	sst s6  }
0xf: {  	[smem:$0x3F92] =	sst s7  }
0x10: {  	[smem:$0x3F93] =	sst s8  }
0x11: {  	[smem:$0x3F94] =	sst s9;
	s0 =	simm.s32 @!p0 $0x0  }
0x12: {  	s1 =	sld [smem:$0x3F7A];
	s0 =	simm.s32 @p0 $0x1  }
0x13: {  	[smem:$0x3F95] =	sst s0;
	s0 =	simm.s32 @!p1 $0x0  }
0x14: {  	s2 =	sld [smem:$0x3F79];
	s0 =	simm.s32 @p1 $0x1  }
0x15: {  	[smem:$0x3F96] =	sst s0;
	s0 =	simm.s32 @!p2 $0x0  }
0x16: {  	s3 =	sld [smem:$0x3FDB];
	s0 =	simm.s32 @p2 $0x1  }
0x17: {  	s4 =	simm.s32 $0x1BF5;
	[smem:$0x3F98] =	sst s0  }
0x18: {  	s0 =	sld [smem:$0x3F7B];
	_ =	swait.ge [sflag:s4], $0x0  }
0x19: {  	s7 =	sld [smem:$0x3F7C]  }
0x1a: {  	s8 =	sadd.s32 $0xFFFFE003, lr  }
0x1b: {  	s9 =	sadd.s32 $0xFFFFFEF7, lr;
	s5 =	simm.s32 $0xFFFFFFFF;
	p2 =	slt.u32 s8, $0xFFFFF086  }
0x1c: {  	p1 =	slt.u32 s9, $0xF7A;
	s5 =	simm.s32 @!p2 $0x0  }
0x1d: {  	s5 =	simm.s32 @p1 $0x1;
	p0 =	seq.s32 s7, s2  }
0x1e: {  	s7 =	smul.u32 @!p0 $0xF7A, s2;
	p2 =	seq.s32 @!p0 s5, $0x0  }
0x1f: {  	s9 =	smul.u32 $0xF7A, s1;
	s8 =	simm.s32 @!p0 $0x1BF5;
	p2 =	por !p2, p0  }
0x20: {  	[sflag:s8] =	ssyncset.s32 @!p0 $0xFFFFF086;
	s6 =	sadd.s32 @!p0 s3, s7;
	s7 =	simm.s32 @!p0 $0x108  }
0x21: {  	s3 =	sadd.s32 s3, s9;
	s6 =	sadd.s32 @!p0 $0x88, s6;
	s7 =	simm.s32 @p2 $0x1082  }
0x22: {  	[simem:s7], [sflag:s8] =	dma.local @!p0 [hbm:s6], $0xF7A  }
0x23: {  	s9 =	sor.u32 $0xD0000000, s2;
	s6 =	simm.s32 $0x108;
	_ =	swait.ge @!p0 [sflag:s8], $0x0  }
0x24: {  	s3 =	sadd.s32 $0x88, s3;
	s6 =	simm.s32 @!p1 $0x1082;
	[sflag:s4] =	ssyncset.s32 $0xFFFFF086  }
0x25: {  	[simem:s6], [sflag:s4] =	dma.local [hbm:s3], $0xF7A  }
0x26: {  	[smem:$0x3F7C] =	sst s1;
	(tag) =	ssettag s2;
	_ =	strace s9  }
0x27: {  	s1 =	sld [smem:$0x3F8C]  }
0x28: {  	s2 =	sld [smem:$0x3F8D]  }
0x29: {  	s4 =	sld [smem:$0x3F8F]  }
0x2a: {  	p0 =	seq.s32 s5, $0x0;
	s5 =	sld [smem:$0x3F90]  }
0x2b: {  	s6 =	sld [smem:$0x3F91]  }
0x2c: {  	s7 =	sld [smem:$0x3F92]  }
0x2d: {  	s3 =	simm.s32 $0x108;
	s8 =	sld [smem:$0x3F93]  }
0x2e: {  	s3 =	simm.s32 @!p0 $0x1082;
	s9 =	sld [smem:$0x3F94]  }
0x2f: {  	lr =	sadd.s32 s0, s3;
	s0 =	sld [smem:$0x3F8B]  }
0x30: {  	s3 =	sld [smem:$0x3F8E]  }
0x31: {  	[smem:$0x3F97] =	sst s10  }
0x32: {  	s10 =	sld [smem:$0x3F95];
	_ =	sdelay $0x3  }
0x33: {  	p0 =	seq.s32 s10, $0x1;
	s10 =	sld [smem:$0x3F97];
	_ =	sdelay $0x3  }
0x34: {  	[smem:$0x3F97] =	sst s10  }
0x35: {  	s10 =	sld [smem:$0x3F96];
	_ =	sdelay $0x3  }
0x36: {  	p1 =	seq.s32 s10, $0x1;
	s10 =	sld [smem:$0x3F97];
	_ =	sdelay $0x3  }
0x37: {  	[smem:$0x3F97] =	sst s10  }
0x38: {  	s10 =	sld [smem:$0x3F98]  }
0x39: {  	_ = 	snop;
	(pc) =	sbr.ind lr, $3  }
0x3a: {  	_ = 	snop  }
0x3b: {  	_ = 	snop  }
0x3c: {  	p2 =	seq.s32 s10, $0x1;
	s10 =	sld [smem:$0x3F97]  }
0x3d: {  	_ =	shalt  }
0x3e: {  	_ =	shalt  }
0x3f: {  	_ =	shalt  }
0x40: {  	_ =	shalt  }
0x41: {  	_ =	shalt  }
0x42: {  	_ =	shalt  }
0x43: {  	_ =	shalt  }
0x44: {  	_ =	shalt  }
0x45: {  	_ =	shalt  }
0x46: {  	_ =	shalt  }
0x47: {  	_ =	shalt  }
0x48: {  	_ =	shalt  }
0x49: {  	_ =	shalt  }
0x4a: {  	_ =	shalt  }
0x4b: {  	_ =	shalt  }
0x4c: {  	_ =	shalt  }
0x4d: {  	_ =	shalt  }
0x4e: {  	_ =	shalt  }
0x4f: {  	_ =	shalt  }
0x50: {  	_ =	shalt  }
0x51: {  	_ =	shalt  }
0x52: {  	_ =	shalt  }
0x53: {  	_ =	shalt  }
0x54: {  	_ =	shalt  }
0x55: {  	_ =	shalt  }
0x56: {  	_ =	shalt  }
0x57: {  	_ =	shalt  }
0x58: {  	_ =	shalt  }
0x59: {  	_ =	shalt  }
0x5a: {  	_ =	shalt  }
0x5b: {  	_ =	shalt  }
0x5c: {  	_ =	shalt  }
0x5d: {  	_ =	shalt  }
0x5e: {  	_ =	shalt  }
0x5f: {  	_ =	shalt  }
0x60: {  	_ =	shalt  }
0x61: {  	_ =	shalt  }
0x62: {  	_ =	shalt  }
0x63: {  	_ =	shalt  }
0x64: {  	_ =	shalt  }
0x65: {  	_ =	shalt  }
0x66: {  	_ =	shalt  }
0x67: {  	_ =	shalt  }
0x68: {  	_ =	shalt  }
0x69: {  	_ =	shalt  }
0x6a: {  	_ =	shalt  }
0x6b: {  	_ =	shalt  }
0x6c: {  	_ =	shalt  }
0x6d: {  	_ =	shalt  }
0x6e: {  	_ =	shalt  }
0x6f: {  	_ =	shalt  }
0x70: {  	_ =	shalt  }
0x71: {  	_ =	shalt  }
0x72: {  	_ =	shalt  }
0x73: {  	_ =	shalt  }
0x74: {  	_ =	shalt  }
0x75: {  	_ =	shalt  }
0x76: {  	_ =	shalt  }
0x77: {  	_ =	shalt  }
0x78: {  	_ =	shalt  }
0x79: {  	_ =	shalt  }
0x7a: {  	_ =	shalt  }
0x7b: {  	_ =	shalt  }
0x7c: {  	_ =	shalt  }
0x7d: {  	_ =	shalt  }
0x7e: {  	_ =	shalt  }
0x7f: {  	_ =	shalt  }
0x80: {  	_ =	shalt  }
0x81: {  	_ =	shalt  }
0x82: {  	_ =	shalt  }
0x83: {  	_ =	shalt  }
0x84: {  	_ =	shalt  }
0x85: {  	_ =	shalt  }
0x86: {  	_ =	shalt  }
0x87: {  	_ =	shalt  }
.Lfunc_end0:
.L_simem_size_0:
called_computation_lowered:
.L_overlay_start_0:
0x88: {  	s2 =	sld [smem:$0x3FD9]  }
0x89: {  	s3 =	sld [smem:$0x3FFE];
	_ =	sdelay $0x1  }
0x8a: {  	s1 =	srdreg.scid  }
0x8b: {  	s0 =	sand.u32 $0x1, s1  }
0x8c: {  	s16 =	sshll.u32 s0, $0xA;
	s2 =	sadd.s32 s3, s2  }
0x8d: {  	s2 =	sadd.s32 s2, s16  }
0x8e: {  	[smem:$0x3FA3] =	sst s2  }
0x8f: {  	_ = 	snop  }
0x90: {  	(tm) =	ssettm $0x1  }
0x91: {  	s17 =	sld [smem:$0x3FFB];
	_ =	sdelay $0x3  }
0x92: {  	_ =	strace s17  }
0x93: {  	s2 =	sld [smem:$0x3FFC];
	_ =	sdelay $0x3  }
0x94: {  	_ =	strace s2  }
0x95: {  	s2 =	sld [smem:$0x3FFD];
	_ =	sdelay $0x3  }
0x96: {  	_ =	strace s2  }
0x97: {  	_ =	strace $0x8FFFFFFF  }
0x98: {  	s18 =	sld [smem:$0x3FDB];
	_ =	sdelay $0x1  }
0x99: {  	s19 =	simm.s32 $_scs_section_size  }
0x9a: {  	s4 =	simm.s32 $_size__tile_overlayer_lowered;
	s5 =	simm.s32 $_tile_overlayer_lowered  }
0x9b: {  	s22 =	simm.s32 $0x1BFF;
	s21 =	sshll.u32 s5, $0x1;
	s2 =	sadd.s32 s19, s18  }
0x9c: {  	s6 =	simm.s32 $0x0;
	s20 =	sshll.u32 s4, $0x1;
	s4 =	sadd.s32 s21, s2  }
0x9d: {  	[timem:s6], [sflag:s22] =	dma.local [hbm:s4], s20  }
0x9e: {  	_ =	swait.ge [sflag:s22], s20  }
0x9f: {  	s3 =	ssub.s32 $0x0, s20;
	[sflag:s22] =	ssyncset.done $0x0  }
0xa0: {  	[sflag:s22] =	ssyncadd.s32 s3;
	_ =	sdelay $0x1  }
0xa1: {  	s23 =	simm.s32 $0x1B8B  }
0xa2: {  	_ =	swait.ge [sflag:s23], $0x1  }
0xa3: {  	[sflag:s23] =	ssyncset.done $0x0  }
0xa4: {  	s25 =	simm.s32 $0x1B8E;
	s24 =	sld [smem:$0x3FFE];
	[sflag:s23] =	ssyncadd.s32 $0xFFFFFFFF  }
0xa5: {  	s26 =	simm.s32 $execute0_lowered;
	[smem:$0x3FD2] =	sst s25  }
0xa6: {  	s4 =	sshll.u32 s26, $0x1;
	_ =	strace $0x80000046;
	[dreg:$0x1] =	wrdreg $0xFFFFFFFF  }
0xa7: {  	s28 =	simm.s32 $_size_execute0_lowered;
	s2 =	sadd.s32 s2, s4;
	[dreg:$0x0] =	wrdreg $0x0  }
0xa8: {  	s4 =	sshll.u32 s28, $0x1;
	[dreg:$0x2] =	wrdreg s2  }
0xa9: {  	[dreg:$0x3] =	wrdreg s4  }
0xaa: {  	[dreg:$0x4] =	wrdreg $0xC0  }
0xab: {  	_ =	task [dreg:s6], $0x5FFFF  }
0xac: {  	[dreg:$0x1] =	wrdreg $0xFFFFFFFF  }
0xad: {  	[dreg:$0x0] =	wrdreg $0x60  }
0xae: {  	[dreg:$0x2] =	wrdreg s24  }
0xaf: {  	[dreg:$0x3] =	wrdreg $0x9  }
0xb0: {  	_ =	task.clear_ibuf [dreg:s6], $0x4FFFF;
	_ =	strace $0x90000046  }
0xb1: {  	s29 =	simm.s32 $0x9;
	_ =	strace $0x80000048  }
0xb2: {  	_ =	swait.ge [sflag:s29], $0x1  }
0xb3: {  	[sflag:s29] =	ssyncadd.s32 $0xFFFFFFFF  }
0xb4: {  	_ =	strace $0x90000048  }
0xb5: {  	_ =	sfence  }
0xb6: {  	s30 =	sld [smem:$0x0];
	_ =	sdelay $0x2  }
0xb7: {  	s31 =	sshll.u32 s1, $0xD;
	s1 =	sshrl.u32 s1, $0x2  }
0xb8: {  	s3 =	sand.u32 $0x4000, s31;
	s1 =	sadd.s32 s1, s30  }
0xb9: {  	s0 =	sor.u32 s3, s0;
	s1 =	sshll.u32 s1, $0x11  }
0xba: {  	s0 =	sor.u32 s1, s0  }
0xbb: {  	s0 =	sadd.s32 $0x8F2B, s0  }
0xbc: {  	[sflag:s0] =	ssyncadd.remote.s32 $0x1  }
0xbd: {  	_ =	sfence.sel $0xFFFF  }
0xbe: {  	[dreg:$0x0] =	wrdreg $0xFFFFFFFF;
	(pc) =	sbr.abs _section_cstart, $3  }
0xbf: {  	[dreg:$0x1] =	wrdreg $0xFFFFFFFF  }
0xc0: {  	_ =	task.clear_ibuf [dreg:s6], $0x2FFFF;
	_ =	strace $0x9FFFFFFF  }
0xc1: {  	(tm) =	ssettm $0x7FFFFFFF  }
tec
execute0_lowered:
.L_overlay_start_1:
0x0: {  	(tag) =	ssettag $0x1  }
0x1: {  	s1 =	srdreg.scid  }
0x2: {  	s0 =	stileid.u32;
	s5 =	rddreg [dreg:$0x0];
	s2 =	simm.s32 $0x0  }
0x3: {  	s11 =	simm.s32 $0x6400;
	s12 =	simm.s32 $0x1;
	s13 =	simm.s32 $0x2  }
0x4: {  	s14 =	simm.s32 $0xC800;
	s6 =	sand.u32 $0x1, s1;
	s3 =	sshll.u32 s0, $0x1  }
0x5: {  	s15 =	simm.s32 $0x6;
	s16 =	simm.s32 $0x3;
	s3 =	sor.u32 s6, s3  }
0x6: {  	s17 =	simm.s32 $0x4;
	s18 =	simm.s32 $0x14800;
	s7 =	smul.u32 $0xC80, s3  }
0x7: {  	s19 =	simm.s32 $0x0;
	s1 =	rddreg [dreg:$0x1];
	s3 =	smul.u32 $0xC8, s3  }
.Ltmp0:
0x8: {  	[smem:$0x7FF] =	sst s2;
	s6 =	ssub.s32 $0x2, s6;
	(pc) =	sbr.rel .LBB2_1-.Ltmp0, $4  }
0x9: {  	s4 =	sadd.s32 $0xFE200, s5;
	_ =	strace $0x80000047;
	s31 =	sshrl.u32 s6, $0x1  }
0xa: {  	s10 =	ssub.s32 s6, s31;
	s8 =	sadd.s32 s7, s5;
	s9 =	ssub.s32 $0x186A, s3  }
0xb: {  	s5 =	sadd.s32 $0x284E00, s5;
	s6 =	smin.u32 s9, $0xC8;
	s7 =	sadd.s32 $0xCC200, s8  }
0xc: {  	s8 =	sadd.s32 $0xE5200, s8;
	s9 =	smax.u32 s10, $0x1;
	s10 =	simm.s32 $0x5  }
.LBB2_11:
0xd: {  	s19 =	sadd.s32 $0x1, s19  }
0xe: {  	p0 =	sne.s32 s19, s9  }
.Ltmp1:
0xf: {  	_ = 	snop;
	(pc) =	sbr.rel @!p0 .LBB2_12-.Ltmp1, $1  }
0x10: {  	_ =	sdelay $0x3  }
.LBB2_1:
0x11: {  	[tilespmem:s2], [sflag:$0x5] =	stream.linear.gather [hbm4b:s7+s2], $0x6400, $0x38;
	[tilespmem:$0x1C800] =	vst v63  }
0x12: {  	_ =	swait.ge [sflag:s10], $0x6400  }
0x13: {  	[sflag:s10] =	ssyncset.done $0x0  }
.Ltmp2:
0x14: {  	[sflag:s10] =	ssyncadd.s32 $0xFFFF9C00;
	(pc) =	sbr.rel .LBB2_2-.Ltmp2, $4  }
0x15: {  	[tilespmem:s11], [sflag:$0x5] =	stream.linear.gather [hbm4b:s8+s2], $0x6400, $0x38;
	[tilespmem:$0x1C800] =	vst v63  }
0x16: {  	_ =	swait.ge [sflag:s10], $0x6400  }
0x17: {  	[sflag:s10] =	ssyncset.done $0x0  }
0x18: {  	s20 =	simm.s32 $0x0;
	[sflag:s10] =	ssyncadd.s32 $0xFFFF9C00  }
.LBB2_10:
0x19: {  	s20 =	sadd.s32 $0x1, s20  }
0x1a: {  	p0 =	sne.s32 s20, $0x64  }
.Ltmp3:
0x1b: {  	_ = 	snop;
	(pc) =	sbr.rel @!p0 .LBB2_11-.Ltmp3, $1  }
0x1c: {  	_ =	sdelay $0x3  }
.LBB2_2:
0x1d: {  	s22 =	sshll.u32 s20, $0x1  }
0x1e: {  	p1 =	sge.u32 s22, s6  }
0x1f: {  	s23 =	sshll.u32 @!p1 s20, $0x8;
	s24 =	simm.s32 @!p1 $0x80;
	s21 =	simm.s32 @!p1 $0xC800  }
0x20: {  	[tilespmem:s21], [sflag:$0x1] =	stream.indirect.gather @!p1 [hbm4b:s4+s24], $0x80, s23, s24, $0xb8;
	[tilespmem:$0x1C800] =	vst v63  }
0x21: {  	s25 =	simm.s32 @!p1 $0x10800;
	s21 =	sshllo.u32 s20, $0x1;
	s23 =	sadd.s32 @!p1 $0x6400, s23  }
0x22: {  	[tilespmem:s25], [sflag:$0x2] =	stream.indirect.gather @!p1 [hbm4b:s4+s24], $0x80, s23, s24, $0xb8;
	[tilespmem:$0x1C800] =	vst v63  }
.Ltmp4:
0x23: {  	p0 =	sge.u32 s21, s6;
	(pc) =	sbr.rel @p1 .LBB2_6-.Ltmp4, $4  }
0x24: {  	s23 =	sshll.u32 @!p0 s21, $0x7;
	s24 =	simm.s32 @!p0 $0x80;
	s25 =	simm.s32 @!p0 $0x14800  }
0x25: {  	[tilespmem:s25], [sflag:$0x3] =	stream.indirect.gather @!p0 [hbm4b:s4+s24], $0x80, s23, s24, $0xb8;
	[tilespmem:$0x1C800] =	vst v63  }
0x26: {  	s23 =	sadd.s32 @!p0 $0x6400, s23;
	s25 =	simm.s32 @!p0 $0x18800  }
0x27: {  	[tilespmem:s25], [sflag:$0x4] =	stream.indirect.gather @!p0 [hbm4b:s4+s24], $0x80, s23, s24, $0xb8;
	[tilespmem:$0x1C800] =	vst v63  }
0x28: {  	_ =	swait.ge [sflag:s12], $0x4000  }
0x29: {  	[sflag:s12] =	ssyncset.done $0x0  }
0x2a: {  	[sflag:s12] =	ssyncadd.s32 $0xFFFFC000  }
0x2b: {  	_ =	swait.ge [sflag:s13], $0x4000  }
0x2c: {  	[sflag:s13] =	ssyncset.done $0x0  }
0x2d: {  	s23 =	simm.s32 $0x0;
	[sflag:s13] =	ssyncadd.s32 $0xFFFFC000  }
0x2e: {  	v1 =	vld [tilespmem:s23+$0x10870]  }
0x2f: {  	v2 =	vld [tilespmem:s23+$0x10840]  }
0x30: {  	v0 =	vld [tilespmem:s23+$0x10850]  }
0x31: {  	s24 =	simm.s32 $0x200;
	v3 =	vld [tilespmem:s23+$0x10860]  }
.LBB2_4:
0x32: {  	p1 =	sne.s32 s24, $0xFE00  }
.Ltmp5:
0x33: {  	s25 =	sshra.s32 s24, $0x2;
	s24 =	sadd.s32 $0x200, s24;
	[tilespmem:s23+$0xC870] =	vst v1;
	(pc) =	sbr.rel @p1 .LBB2_4-.Ltmp5, $4  }
0x34: {  	v1 =	vld [tilespmem:s25+$0x10870];
	[tilespmem:s23+$0xC840] =	vst v2  }
0x35: {  	v2 =	vld [tilespmem:s25+$0x10840];
	[tilespmem:s23+$0xC850] =	vst v0  }
0x36: {  	v0 =	vld [tilespmem:s25+$0x10850];
	[tilespmem:s23+$0xC860] =	vst v3;
	s23 =	smov.u32 s25  }
0x37: {  	v3 =	vld [tilespmem:s23+$0x10860]  }
0x38: {  	_ = 	snop  }
0x39: {  	[tilespmem:s23+$0xC870] =	vst v1  }
0x3a: {  	s22 =	sadd.s32 s3, s22;
	[tilespmem:s23+$0xC840] =	vst v2  }
0x3b: {  	s22 =	sshll.u32 s22, $0xB;
	[tilespmem:s23+$0xC850] =	vst v0  }
0x3c: {  	s22 =	sadd.s32 s5, s22;
	[tilespmem:s23+$0xC860] =	vst v3  }
0x3d: {  	[hbm4b:s22+s2] =	stream.linear.scatter [tilespmem:s14], [sflag:$0x6], $0x4000, $0x38;
	[tilespmem:$0x1C800] =	vst v63  }
0x3e: {  	_ =	swait.ge [sflag:s15], $0x4000  }
0x3f: {  	[sflag:s15] =	ssyncset.done $0x0  }
0x40: {  	[sflag:s15] =	ssyncadd.s32 $0xFFFFC000  }
.LBB2_6:
.Ltmp6:
0x41: {  	(pc) =	sbr.rel @p0 .LBB2_10-.Ltmp6, $1  }
0x42: {  	_ =	sdelay $0x3  }
0x43: {  	_ =	swait.ge [sflag:s16], $0x4000  }
0x44: {  	[sflag:s16] =	ssyncset.done $0x0  }
0x45: {  	[sflag:s16] =	ssyncadd.s32 $0xFFFFC000  }
0x46: {  	_ =	swait.ge [sflag:s17], $0x4000  }
0x47: {  	[sflag:s17] =	ssyncset.done $0x0  }
0x48: {  	s22 =	simm.s32 $0x0;
	[sflag:s17] =	ssyncadd.s32 $0xFFFFC000  }
0x49: {  	v3 =	vld [tilespmem:s22+$0x18870]  }
0x4a: {  	v1 =	vld [tilespmem:s22+$0x18840]  }
0x4b: {  	v0 =	vld [tilespmem:s22+$0x18850]  }
0x4c: {  	s23 =	simm.s32 $0x200;
	v2 =	vld [tilespmem:s22+$0x18860]  }
.LBB2_8:
0x4d: {  	p0 =	sne.s32 s23, $0xFE00  }
.Ltmp7:
0x4e: {  	s24 =	sshra.s32 s23, $0x2;
	s23 =	sadd.s32 $0x200, s23;
	[tilespmem:s22+$0x14870] =	vst v3;
	(pc) =	sbr.rel @p0 .LBB2_8-.Ltmp7, $4  }
0x4f: {  	v3 =	vld [tilespmem:s24+$0x18870];
	[tilespmem:s22+$0x14840] =	vst v1  }
0x50: {  	v1 =	vld [tilespmem:s24+$0x18840];
	[tilespmem:s22+$0x14850] =	vst v0  }
0x51: {  	v0 =	vld [tilespmem:s24+$0x18850];
	[tilespmem:s22+$0x14860] =	vst v2;
	s22 =	smov.u32 s24  }
0x52: {  	v2 =	vld [tilespmem:s22+$0x18860]  }
0x53: {  	_ = 	snop  }
0x54: {  	s21 =	sadd.s32 s3, s21;
	[tilespmem:s22+$0x14870] =	vst v3  }
0x55: {  	s21 =	sshll.u32 s21, $0xB;
	[tilespmem:s22+$0x14840] =	vst v1  }
0x56: {  	s21 =	sand.u32 $0x1FFFF800, s21;
	[tilespmem:s22+$0x14850] =	vst v0  }
.Ltmp8:
0x57: {  	s21 =	sadd.s32 s5, s21;
	[tilespmem:s22+$0x14860] =	vst v2;
	(pc) =	sbr.rel .LBB2_10-.Ltmp8, $4  }
0x58: {  	[hbm4b:s21+s2] =	stream.linear.scatter [tilespmem:s18], [sflag:$0x5], $0x4000, $0x38;
	[tilespmem:$0x1C800] =	vst v63  }
0x59: {  	_ =	swait.ge [sflag:s10], $0x4000  }
0x5a: {  	[sflag:s10] =	ssyncset.done $0x0  }
0x5b: {  	[sflag:s10] =	ssyncadd.s32 $0xFFFFC000  }
.LBB2_12:
0x5c: {  	_ =	sfence.sel $0x180000  }
0x5d: {  	[bflag:$0x0] =	sbarrier.arrive $0xFFFF  }
0x5e: {  	p0 =	sne.s32 s0, $0x0;
	_ =	strace $0x90000047  }
0x5f: {  	s0 =	sadd.s32 @!p0 $0x100000, s1;
	[bflag:$0x2] =	sbarrier.arrive $0xFFFF  }
0x60: {  	[sflag:s0] =	ssyncadd.tile.s32 @!p0 $0x1;
	_ =	shalt  }
.Lfunc_end2:
_tile_overlayer_lowered:
.L_overlay_start_2:
0x61: {  	(tag) =	ssettag $0x2  }
0x62: {  	s0 =	rddreg [dreg:$0x0];
	s2 =	stileid.u32  }
0x63: {  	s1 =	rddreg [dreg:$0x1];
	p0 =	sne.s32 s2, $0x0  }
0x64: {  	s3 =	rddreg [dreg:$0x2];
	[bflag:$0x3] =	sbarrier.arrive $0xFFFF;
	s2 =	simm.s32 @!p0 $0x1C05  }
0x65: {  	[timem:s3], [sflag:s2] =	dma.local @!p0 [hbm:s0], s1  }
0x66: {  	s0 =	simm.s32 @!p0 $0x5  }
0x67: {  	_ =	swait.ge @!p0 [sflag:s0], s1  }
0x68: {  	s1 =	ssub.s32 @!p0 $0x0, s1;
	[sflag:s0] =	ssyncset.done @!p0 $0x0  }
0x69: {  	[sflag:s0] =	ssyncadd.s32 @!p0 s1  }
0x6a: {  	[bflag:$0x3] =	sbarrier.arrive $0xFFFF  }
0x6b: {  	_ =	shalt  }

// kernel: kernel.16.cloned.1.call-start
scs
__scs_entry_jumppad:
0x0: {  	(pc) =	sbr.rel $0x88, $3  }
0x1: {  	(tag) =	ssettag $0x0;
	lr =	simm.s32 $0x1  }
0x2: {  	[smem:$0x3F7C] =	sst lr;
	_ =	strace $0xD0000000  }
0x3: {  	_ = 	snop  }
0x4: {  	_ = 	snop  }
0x5: {  	_ = 	snop  }
0x6: {  	_ = 	snop  }
0x7: {  	_ = 	snop  }
__scs_overlays_trampoline_lowered:
0x8: {  	[smem:$0x3F8B] =	sst s0  }
0x9: {  	[smem:$0x3F8C] =	sst s1  }
0xa: {  	[smem:$0x3F8D] =	sst s2  }
0xb: {  	[smem:$0x3F8E] =	sst s3  }
0xc: {  	[smem:$0x3F8F] =	sst s4  }
0xd: {  	[smem:$0x3F90] =	sst s5  }
0xe: {  	[smem:$0x3F91] =	sst s6  }
0xf: {  	[smem:$0x3F92] =	sst s7  }
0x10: {  	[smem:$0x3F93] =	sst s8  }
0x11: {  	[smem:$0x3F94] =	sst s9;
	s0 =	simm.s32 @!p0 $0x0  }
0x12: {  	s1 =	sld [smem:$0x3F7A];
	s0 =	simm.s32 @p0 $0x1  }
0x13: {  	[smem:$0x3F95] =	sst s0;
	s0 =	simm.s32 @!p1 $0x0  }
0x14: {  	s2 =	sld [smem:$0x3F79];
	s0 =	simm.s32 @p1 $0x1  }
0x15: {  	[smem:$0x3F96] =	sst s0;
	s0 =	simm.s32 @!p2 $0x0  }
0x16: {  	s3 =	sld [smem:$0x3FDB];
	s0 =	simm.s32 @p2 $0x1  }
0x17: {  	s4 =	simm.s32 $0x1BF5;
	[smem:$0x3F98] =	sst s0  }
0x18: {  	s0 =	sld [smem:$0x3F7B];
	_ =	swait.ge [sflag:s4], $0x0  }
0x19: {  	s7 =	sld [smem:$0x3F7C]  }
0x1a: {  	s8 =	sadd.s32 $0xFFFFE003, lr  }
0x1b: {  	s9 =	sadd.s32 $0xFFFFFEF7, lr;
	s5 =	simm.s32 $0xFFFFFFFF;
	p2 =	slt.u32 s8, $0xFFFFF086  }
0x1c: {  	p1 =	slt.u32 s9, $0xF7A;
	s5 =	simm.s32 @!p2 $0x0  }
0x1d: {  	s5 =	simm.s32 @p1 $0x1;
	p0 =	seq.s32 s7, s2  }
0x1e: {  	s7 =	smul.u32 @!p0 $0xF7A, s2;
	p2 =	seq.s32 @!p0 s5, $0x0  }
0x1f: {  	s9 =	smul.u32 $0xF7A, s1;
	s8 =	simm.s32 @!p0 $0x1BF5;
	p2 =	por !p2, p0  }
0x20: {  	[sflag:s8] =	ssyncset.s32 @!p0 $0xFFFFF086;
	s6 =	sadd.s32 @!p0 s3, s7;
	s7 =	simm.s32 @!p0 $0x108  }
0x21: {  	s3 =	sadd.s32 s3, s9;
	s6 =	sadd.s32 @!p0 $0x88, s6;
	s7 =	simm.s32 @p2 $0x1082  }
0x22: {  	[simem:s7], [sflag:s8] =	dma.local @!p0 [hbm:s6], $0xF7A  }
0x23: {  	s9 =	sor.u32 $0xD0000000, s2;
	s6 =	simm.s32 $0x108;
	_ =	swait.ge @!p0 [sflag:s8], $0x0  }
0x24: {  	s3 =	sadd.s32 $0x88, s3;
	s6 =	simm.s32 @!p1 $0x1082;
	[sflag:s4] =	ssyncset.s32 $0xFFFFF086  }
0x25: {  	[simem:s6], [sflag:s4] =	dma.local [hbm:s3], $0xF7A  }
0x26: {  	[smem:$0x3F7C] =	sst s1;
	(tag) =	ssettag s2;
	_ =	strace s9  }
0x27: {  	s1 =	sld [smem:$0x3F8C]  }
0x28: {  	s2 =	sld [smem:$0x3F8D]  }
0x29: {  	s4 =	sld [smem:$0x3F8F]  }
0x2a: {  	p0 =	seq.s32 s5, $0x0;
	s5 =	sld [smem:$0x3F90]  }
0x2b: {  	s6 =	sld [smem:$0x3F91]  }
0x2c: {  	s7 =	sld [smem:$0x3F92]  }
0x2d: {  	s3 =	simm.s32 $0x108;
	s8 =	sld [smem:$0x3F93]  }
0x2e: {  	s3 =	simm.s32 @!p0 $0x1082;
	s9 =	sld [smem:$0x3F94]  }
0x2f: {  	lr =	sadd.s32 s0, s3;
	s0 =	sld [smem:$0x3F8B]  }
0x30: {  	s3 =	sld [smem:$0x3F8E]  }
0x31: {  	[smem:$0x3F97] =	sst s10  }
0x32: {  	s10 =	sld [smem:$0x3F95];
	_ =	sdelay $0x3  }
0x33: {  	p0 =	seq.s32 s10, $0x1;
	s10 =	sld [smem:$0x3F97];
	_ =	sdelay $0x3  }
0x34: {  	[smem:$0x3F97] =	sst s10  }
0x35: {  	s10 =	sld [smem:$0x3F96];
	_ =	sdelay $0x3  }
0x36: {  	p1 =	seq.s32 s10, $0x1;
	s10 =	sld [smem:$0x3F97];
	_ =	sdelay $0x3  }
0x37: {  	[smem:$0x3F97] =	sst s10  }
0x38: {  	s10 =	sld [smem:$0x3F98]  }
0x39: {  	_ = 	snop;
	(pc) =	sbr.ind lr, $3  }
0x3a: {  	_ = 	snop  }
0x3b: {  	_ = 	snop  }
0x3c: {  	p2 =	seq.s32 s10, $0x1;
	s10 =	sld [smem:$0x3F97]  }
0x3d: {  	_ =	shalt  }
0x3e: {  	_ =	shalt  }
0x3f: {  	_ =	shalt  }
0x40: {  	_ =	shalt  }
0x41: {  	_ =	shalt  }
0x42: {  	_ =	shalt  }
0x43: {  	_ =	shalt  }
0x44: {  	_ =	shalt  }
0x45: {  	_ =	shalt  }
0x46: {  	_ =	shalt  }
0x47: {  	_ =	shalt  }
0x48: {  	_ =	shalt  }
0x49: {  	_ =	shalt  }
0x4a: {  	_ =	shalt  }
0x4b: {  	_ =	shalt  }
0x4c: {  	_ =	shalt  }
0x4d: {  	_ =	shalt  }
0x4e: {  	_ =	shalt  }
0x4f: {  	_ =	shalt  }
0x50: {  	_ =	shalt  }
0x51: {  	_ =	shalt  }
0x52: {  	_ =	shalt  }
0x53: {  	_ =	shalt  }
0x54: {  	_ =	shalt  }
0x55: {  	_ =	shalt  }
0x56: {  	_ =	shalt  }
0x57: {  	_ =	shalt  }
0x58: {  	_ =	shalt  }
0x59: {  	_ =	shalt  }
0x5a: {  	_ =	shalt  }
0x5b: {  	_ =	shalt  }
0x5c: {  	_ =	shalt  }
0x5d: {  	_ =	shalt  }
0x5e: {  	_ =	shalt  }
0x5f: {  	_ =	shalt  }
0x60: {  	_ =	shalt  }
0x61: {  	_ =	shalt  }
0x62: {  	_ =	shalt  }
0x63: {  	_ =	shalt  }
0x64: {  	_ =	shalt  }
0x65: {  	_ =	shalt  }
0x66: {  	_ =	shalt  }
0x67: {  	_ =	shalt  }
0x68: {  	_ =	shalt  }
0x69: {  	_ =	shalt  }
0x6a: {  	_ =	shalt  }
0x6b: {  	_ =	shalt  }
0x6c: {  	_ =	shalt  }
0x6d: {  	_ =	shalt  }
0x6e: {  	_ =	shalt  }
0x6f: {  	_ =	shalt  }
0x70: {  	_ =	shalt  }
0x71: {  	_ =	shalt  }
0x72: {  	_ =	shalt  }
0x73: {  	_ =	shalt  }
0x74: {  	_ =	shalt  }
0x75: {  	_ =	shalt  }
0x76: {  	_ =	shalt  }
0x77: {  	_ =	shalt  }
0x78: {  	_ =	shalt  }
0x79: {  	_ =	shalt  }
0x7a: {  	_ =	shalt  }
0x7b: {  	_ =	shalt  }
0x7c: {  	_ =	shalt  }
0x7d: {  	_ =	shalt  }
0x7e: {  	_ =	shalt  }
0x7f: {  	_ =	shalt  }
0x80: {  	_ =	shalt  }
0x81: {  	_ =	shalt  }
0x82: {  	_ =	shalt  }
0x83: {  	_ =	shalt  }
0x84: {  	_ =	shalt  }
0x85: {  	_ =	shalt  }
0x86: {  	_ =	shalt  }
0x87: {  	_ =	shalt  }
.Lfunc_end0:
.L_simem_size_0:
called_computation.1_lowered:
.L_overlay_start_0:
0x88: {  	s2 =	sld [smem:$0x3FD9]  }
0x89: {  	s3 =	sld [smem:$0x3FFE];
	_ =	sdelay $0x1  }
0x8a: {  	s1 =	srdreg.scid  }
0x8b: {  	s0 =	sand.u32 $0x1, s1  }
0x8c: {  	s16 =	sshll.u32 s0, $0xA;
	s2 =	sadd.s32 s3, s2  }
0x8d: {  	s2 =	sadd.s32 s2, s16  }
0x8e: {  	[smem:$0x3FA3] =	sst s2  }
0x8f: {  	_ = 	snop  }
0x90: {  	(tm) =	ssettm $0x1  }
0x91: {  	s17 =	sld [smem:$0x3FFB];
	_ =	sdelay $0x3  }
0x92: {  	_ =	strace s17  }
0x93: {  	s2 =	sld [smem:$0x3FFC];
	_ =	sdelay $0x3  }
0x94: {  	_ =	strace s2  }
0x95: {  	s2 =	sld [smem:$0x3FFD];
	_ =	sdelay $0x3  }
0x96: {  	_ =	strace s2  }
0x97: {  	_ =	strace $0x8FFFFFFF  }
0x98: {  	s18 =	sld [smem:$0x3FDB];
	_ =	sdelay $0x1  }
0x99: {  	s19 =	simm.s32 $_scs_section_size  }
0x9a: {  	s4 =	simm.s32 $_size__tile_overlayer_lowered;
	s5 =	simm.s32 $_tile_overlayer_lowered  }
0x9b: {  	s22 =	simm.s32 $0x1BFF;
	s21 =	sshll.u32 s5, $0x1;
	s2 =	sadd.s32 s19, s18  }
0x9c: {  	s6 =	simm.s32 $0x0;
	s20 =	sshll.u32 s4, $0x1;
	s4 =	sadd.s32 s21, s2  }
0x9d: {  	[timem:s6], [sflag:s22] =	dma.local [hbm:s4], s20  }
0x9e: {  	_ =	swait.ge [sflag:s22], s20  }
0x9f: {  	s3 =	ssub.s32 $0x0, s20;
	[sflag:s22] =	ssyncset.done $0x0  }
0xa0: {  	[sflag:s22] =	ssyncadd.s32 s3;
	_ =	sdelay $0x1  }
0xa1: {  	s23 =	simm.s32 $0x1B8B  }
0xa2: {  	_ =	swait.ge [sflag:s23], $0x1  }
0xa3: {  	[sflag:s23] =	ssyncset.done $0x0  }
0xa4: {  	s25 =	simm.s32 $0x1B8E;
	s24 =	sld [smem:$0x3FFE];
	[sflag:s23] =	ssyncadd.s32 $0xFFFFFFFF  }
0xa5: {  	s26 =	simm.s32 $execute0_lowered;
	[smem:$0x3FD2] =	sst s25  }
0xa6: {  	s4 =	sshll.u32 s26, $0x1;
	_ =	strace $0x80000049;
	[dreg:$0x1] =	wrdreg $0xFFFFFFFF  }
0xa7: {  	s28 =	simm.s32 $_size_execute0_lowered;
	s2 =	sadd.s32 s2, s4;
	[dreg:$0x0] =	wrdreg $0x0  }
0xa8: {  	s4 =	sshll.u32 s28, $0x1;
	[dreg:$0x2] =	wrdreg s2  }
0xa9: {  	[dreg:$0x3] =	wrdreg s4  }
0xaa: {  	[dreg:$0x4] =	wrdreg $0xC0  }
0xab: {  	_ =	task [dreg:s6], $0x5FFFF  }
0xac: {  	[dreg:$0x1] =	wrdreg $0xFFFFFFFF  }
0xad: {  	[dreg:$0x0] =	wrdreg $0x60  }
0xae: {  	[dreg:$0x2] =	wrdreg s24  }
0xaf: {  	[dreg:$0x3] =	wrdreg $0x48A00  }
0xb0: {  	[dreg:$0x4] =	wrdreg $0x9  }
0xb1: {  	_ =	task.clear_ibuf [dreg:s6], $0x5FFFF;
	_ =	strace $0x90000049  }
0xb2: {  	s29 =	simm.s32 $0x9;
	_ =	strace $0x8000004B  }
0xb3: {  	_ =	swait.ge [sflag:s29], $0x1  }
0xb4: {  	[sflag:s29] =	ssyncadd.s32 $0xFFFFFFFF  }
0xb5: {  	_ =	strace $0x9000004B  }
0xb6: {  	_ =	sfence  }
0xb7: {  	s30 =	sld [smem:$0x0];
	_ =	sdelay $0x2  }
0xb8: {  	s31 =	sshll.u32 s1, $0xD;
	s1 =	sshrl.u32 s1, $0x2  }
0xb9: {  	s3 =	sand.u32 $0x4000, s31;
	s1 =	sadd.s32 s1, s30  }
0xba: {  	s0 =	sor.u32 s3, s0;
	s1 =	sshll.u32 s1, $0x11  }
0xbb: {  	s0 =	sor.u32 s1, s0  }
0xbc: {  	s0 =	sadd.s32 $0x8F2B, s0  }
0xbd: {  	[sflag:s0] =	ssyncadd.remote.s32 $0x1  }
0xbe: {  	_ =	sfence.sel $0xFFFF  }
0xbf: {  	[dreg:$0x0] =	wrdreg $0xFFFFFFFF;
	(pc) =	sbr.abs _section_cstart, $3  }
0xc0: {  	[dreg:$0x1] =	wrdreg $0xFFFFFFFF  }
0xc1: {  	_ =	task.clear_ibuf [dreg:s6], $0x2FFFF;
	_ =	strace $0x9FFFFFFF  }
0xc2: {  	(tm) =	ssettm $0x7FFFFFFF  }
0xc3: {  	_ =	shalt  }
tec
execute0_lowered:
.L_overlay_start_1:
0x0: {  	(tag) =	ssettag $0x1  }
0x1: {  	s6 =	rddreg [dreg:$0x0]  }
0x2: {  	s2 =	rddreg [dreg:$0x1];
	s3 =	simm.s32 $0x0;
	s4 =	srdreg.scid  }
0x3: {  	s0 =	stileid.u32;
	s14 =	simm.s32 $0x20;
	s15 =	simm.s32 $0x40  }
0x4: {  	[smem:$0x7FF] =	sst s3;
	s5 =	sand.u32 $0x1, s4;
	s7 =	smul.u32 $0x30D40, s0  }
0x5: {  	s10 =	sadd.s32 $0x284E00, s6;
	s4 =	sadd.s32 $0xCC200, s6;
	s12 =	smul.u32 $0x320000, s0  }
0x6: {  	s30 =	smul.u32 $0x61A80, s0;
	_ =	strace $0x8000004A;
	s8 =	sshll.u32 s5, $0x5  }
0x7: {  	s9 =	ssub.s32 $0x2, s5;
	s5 =	smul.u32 $0x190, s0;
	s7 =	sor.u32 s8, s7  }
0x8: {  	s26 =	sshrl.u32 s9, $0x1;
	s8 =	sor.u32 s8, s12;
	s7 =	sshrl.u32 s7, $0x3  }
0x9: {  	s28 =	ssub.s32 s9, s26;
	s29 =	ssub.s32 $0x186A, s5;
	s9 =	sshrl.u32 s30, $0x2  }
0xa: {  	s12 =	sshrl.u32 s8, $0x3;
	s13 =	sor.u32 $0x2000, s8;
	s11 =	sadd.s32 s7, s6  }
0xb: {  	s6 =	smin.u32 s29, $0x190;
	s7 =	smax.u32 s28, $0x1;
	s8 =	sadd.s32 s9, s2  }
0xc: {  	s9 =	sadd.s32 s12, s10;
	s31 =	sshrl.u32 s13, $0x3;
	s12 =	simm.s32 $0x3900  }
0xd: {  	v0 =	vimm.f32 $0.0e+00;
	s13 =	simm.s32 $0x3;
	s10 =	sadd.s32 s31, s10;
	s11 =	sadd.s32 $0xFE200, s11  }
.LBB2_1:
0xe: {  	s16 =	simm.s32 $0x0  }
.LBB2_2:
0xf: {  	p0 =	sne.s32 s16, $0x3E00  }
.Ltmp0:
0x10: {  	_ = 	snop;
	(pc) =	sbr.rel @p0 .LBB2_2-.Ltmp0, $4  }
0x11: {  	_ = 	snop  }
0x12: {  	s17 =	sshra.s32 s16, $0x2  }
0x13: {  	[tilespmem:s17+$0x3900] =	vst v0  }
0x14: {  	s16 =	sadd.s32 $0x80, s16;
	[tilespmem:s17+$0x3910] =	vst v0  }
0x15: {  	s16 =	sadd.s32 $0x0, s8  }
0x16: {  	[spmem:s16] =	stream.linear.scatter [tilespmem:s12], [sflag:$0x3], $0xFA0, $0x38;
	[tilespmem:$0x1CF40] =	vst v63  }
0x17: {  	s16 =	simm.s32 $0x3E80;
	_ =	swait.ge [sflag:s13], $0xFA0  }
.LBB2_4:
0x18: {  	s17 =	sshra.s32 s16, $0x2;
	[sflag:s13] =	ssyncset.done $0x0;
	p0 =	sne.s32 s16, $0x5DC00  }
.Ltmp1:
0x19: {  	s17 =	sadd.s32 s17, s8;
	[sflag:s13] =	ssyncadd.s32 $0xFFFFF060;
	(pc) =	sbr.rel @p0 .LBB2_4-.Ltmp1, $3  }
0x1a: {  	[spmem:s17] =	stream.linear.scatter [tilespmem:s12], [sflag:$0x3], $0xFA0, $0x38;
	[tilespmem:$0x1CF40] =	vst v63  }
0x1b: {  	s16 =	sadd.s32 $0x3E80, s16;
	_ =	sdelay $0x1  }
0x1c: {  	_ =	swait.ge [sflag:s13], $0xFA0  }
0x1d: {  	[sflag:s13] =	ssyncset.done $0x0;
	s16 =	simm.s32 $0x0  }
0x1e: {  	s17 =	simm.s32 $0x1;
	s18 =	smov.u32 s10;
	[sflag:s13] =	ssyncadd.s32 $0xFFFFF060  }
0x1f: {  	s19 =	smov.u32 s9;
	s20 =	simm.s32 $0x0;
	[bflag:$0x0] =	sbarrier.arrive $0xFFFF  }
.LBB2_6:
0x20: {  	s21 =	smul.u32 $0x32, s20;
	_ =	sdelay $0x1  }
0x21: {  	s21 =	sadd.s32 s5, s21  }
0x22: {  	s21 =	sshll.u32 s21, $0x4  }
0x23: {  	s30 =	sadd.s32 $0xFFFFFFFF, s17;
	s21 =	sadd.s32 s4, s21  }
0x24: {  	[tilespmem:s16], [sflag:$0x3] =	stream.linear.gather [hbm4b:s21+s16], $0x1900, $0x38;
	[tilespmem:$0x1CF40] =	vst v63  }
0x25: {  	p0 =	sge.u32 s17, s6;
	p2 =	sge.u32 s30, s6;
	_ =	swait.ge [sflag:s13], $0x1900  }
0x26: {  	s24 =	simm.s32 @!p0 $0x20;
	s22 =	simm.s32 @!p2 $0x40;
	[sflag:s13] =	ssyncset.done $0x0  }
0x27: {  	s23 =	simm.s32 @!p2 $0x1900;
	s21 =	simm.s32 @!p2 $0x20;
	[sflag:s13] =	ssyncadd.s32 $0xFFFFE700  }
0x28: {  	[tilespmem:s23], [sflag:$0x1] =	stream.strided.gather @!p2 [hbm4b:s19+s21], $0x1000, s22, s21, $0x38;
	[tilespmem:$0x1CF40] =	vst v63  }
0x29: {  	s25 =	simm.s32 @!p2 $0x1;
	s21 =	simm.s32 @!p0 $0x40;
	s22 =	simm.s32 @!p0 $0x2900  }
0x2a: {  	[tilespmem:s22], [sflag:$0x2] =	stream.strided.gather @!p0 [hbm4b:s18+s24], $0x1000, s21, s24, $0x38;
	[tilespmem:$0x1CF40] =	vst v63  }
0x2b: {  	_ =	swait.ge @!p2 [sflag:s25], $0x1000  }
0x2c: {  	s26 =	simm.s32 @!p2 $0x80;
	[sflag:s25] =	ssyncset.done @!p2 $0x0  }
0x2d: {  	s21 =	simm.s32 @!p2 $0x4;
	s24 =	simm.s32 @!p2 $0x0;
	[sflag:s25] =	ssyncadd.s32 @!p2 $0xFFFFF000  }
0x2e: {  	[spmem:s2] =	stream.indirect.scatter.add.f32 @!p2 [tilespmem:s23], [sflag:$0x4], $0x20, s24, s26, $0xb8;
	[tilespmem:$0x1CF40] =	vst v63  }
0x2f: {  	_ =	swait.ge @!p2 [sflag:s21], $0x1000  }
0x30: {  	p1 =	por p0, p0;
	[sflag:s21] =	ssyncset.done @!p2 $0x0  }
0x31: {  	s24 =	simm.s32 @!p1 $0x2;
	s23 =	sadd.s32 $0x2, s17;
	[sflag:s21] =	ssyncadd.s32 @!p2 $0xFFFFF000  }
0x32: {  	s25 =	simm.s32 @!p0 $0x80;
	s31 =	sadd.s32 $0xFFFFFFFF, s23;
	_ =	swait.ge @!p1 [sflag:s24], $0x1000  }
0x33: {  	s26 =	simm.s32 @!p1 $0x80;
	p0 =	sge.u32 s31, s6;
	[sflag:s24] =	ssyncset.done @!p1 $0x0  }
0x34: {  	s21 =	simm.s32 $0x400;
	[sflag:s24] =	ssyncadd.s32 @!p1 $0xFFFFF000;
	s24 =	sadd.s32 $0x800, s19  }
0x35: {  	[spmem:s2] =	stream.indirect.scatter.add.f32 @!p1 [tilespmem:s22], [sflag:$0x3], $0x20, s25, s26, $0xb8;
	[tilespmem:$0x1CF40] =	vst v63  }
0x36: {  	s25 =	simm.s32 $0x800;
	s22 =	sadd.s32 $0x800, s18;
	s26 =	simm.s32 @!p1 $0x3  }
.LBB2_7:
0x37: {  	s28 =	simm.s32 @!p0 $0x20;
	s29 =	simm.s32 @!p0 $0x40;
	_ =	swait.ge @!p1 [sflag:s26], $0x1000  }
0x38: {  	s30 =	simm.s32 @!p0 $0x1900;
	p2 =	sge.u32 s23, s6;
	[sflag:s26] =	ssyncset.done @!p1 $0x0  }
0x39: {  	s31 =	simm.s32 @!p2 $0x20;
	s0 =	simm.s32 @!p2 $0x40;
	[sflag:s26] =	ssyncadd.s32 @!p1 $0xFFFFF000  }
0x3a: {  	[tilespmem:s30], [sflag:$0x1] =	stream.strided.gather @!p0 [hbm4b:s24+s28], $0x1000, s29, s28, $0x38;
	[tilespmem:$0x1CF40] =	vst v63  }
0x3b: {  	s26 =	simm.s32 @!p0 $0x1;
	s28 =	simm.s32 @!p2 $0x2900;
	s29 =	sshra.s32 @!p2 s21, $0x2  }
0x3c: {  	[tilespmem:s28], [sflag:$0x2] =	stream.strided.gather @!p2 [hbm4b:s22+s31], $0x1000, s0, s31, $0x38;
	[tilespmem:$0x1CF40] =	vst v63  }
0x3d: {  	s29 =	sadd.s32 @!p2 $0x80, s29;
	s0 =	simm.s32 @!p0 $0x4;
	_ =	swait.ge @!p0 [sflag:s26], $0x1000  }
0x3e: {  	s1 =	simm.s32 @!p0 $0x80;
	s31 =	sshra.s32 @!p0 s21, $0x2;
	[sflag:s26] =	ssyncset.done @!p0 $0x0  }
0x3f: {  	s21 =	smov.u32 s25;
	s25 =	sadd.s32 $0x400, s25;
	[sflag:s26] =	ssyncadd.s32 @!p0 $0xFFFFF000  }
0x40: {  	[spmem:s2] =	stream.indirect.scatter.add.f32 @!p0 [tilespmem:s30], [sflag:$0x4], $0x20, s31, s1, $0xb8;
	[tilespmem:$0x1CF40] =	vst v63  }
0x41: {  	p1 =	por p2, p2;
	p3 =	sne.s32 s25, $0x6400;
	_ =	swait.ge @!p0 [sflag:s0], $0x1000  }
0x42: {  	s1 =	simm.s32 @!p1 $0x2;
	[sflag:s0] =	ssyncset.done @!p0 $0x0  }
.Ltmp2:
0x43: {  	s22 =	sadd.s32 $0x800, s22;
	[sflag:s0] =	ssyncadd.s32 @!p0 $0xFFFFF000;
	(pc) =	sbr.rel @p3 .LBB2_7-.Ltmp2, $4  }
0x44: {  	s23 =	sadd.s32 $0x2, s23;
	s24 =	sadd.s32 $0x800, s24;
	_ =	swait.ge @!p1 [sflag:s1], $0x1000  }
0x45: {  	s30 =	simm.s32 @!p1 $0x80;
	s0 =	sadd.s32 $0xFFFFFFFF, s23;
	[sflag:s1] =	ssyncset.done @!p1 $0x0  }
0x46: {  	s26 =	simm.s32 @!p1 $0x3;
	p0 =	sge.u32 s0, s6;
	[sflag:s1] =	ssyncadd.s32 @!p1 $0xFFFFF000  }
0x47: {  	[spmem:s2] =	stream.indirect.scatter.add.f32 @!p1 [tilespmem:s28], [sflag:$0x3], $0x20, s29, s30, $0xb8;
	[tilespmem:$0x1CF40] =	vst v63  }
0x48: {  	s0 =	simm.s32 @!p0 $0x20;
	_ =	swait.ge @!p1 [sflag:s26], $0x1000  }
0x49: {  	s1 =	simm.s32 @!p0 $0x40;
	p2 =	sge.u32 s23, s6;
	[sflag:s26] =	ssyncset.done @!p1 $0x0  }
0x4a: {  	s23 =	simm.s32 @!p0 $0x1900;
	s25 =	simm.s32 @!p2 $0x20;
	[sflag:s26] =	ssyncadd.s32 @!p1 $0xFFFFF000  }
0x4b: {  	[tilespmem:s23], [sflag:$0x1] =	stream.strided.gather @!p0 [hbm4b:s24+s0], $0x1000, s1, s0, $0x38;
	[tilespmem:$0x1CF40] =	vst v63  }
0x4c: {  	s0 =	simm.s32 @!p2 $0x40;
	s1 =	simm.s32 @!p2 $0x2900;
	s24 =	simm.s32 @!p0 $0x1  }
0x4d: {  	[tilespmem:s1], [sflag:$0x2] =	stream.strided.gather @!p2 [hbm4b:s22+s25], $0x1000, s0, s25, $0x38;
	[tilespmem:$0x1CF40] =	vst v63  }
0x4e: {  	_ =	swait.ge @!p0 [sflag:s24], $0x1000  }
0x4f: {  	s0 =	simm.s32 @!p0 $0x4;
	[sflag:s24] =	ssyncset.done @!p0 $0x0  }
0x50: {  	s22 =	sshra.s32 @!p0 s21, $0x2;
	s25 =	simm.s32 @!p0 $0x80;
	[sflag:s24] =	ssyncadd.s32 @!p0 $0xFFFFF000  }
0x51: {  	[spmem:s2] =	stream.indirect.scatter.add.f32 @!p0 [tilespmem:s23], [sflag:$0x4], $0x20, s22, s25, $0xb8;
	[tilespmem:$0x1CF40] =	vst v63  }
0x52: {  	_ =	swait.ge @!p0 [sflag:s0], $0x1000  }
0x53: {  	p1 =	por p2, p2;
	[sflag:s0] =	ssyncset.done @!p0 $0x0  }
0x54: {  	s20 =	sadd.s32 $0x1, s20;
	s22 =	simm.s32 @!p1 $0x2;
	[sflag:s0] =	ssyncadd.s32 @!p0 $0xFFFFF000  }
0x55: {  	s0 =	sshra.s32 @!p2 s21, $0x2;
	s21 =	simm.s32 @!p1 $0x80;
	_ =	swait.ge @!p1 [sflag:s22], $0x1000  }
0x56: {  	p0 =	sne.s32 s20, $0x8;
	s0 =	sadd.s32 @!p2 $0x80, s0;
	[sflag:s22] =	ssyncset.done @!p1 $0x0  }
.Ltmp3:
0x57: {  	[sflag:s22] =	ssyncadd.s32 @!p1 $0xFFFFF000;
	s22 =	simm.s32 @!p1 $0x3;
	(pc) =	sbr.rel @p0 .LBB2_6-.Ltmp3, $4  }
0x58: {  	[spmem:s2] =	stream.indirect.scatter.add.f32 @!p1 [tilespmem:s1], [sflag:$0x3], $0x20, s0, s21, $0xb8;
	[tilespmem:$0x1CF40] =	vst v63  }
0x59: {  	_ =	swait.ge @!p1 [sflag:s22], $0x1000  }
0x5a: {  	s19 =	sadd.s32 $0xC800, s19;
	[sflag:s22] =	ssyncset.done @!p1 $0x0  }
0x5b: {  	s18 =	sadd.s32 $0xC800, s18;
	s17 =	sadd.s32 $0x32, s17;
	[sflag:s22] =	ssyncadd.s32 @!p1 $0xFFFFF000  }
0x5c: {  	[bflag:$0x0] =	sbarrier.arrive $0xFFFF  }
0x5d: {  	[tilespmem:s12], [sflag:$0x3] =	stream.linear.gather [spmem:s8], $0xFA0, $0x38;
	[tilespmem:$0x1CF40] =	vst v63  }
0x5e: {  	_ =	swait.ge [sflag:s13], $0xFA0  }
0x5f: {  	[sflag:s13] =	ssyncset.done $0x0  }
0x60: {  	s0 =	sadd.s32 $0x0, s11;
	[sflag:s13] =	ssyncadd.s32 $0xFFFFF060  }
0x61: {  	[hbm4b:s0+s14] =	stream.strided.scatter [tilespmem:s12], [sflag:$0x3], $0xFA0, s15, s14, $0x38;
	[tilespmem:$0x1CF40] =	vst v63  }
0x62: {  	_ =	swait.ge [sflag:s13], $0xFA0  }
0x63: {  	s16 =	simm.s32 $0x3E8;
	s17 =	smov.u32 s8;
	[sflag:s13] =	ssyncset.done $0x0  }
.LBB2_10:
0x64: {  	p0 =	sne.s32 s16, $0x5DC0;
	[sflag:s13] =	ssyncadd.s32 $0xFFFFF060;
	s17 =	sadd.s32 $0xFA0, s17  }
0x65: {  	[tilespmem:s12], [sflag:$0x3] =	stream.linear.gather [spmem:s17], $0xFA0, $0x38;
	[tilespmem:$0x1CF40] =	vst v63  }
0x66: {  	s0 =	smov.u32 s16;
	s16 =	sadd.s32 $0x3E8, s16;
	_ =	swait.ge [sflag:s13], $0xFA0  }
.Ltmp4:
0x67: {  	[sflag:s13] =	ssyncset.done $0x0;
	(pc) =	sbr.rel @p0 .LBB2_10-.Ltmp4, $4  }
0x68: {  	s0 =	sadd.s32 s0, s11;
	[sflag:s13] =	ssyncadd.s32 $0xFFFFF060  }
0x69: {  	[hbm4b:s0+s14] =	stream.strided.scatter [tilespmem:s12], [sflag:$0x3], $0xFA0, s15, s14, $0x38;
	[tilespmem:$0x1CF40] =	vst v63  }
0x6a: {  	_ =	swait.ge [sflag:s13], $0xFA0  }
0x6b: {  	[sflag:s13] =	ssyncset.done $0x0  }
0x6c: {  	s3 =	sadd.s32 $0x1, s3  }
0x6d: {  	p0 =	sne.s32 s3, s7  }
.Ltmp5:
0x6e: {  	_ = 	snop;
	(pc) =	sbr.rel @p0 .LBB2_1-.Ltmp5, $2  }
0x6f: {  	_ =	sdelay $0x2  }
0x70: {  	[sflag:s13] =	ssyncadd.s32 $0xFFFFF060  }
0x71: {  	_ =	sfence.sel $0x180000  }
0x72: {  	[bflag:$0x0] =	sbarrier.arrive $0xFFFF  }
0x73: {  	_ =	strace $0x9000004A  }
0x74: {  	s0 =	stileid.u32;
	[bflag:$0x2] =	sbarrier.arrive $0xFFFF  }
0x75: {  	p0 =	sne.s32 s0, $0x0;
	s0 =	rddreg [dreg:$0x2]  }
0x76: {  	s0 =	sadd.s32 @!p0 $0x100000, s0  }
0x77: {  	[sflag:s0] =	ssyncadd.tile.s32 @!p0 $0x1;
	_ =	shalt  }
.Lfunc_end2:
_tile_overlayer_lowered:
.L_overlay_start_2:
0x78: {  	(tag) =	ssettag $0x2  }
0x79: {  	s0 =	rddreg [dreg:$0x0];
	s2 =	stileid.u32  }
0x7a: {  	s1 =	rddreg [dreg:$0x1];
	p0 =	sne.s32 s2, $0x0  }
0x7b: {  	s3 =	rddreg [dreg:$0x2];
	[bflag:$0x3] =	sbarrier.arrive $0xFFFF;
	s2 =	simm.s32 @!p0 $0x1C03  }
0x7c: {  	[timem:s3], [sflag:s2] =	dma.local @!p0 [hbm:s0], s1  }
0x7d: {  	s0 =	simm.s32 @!p0 $0x3  }
0x7e: {  	_ =	swait.ge @!p0 [sflag:s0], s1  }
0x7f: {  	s1 =	ssub.s32 @!p0 $0x0, s1;
	[sflag:s0] =	ssyncset.done @!p0 $0x0  }
0x80: {  	[sflag:s0] =	ssyncadd.s32 @!p0 s1  }
0x81: {  	[bflag:$0x3] =	sbarrier.arrive $0xFFFF  }
0x82: {  	_ =	shalt  }

// kernel: kernel.19.cloned.1.call-start
scs
__scs_entry_jumppad:
0x0: {  	(pc) =	sbr.rel $0x88, $3  }
0x1: {  	(tag) =	ssettag $0x0;
	lr =	simm.s32 $0x1  }
0x2: {  	[smem:$0x3F7C] =	sst lr;
	_ =	strace $0xD0000000  }
0x3: {  	_ = 	snop  }
0x4: {  	_ = 	snop  }
0x5: {  	_ = 	snop  }
0x6: {  	_ = 	snop  }
0x7: {  	_ = 	snop  }
__scs_overlays_trampoline_lowered:
0x8: {  	[smem:$0x3F8B] =	sst s0  }
0x9: {  	[smem:$0x3F8C] =	sst s1  }
0xa: {  	[smem:$0x3F8D] =	sst s2  }
0xb: {  	[smem:$0x3F8E] =	sst s3  }
0xc: {  	[smem:$0x3F8F] =	sst s4  }
0xd: {  	[smem:$0x3F90] =	sst s5  }
0xe: {  	[smem:$0x3F91] =	sst s6  }
0xf: {  	[smem:$0x3F92] =	sst s7  }
0x10: {  	[smem:$0x3F93] =	sst s8  }
0x11: {  	[smem:$0x3F94] =	sst s9;
	s0 =	simm.s32 @!p0 $0x0  }
0x12: {  	s1 =	sld [smem:$0x3F7A];
	s0 =	simm.s32 @p0 $0x1  }
0x13: {  	[smem:$0x3F95] =	sst s0;
	s0 =	simm.s32 @!p1 $0x0  }
0x14: {  	s2 =	sld [smem:$0x3F79];
	s0 =	simm.s32 @p1 $0x1  }
0x15: {  	[smem:$0x3F96] =	sst s0;
	s0 =	simm.s32 @!p2 $0x0  }
0x16: {  	s3 =	sld [smem:$0x3FDB];
	s0 =	simm.s32 @p2 $0x1  }
0x17: {  	s4 =	simm.s32 $0x1BF5;
	[smem:$0x3F98] =	sst s0  }
0x18: {  	s0 =	sld [smem:$0x3F7B];
	_ =	swait.ge [sflag:s4], $0x0  }
0x19: {  	s7 =	sld [smem:$0x3F7C]  }
0x1a: {  	s8 =	sadd.s32 $0xFFFFE003, lr  }
0x1b: {  	s9 =	sadd.s32 $0xFFFFFEF7, lr;
	s5 =	simm.s32 $0xFFFFFFFF;
	p2 =	slt.u32 s8, $0xFFFFF086  }
0x1c: {  	p1 =	slt.u32 s9, $0xF7A;
	s5 =	simm.s32 @!p2 $0x0  }
0x1d: {  	s5 =	simm.s32 @p1 $0x1;
	p0 =	seq.s32 s7, s2  }
0x1e: {  	s7 =	smul.u32 @!p0 $0xF7A, s2;
	p2 =	seq.s32 @!p0 s5, $0x0  }
0x1f: {  	s9 =	smul.u32 $0xF7A, s1;
	s8 =	simm.s32 @!p0 $0x1BF5;
	p2 =	por !p2, p0  }
0x20: {  	[sflag:s8] =	ssyncset.s32 @!p0 $0xFFFFF086;
	s6 =	sadd.s32 @!p0 s3, s7;
	s7 =	simm.s32 @!p0 $0x108  }
0x21: {  	s3 =	sadd.s32 s3, s9;
	s6 =	sadd.s32 @!p0 $0x88, s6;
	s7 =	simm.s32 @p2 $0x1082  }
0x22: {  	[simem:s7], [sflag:s8] =	dma.local @!p0 [hbm:s6], $0xF7A  }
0x23: {  	s9 =	sor.u32 $0xD0000000, s2;
	s6 =	simm.s32 $0x108;
	_ =	swait.ge @!p0 [sflag:s8], $0x0  }
0x24: {  	s3 =	sadd.s32 $0x88, s3;
	s6 =	simm.s32 @!p1 $0x1082;
	[sflag:s4] =	ssyncset.s32 $0xFFFFF086  }
0x25: {  	[simem:s6], [sflag:s4] =	dma.local [hbm:s3], $0xF7A  }
0x26: {  	[smem:$0x3F7C] =	sst s1;
	(tag) =	ssettag s2;
	_ =	strace s9  }
0x27: {  	s1 =	sld [smem:$0x3F8C]  }
0x28: {  	s2 =	sld [smem:$0x3F8D]  }
0x29: {  	s4 =	sld [smem:$0x3F8F]  }
0x2a: {  	p0 =	seq.s32 s5, $0x0;
	s5 =	sld [smem:$0x3F90]  }
0x2b: {  	s6 =	sld [smem:$0x3F91]  }
0x2c: {  	s7 =	sld [smem:$0x3F92]  }
0x2d: {  	s3 =	simm.s32 $0x108;
	s8 =	sld [smem:$0x3F93]  }
0x2e: {  	s3 =	simm.s32 @!p0 $0x1082;
	s9 =	sld [smem:$0x3F94]  }
0x2f: {  	lr =	sadd.s32 s0, s3;
	s0 =	sld [smem:$0x3F8B]  }
0x30: {  	s3 =	sld [smem:$0x3F8E]  }
0x31: {  	[smem:$0x3F97] =	sst s10  }
0x32: {  	s10 =	sld [smem:$0x3F95];
	_ =	sdelay $0x3  }
0x33: {  	p0 =	seq.s32 s10, $0x1;
	s10 =	sld [smem:$0x3F97];
	_ =	sdelay $0x3  }
0x34: {  	[smem:$0x3F97] =	sst s10  }
0x35: {  	s10 =	sld [smem:$0x3F96];
	_ =	sdelay $0x3  }
0x36: {  	p1 =	seq.s32 s10, $0x1;
	s10 =	sld [smem:$0x3F97];
	_ =	sdelay $0x3  }
0x37: {  	[smem:$0x3F97] =	sst s10  }
0x38: {  	s10 =	sld [smem:$0x3F98]  }
0x39: {  	_ = 	snop;
	(pc) =	sbr.ind lr, $3  }
0x3a: {  	_ = 	snop  }
0x3b: {  	_ = 	snop  }
0x3c: {  	p2 =	seq.s32 s10, $0x1;
	s10 =	sld [smem:$0x3F97]  }
0x3d: {  	_ =	shalt  }
0x3e: {  	_ =	shalt  }
0x3f: {  	_ =	shalt  }
0x40: {  	_ =	shalt  }
0x41: {  	_ =	shalt  }
0x42: {  	_ =	shalt  }
0x43: {  	_ =	shalt  }
0x44: {  	_ =	shalt  }
0x45: {  	_ =	shalt  }
0x46: {  	_ =	shalt  }
0x47: {  	_ =	shalt  }
0x48: {  	_ =	shalt  }
0x49: {  	_ =	shalt  }
0x4a: {  	_ =	shalt  }
0x4b: {  	_ =	shalt  }
0x4c: {  	_ =	shalt  }
0x4d: {  	_ =	shalt  }
0x4e: {  	_ =	shalt  }
0x4f: {  	_ =	shalt  }
0x50: {  	_ =	shalt  }
0x51: {  	_ =	shalt  }
0x52: {  	_ =	shalt  }
0x53: {  	_ =	shalt  }
0x54: {  	_ =	shalt  }
0x55: {  	_ =	shalt  }
0x56: {  	_ =	shalt  }
0x57: {  	_ =	shalt  }
0x58: {  	_ =	shalt  }
0x59: {  	_ =	shalt  }
0x5a: {  	_ =	shalt  }
0x5b: {  	_ =	shalt  }
0x5c: {  	_ =	shalt  }
0x5d: {  	_ =	shalt  }
0x5e: {  	_ =	shalt  }
0x5f: {  	_ =	shalt  }
0x60: {  	_ =	shalt  }
0x61: {  	_ =	shalt  }
0x62: {  	_ =	shalt  }
0x63: {  	_ =	shalt  }
0x64: {  	_ =	shalt  }
0x65: {  	_ =	shalt  }
0x66: {  	_ =	shalt  }
0x67: {  	_ =	shalt  }
0x68: {  	_ =	shalt  }
0x69: {  	_ =	shalt  }
0x6a: {  	_ =	shalt  }
0x6b: {  	_ =	shalt  }
0x6c: {  	_ =	shalt  }
0x6d: {  	_ =	shalt  }
0x6e: {  	_ =	shalt  }
0x6f: {  	_ =	shalt  }
0x70: {  	_ =	shalt  }
0x71: {  	_ =	shalt  }
0x72: {  	_ =	shalt  }
0x73: {  	_ =	shalt  }
0x74: {  	_ =	shalt  }
0x75: {  	_ =	shalt  }
0x76: {  	_ =	shalt  }
0x77: {  	_ =	shalt  }
0x78: {  	_ =	shalt  }
0x79: {  	_ =	shalt  }
0x7a: {  	_ =	shalt  }
0x7b: {  	_ =	shalt  }
0x7c: {  	_ =	shalt  }
0x7d: {  	_ =	shalt  }
0x7e: {  	_ =	shalt  }
0x7f: {  	_ =	shalt  }
0x80: {  	_ =	shalt  }
0x81: {  	_ =	shalt  }
0x82: {  	_ =	shalt  }
0x83: {  	_ =	shalt  }
0x84: {  	_ =	shalt  }
0x85: {  	_ =	shalt  }
0x86: {  	_ =	shalt  }
0x87: {  	_ =	shalt  }
.Lfunc_end0:
.L_simem_size_0:
called_computation.2_lowered:
.L_overlay_start_0:
0x88: {  	s2 =	sld [smem:$0x3FD9]  }
0x89: {  	s3 =	sld [smem:$0x3FFE];
	_ =	sdelay $0x1  }
0x8a: {  	s1 =	srdreg.scid  }
0x8b: {  	s0 =	sand.u32 $0x1, s1  }
0x8c: {  	s16 =	sshll.u32 s0, $0xA;
	s2 =	sadd.s32 s3, s2  }
0x8d: {  	s2 =	sadd.s32 s2, s16  }
0x8e: {  	[smem:$0x3FA3] =	sst s2  }
0x8f: {  	_ = 	snop  }
0x90: {  	(tm) =	ssettm $0x1  }
0x91: {  	s17 =	sld [smem:$0x3FFB];
	_ =	sdelay $0x3  }
0x92: {  	_ =	strace s17  }
0x93: {  	s2 =	sld [smem:$0x3FFC];
	_ =	sdelay $0x3  }
0x94: {  	_ =	strace s2  }
0x95: {  	s2 =	sld [smem:$0x3FFD];
	_ =	sdelay $0x3  }
0x96: {  	_ =	strace s2  }
0x97: {  	_ =	strace $0x8FFFFFFF  }
0x98: {  	s18 =	sld [smem:$0x3FDB];
	_ =	sdelay $0x1  }
0x99: {  	s19 =	simm.s32 $_scs_section_size  }
0x9a: {  	s4 =	simm.s32 $_size__tile_overlayer_lowered;
	s5 =	simm.s32 $_tile_overlayer_lowered  }
0x9b: {  	s22 =	simm.s32 $0x1BFF;
	s21 =	sshll.u32 s5, $0x1;
	s2 =	sadd.s32 s19, s18  }
0x9c: {  	s6 =	simm.s32 $0x0;
	s20 =	sshll.u32 s4, $0x1;
	s4 =	sadd.s32 s21, s2  }
0x9d: {  	[timem:s6], [sflag:s22] =	dma.local [hbm:s4], s20  }
0x9e: {  	_ =	swait.ge [sflag:s22], s20  }
0x9f: {  	s3 =	ssub.s32 $0x0, s20;
	[sflag:s22] =	ssyncset.done $0x0  }
0xa0: {  	[sflag:s22] =	ssyncadd.s32 s3;
	_ =	sdelay $0x1  }
0xa1: {  	s23 =	simm.s32 $0x1B8B  }
0xa2: {  	_ =	swait.ge [sflag:s23], $0x1  }
0xa3: {  	[sflag:s23] =	ssyncset.done $0x0  }
0xa4: {  	s25 =	simm.s32 $0x1B8E;
	s24 =	sld [smem:$0x3FFE];
	[sflag:s23] =	ssyncadd.s32 $0xFFFFFFFF  }
0xa5: {  	s26 =	simm.s32 $execute0_lowered;
	[smem:$0x3FD2] =	sst s25  }
0xa6: {  	s4 =	sshll.u32 s26, $0x1;
	_ =	strace $0x8000004C;
	[dreg:$0x1] =	wrdreg $0xFFFFFFFF  }
0xa7: {  	s28 =	simm.s32 $_size_execute0_lowered;
	s2 =	sadd.s32 s2, s4;
	[dreg:$0x0] =	wrdreg $0x0  }
0xa8: {  	s4 =	sshll.u32 s28, $0x1;
	[dreg:$0x2] =	wrdreg s2  }
0xa9: {  	[dreg:$0x3] =	wrdreg s4  }
0xaa: {  	[dreg:$0x4] =	wrdreg $0xC0  }
0xab: {  	_ =	task [dreg:s6], $0x5FFFF  }
0xac: {  	[dreg:$0x1] =	wrdreg $0xFFFFFFFF  }
0xad: {  	[dreg:$0x0] =	wrdreg $0x60  }
0xae: {  	[dreg:$0x2] =	wrdreg s24  }
0xaf: {  	[dreg:$0x3] =	wrdreg $0x9  }
0xb0: {  	_ =	task.clear_ibuf [dreg:s6], $0x4FFFF;
	_ =	strace $0x9000004C  }
0xb1: {  	s29 =	simm.s32 $0x9;
	_ =	strace $0x8000004E  }
0xb2: {  	_ =	swait.ge [sflag:s29], $0x1  }
0xb3: {  	[sflag:s29] =	ssyncadd.s32 $0xFFFFFFFF  }
0xb4: {  	_ =	strace $0x9000004E  }
0xb5: {  	_ =	sfence  }
0xb6: {  	s30 =	sld [smem:$0x0];
	_ =	sdelay $0x2  }
0xb7: {  	s31 =	sshll.u32 s1, $0xD;
	s1 =	sshrl.u32 s1, $0x2  }
0xb8: {  	s3 =	sand.u32 $0x4000, s31;
	s1 =	sadd.s32 s1, s30  }
0xb9: {  	s0 =	sor.u32 s3, s0;
	s1 =	sshll.u32 s1, $0x11  }
0xba: {  	s0 =	sor.u32 s1, s0  }
0xbb: {  	s0 =	sadd.s32 $0x8F2B, s0  }
0xbc: {  	[sflag:s0] =	ssyncadd.remote.s32 $0x1  }
0xbd: {  	_ =	sfence.sel $0xFFFF  }
0xbe: {  	[dreg:$0x0] =	wrdreg $0xFFFFFFFF;
	(pc) =	sbr.abs _section_cstart, $3  }
0xbf: {  	[dreg:$0x1] =	wrdreg $0xFFFFFFFF  }
0xc0: {  	_ =	task.clear_ibuf [dreg:s6], $0x2FFFF;
	_ =	strace $0x9FFFFFFF  }
0xc1: {  	(tm) =	ssettm $0x7FFFFFFF  }
tec
execute0_lowered:
.L_overlay_start_1:
0x0: {  	(tag) =	ssettag $0x1  }
0x1: {  	s1 =	srdreg.scid  }
0x2: {  	s0 =	stileid.u32;
	s5 =	rddreg [dreg:$0x0];
	s2 =	simm.s32 $0x0  }
0x3: {  	s11 =	simm.s32 $0x6400;
	s12 =	simm.s32 $0x1;
	s13 =	simm.s32 $0x2  }
0x4: {  	s14 =	simm.s32 $0xC800;
	s6 =	sand.u32 $0x1, s1;
	s3 =	sshll.u32 s0, $0x1  }
0x5: {  	s15 =	simm.s32 $0x6;
	s16 =	simm.s32 $0x3;
	s3 =	sor.u32 s6, s3  }
0x6: {  	s17 =	simm.s32 $0x4;
	s18 =	simm.s32 $0x14800;
	s7 =	smul.u32 $0xC80, s3  }
0x7: {  	s19 =	simm.s32 $0x0;
	s1 =	rddreg [dreg:$0x1];
	s3 =	smul.u32 $0xC8, s3  }
.Ltmp0:
0x8: {  	[smem:$0x7FF] =	sst s2;
	s6 =	ssub.s32 $0x2, s6;
	(pc) =	sbr.rel .LBB2_1-.Ltmp0, $4  }
0x9: {  	s4 =	sadd.s32 $0xFE200, s5;
	_ =	strace $0x8000004D;
	s31 =	sshrl.u32 s6, $0x1  }
0xa: {  	s10 =	ssub.s32 s6, s31;
	s8 =	sadd.s32 s7, s5;
	s9 =	ssub.s32 $0x186A, s3  }
0xb: {  	s5 =	sadd.s32 $0x1AEEE00, s5;
	s6 =	smin.u32 s9, $0xC8;
	s7 =	sadd.s32 $0xCC200, s8  }
0xc: {  	s8 =	sadd.s32 $0xE5200, s8;
	s9 =	smax.u32 s10, $0x1;
	s10 =	simm.s32 $0x5  }
.LBB2_11:
0xd: {  	s19 =	sadd.s32 $0x1, s19  }
0xe: {  	p0 =	sne.s32 s19, s9  }
.Ltmp1:
0xf: {  	_ = 	snop;
	(pc) =	sbr.rel @!p0 .LBB2_12-.Ltmp1, $1  }
0x10: {  	_ =	sdelay $0x3  }
.LBB2_1:
0x11: {  	[tilespmem:s2], [sflag:$0x5] =	stream.linear.gather [hbm4b:s7+s2], $0x6400, $0x38;
	[tilespmem:$0x1C800] =	vst v63  }
0x12: {  	_ =	swait.ge [sflag:s10], $0x6400  }
0x13: {  	[sflag:s10] =	ssyncset.done $0x0  }
.Ltmp2:
0x14: {  	[sflag:s10] =	ssyncadd.s32 $0xFFFF9C00;
	(pc) =	sbr.rel .LBB2_2-.Ltmp2, $4  }
0x15: {  	[tilespmem:s11], [sflag:$0x5] =	stream.linear.gather [hbm4b:s8+s2], $0x6400, $0x38;
	[tilespmem:$0x1C800] =	vst v63  }
0x16: {  	_ =	swait.ge [sflag:s10], $0x6400  }
0x17: {  	[sflag:s10] =	ssyncset.done $0x0  }
0x18: {  	s20 =	simm.s32 $0x0;
	[sflag:s10] =	ssyncadd.s32 $0xFFFF9C00  }
.LBB2_10:
0x19: {  	s20 =	sadd.s32 $0x1, s20  }
0x1a: {  	p0 =	sne.s32 s20, $0x64  }
.Ltmp3:
0x1b: {  	_ = 	snop;
	(pc) =	sbr.rel @!p0 .LBB2_11-.Ltmp3, $1  }
0x1c: {  	_ =	sdelay $0x3  }
.LBB2_2:
0x1d: {  	s22 =	sshll.u32 s20, $0x1  }
0x1e: {  	p1 =	sge.u32 s22, s6  }
0x1f: {  	s23 =	sshll.u32 @!p1 s20, $0x8;
	s24 =	simm.s32 @!p1 $0x80;
	s21 =	simm.s32 @!p1 $0xC800  }
0x20: {  	[tilespmem:s21], [sflag:$0x1] =	stream.indirect.gather @!p1 [hbm4b:s4+s24], $0x80, s23, s24, $0xb8;
	[tilespmem:$0x1C800] =	vst v63  }
0x21: {  	s25 =	simm.s32 @!p1 $0x10800;
	s21 =	sshllo.u32 s20, $0x1;
	s23 =	sadd.s32 @!p1 $0x6400, s23  }
0x22: {  	[tilespmem:s25], [sflag:$0x2] =	stream.indirect.gather @!p1 [hbm4b:s4+s24], $0x80, s23, s24, $0xb8;
	[tilespmem:$0x1C800] =	vst v63  }
.Ltmp4:
0x23: {  	p0 =	sge.u32 s21, s6;
	(pc) =	sbr.rel @p1 .LBB2_6-.Ltmp4, $4  }
0x24: {  	s23 =	sshll.u32 @!p0 s21, $0x7;
	s24 =	simm.s32 @!p0 $0x80;
	s25 =	simm.s32 @!p0 $0x14800  }
0x25: {  	[tilespmem:s25], [sflag:$0x3] =	stream.indirect.gather @!p0 [hbm4b:s4+s24], $0x80, s23, s24, $0xb8;
	[tilespmem:$0x1C800] =	vst v63  }
0x26: {  	s23 =	sadd.s32 @!p0 $0x6400, s23;
	s25 =	simm.s32 @!p0 $0x18800  }
0x27: {  	[tilespmem:s25], [sflag:$0x4] =	stream.indirect.gather @!p0 [hbm4b:s4+s24], $0x80, s23, s24, $0xb8;
	[tilespmem:$0x1C800] =	vst v63  }
0x28: {  	_ =	swait.ge [sflag:s12], $0x4000  }
0x29: {  	[sflag:s12] =	ssyncset.done $0x0  }
0x2a: {  	[sflag:s12] =	ssyncadd.s32 $0xFFFFC000  }
0x2b: {  	_ =	swait.ge [sflag:s13], $0x4000  }
0x2c: {  	[sflag:s13] =	ssyncset.done $0x0  }
0x2d: {  	s23 =	simm.s32 $0x0;
	[sflag:s13] =	ssyncadd.s32 $0xFFFFC000  }
0x2e: {  	v1 =	vld [tilespmem:s23+$0x10870]  }
0x2f: {  	v2 =	vld [tilespmem:s23+$0x10840]  }
0x30: {  	v0 =	vld [tilespmem:s23+$0x10850]  }
0x31: {  	s24 =	simm.s32 $0x200;
	v3 =	vld [tilespmem:s23+$0x10860]  }
.LBB2_4:
0x32: {  	p1 =	sne.s32 s24, $0xFE00  }
.Ltmp5:
0x33: {  	s25 =	sshra.s32 s24, $0x2;
	s24 =	sadd.s32 $0x200, s24;
	[tilespmem:s23+$0xC870] =	vst v1;
	(pc) =	sbr.rel @p1 .LBB2_4-.Ltmp5, $4  }
0x34: {  	v1 =	vld [tilespmem:s25+$0x10870];
	[tilespmem:s23+$0xC840] =	vst v2  }
0x35: {  	v2 =	vld [tilespmem:s25+$0x10840];
	[tilespmem:s23+$0xC850] =	vst v0  }
0x36: {  	v0 =	vld [tilespmem:s25+$0x10850];
	[tilespmem:s23+$0xC860] =	vst v3;
	s23 =	smov.u32 s25  }
0x37: {  	v3 =	vld [tilespmem:s23+$0x10860]  }
0x38: {  	_ = 	snop  }
0x39: {  	[tilespmem:s23+$0xC870] =	vst v1  }
0x3a: {  	s22 =	sadd.s32 s3, s22;
	[tilespmem:s23+$0xC840] =	vst v2  }
0x3b: {  	s22 =	sshll.u32 s22, $0xB;
	[tilespmem:s23+$0xC850] =	vst v0  }
0x3c: {  	s22 =	sadd.s32 s5, s22;
	[tilespmem:s23+$0xC860] =	vst v3  }
0x3d: {  	[hbm4b:s22+s2] =	stream.linear.scatter [tilespmem:s14], [sflag:$0x6], $0x4000, $0x38;
	[tilespmem:$0x1C800] =	vst v63  }
0x3e: {  	_ =	swait.ge [sflag:s15], $0x4000  }
0x3f: {  	[sflag:s15] =	ssyncset.done $0x0  }
0x40: {  	[sflag:s15] =	ssyncadd.s32 $0xFFFFC000  }
.LBB2_6:
.Ltmp6:
0x41: {  	(pc) =	sbr.rel @p0 .LBB2_10-.Ltmp6, $1  }
0x42: {  	_ =	sdelay $0x3  }
0x43: {  	_ =	swait.ge [sflag:s16], $0x4000  }
0x44: {  	[sflag:s16] =	ssyncset.done $0x0  }
0x45: {  	[sflag:s16] =	ssyncadd.s32 $0xFFFFC000  }
0x46: {  	_ =	swait.ge [sflag:s17], $0x4000  }
0x47: {  	[sflag:s17] =	ssyncset.done $0x0  }
0x48: {  	s22 =	simm.s32 $0x0;
	[sflag:s17] =	ssyncadd.s32 $0xFFFFC000  }
0x49: {  	v3 =	vld [tilespmem:s22+$0x18870]  }
0x4a: {  	v1 =	vld [tilespmem:s22+$0x18840]  }
0x4b: {  	v0 =	vld [tilespmem:s22+$0x18850]  }
0x4c: {  	s23 =	simm.s32 $0x200;
	v2 =	vld [tilespmem:s22+$0x18860]  }
.LBB2_8:
0x4d: {  	p0 =	sne.s32 s23, $0xFE00  }
.Ltmp7:
0x4e: {  	s24 =	sshra.s32 s23, $0x2;
	s23 =	sadd.s32 $0x200, s23;
	[tilespmem:s22+$0x14870] =	vst v3;
	(pc) =	sbr.rel @p0 .LBB2_8-.Ltmp7, $4  }
0x4f: {  	v3 =	vld [tilespmem:s24+$0x18870];
	[tilespmem:s22+$0x14840] =	vst v1  }
0x50: {  	v1 =	vld [tilespmem:s24+$0x18840];
	[tilespmem:s22+$0x14850] =	vst v0  }
0x51: {  	v0 =	vld [tilespmem:s24+$0x18850];
	[tilespmem:s22+$0x14860] =	vst v2;
	s22 =	smov.u32 s24  }
0x52: {  	v2 =	vld [tilespmem:s22+$0x18860]  }
0x53: {  	_ = 	snop  }
0x54: {  	s21 =	sadd.s32 s3, s21;
	[tilespmem:s22+$0x14870] =	vst v3  }
0x55: {  	s21 =	sshll.u32 s21, $0xB;
	[tilespmem:s22+$0x14840] =	vst v1  }
0x56: {  	s21 =	sand.u32 $0x1FFFF800, s21;
	[tilespmem:s22+$0x14850] =	vst v0  }
.Ltmp8:
0x57: {  	s21 =	sadd.s32 s5, s21;
	[tilespmem:s22+$0x14860] =	vst v2;
	(pc) =	sbr.rel .LBB2_10-.Ltmp8, $4  }
0x58: {  	[hbm4b:s21+s2] =	stream.linear.scatter [tilespmem:s18], [sflag:$0x5], $0x4000, $0x38;
	[tilespmem:$0x1C800] =	vst v63  }
0x59: {  	_ =	swait.ge [sflag:s10], $0x4000  }
0x5a: {  	[sflag:s10] =	ssyncset.done $0x0  }
0x5b: {  	[sflag:s10] =	ssyncadd.s32 $0xFFFFC000  }
.LBB2_12:
0x5c: {  	_ =	sfence.sel $0x180000  }
0x5d: {  	[bflag:$0x0] =	sbarrier.arrive $0xFFFF  }
0x5e: {  	p0 =	sne.s32 s0, $0x0;
	_ =	strace $0x9000004D  }
0x5f: {  	s0 =	sadd.s32 @!p0 $0x100000, s1;
	[bflag:$0x2] =	sbarrier.arrive $0xFFFF  }
0x60: {  	[sflag:s0] =	ssyncadd.tile.s32 @!p0 $0x1;
	_ =	shalt  }
.Lfunc_end2:
_tile_overlayer_lowered:
.L_overlay_start_2:
0x61: {  	(tag) =	ssettag $0x2  }
0x62: {  	s0 =	rddreg [dreg:$0x0];
	s2 =	stileid.u32  }
0x63: {  	s1 =	rddreg [dreg:$0x1];
	p0 =	sne.s32 s2, $0x0  }
0x64: {  	s3 =	rddreg [dreg:$0x2];
	[bflag:$0x3] =	sbarrier.arrive $0xFFFF;
	s2 =	simm.s32 @!p0 $0x1C05  }
0x65: {  	[timem:s3], [sflag:s2] =	dma.local @!p0 [hbm:s0], s1  }
0x66: {  	s0 =	simm.s32 @!p0 $0x5  }
0x67: {  	_ =	swait.ge @!p0 [sflag:s0], s1  }
0x68: {  	s1 =	ssub.s32 @!p0 $0x0, s1;
	[sflag:s0] =	ssyncset.done @!p0 $0x0  }
0x69: {  	[sflag:s0] =	ssyncadd.s32 @!p0 s1  }
0x6a: {  	[bflag:$0x3] =	sbarrier.arrive $0xFFFF  }
0x6b: {  	_ =	shalt  }

// kernel: kernel.22.cloned.1.call-start
scs
__scs_entry_jumppad:
0x0: {  	(pc) =	sbr.rel $0x88, $3  }
0x1: {  	(tag) =	ssettag $0x0;
	lr =	simm.s32 $0x1  }
0x2: {  	[smem:$0x3F7C] =	sst lr;
	_ =	strace $0xD0000000  }
0x3: {  	_ = 	snop  }
0x4: {  	_ = 	snop  }
0x5: {  	_ = 	snop  }
0x6: {  	_ = 	snop  }
0x7: {  	_ = 	snop  }
__scs_overlays_trampoline_lowered:
0x8: {  	[smem:$0x3F8B] =	sst s0  }
0x9: {  	[smem:$0x3F8C] =	sst s1  }
0xa: {  	[smem:$0x3F8D] =	sst s2  }
0xb: {  	[smem:$0x3F8E] =	sst s3  }
0xc: {  	[smem:$0x3F8F] =	sst s4  }
0xd: {  	[smem:$0x3F90] =	sst s5  }
0xe: {  	[smem:$0x3F91] =	sst s6  }
0xf: {  	[smem:$0x3F92] =	sst s7  }
0x10: {  	[smem:$0x3F93] =	sst s8  }
0x11: {  	[smem:$0x3F94] =	sst s9;
	s0 =	simm.s32 @!p0 $0x0  }
0x12: {  	s1 =	sld [smem:$0x3F7A];
	s0 =	simm.s32 @p0 $0x1  }
0x13: {  	[smem:$0x3F95] =	sst s0;
	s0 =	simm.s32 @!p1 $0x0  }
0x14: {  	s2 =	sld [smem:$0x3F79];
	s0 =	simm.s32 @p1 $0x1  }
0x15: {  	[smem:$0x3F96] =	sst s0;
	s0 =	simm.s32 @!p2 $0x0  }
0x16: {  	s3 =	sld [smem:$0x3FDB];
	s0 =	simm.s32 @p2 $0x1  }
0x17: {  	s4 =	simm.s32 $0x1BF5;
	[smem:$0x3F98] =	sst s0  }
0x18: {  	s0 =	sld [smem:$0x3F7B];
	_ =	swait.ge [sflag:s4], $0x0  }
0x19: {  	s7 =	sld [smem:$0x3F7C]  }
0x1a: {  	s8 =	sadd.s32 $0xFFFFE003, lr  }
0x1b: {  	s9 =	sadd.s32 $0xFFFFFEF7, lr;
	s5 =	simm.s32 $0xFFFFFFFF;
	p2 =	slt.u32 s8, $0xFFFFF086  }
0x1c: {  	p1 =	slt.u32 s9, $0xF7A;
	s5 =	simm.s32 @!p2 $0x0  }
0x1d: {  	s5 =	simm.s32 @p1 $0x1;
	p0 =	seq.s32 s7, s2  }
0x1e: {  	s7 =	smul.u32 @!p0 $0xF7A, s2;
	p2 =	seq.s32 @!p0 s5, $0x0  }
0x1f: {  	s9 =	smul.u32 $0xF7A, s1;
	s8 =	simm.s32 @!p0 $0x1BF5;
	p2 =	por !p2, p0  }
0x20: {  	[sflag:s8] =	ssyncset.s32 @!p0 $0xFFFFF086;
	s6 =	sadd.s32 @!p0 s3, s7;
	s7 =	simm.s32 @!p0 $0x108  }
0x21: {  	s3 =	sadd.s32 s3, s9;
	s6 =	sadd.s32 @!p0 $0x88, s6;
	s7 =	simm.s32 @p2 $0x1082  }
0x22: {  	[simem:s7], [sflag:s8] =	dma.local @!p0 [hbm:s6], $0xF7A  }
0x23: {  	s9 =	sor.u32 $0xD0000000, s2;
	s6 =	simm.s32 $0x108;
	_ =	swait.ge @!p0 [sflag:s8], $0x0  }
0x24: {  	s3 =	sadd.s32 $0x88, s3;
	s6 =	simm.s32 @!p1 $0x1082;
	[sflag:s4] =	ssyncset.s32 $0xFFFFF086  }
0x25: {  	[simem:s6], [sflag:s4] =	dma.local [hbm:s3], $0xF7A  }
0x26: {  	[smem:$0x3F7C] =	sst s1;
	(tag) =	ssettag s2;
	_ =	strace s9  }
0x27: {  	s1 =	sld [smem:$0x3F8C]  }
0x28: {  	s2 =	sld [smem:$0x3F8D]  }
0x29: {  	s4 =	sld [smem:$0x3F8F]  }
0x2a: {  	p0 =	seq.s32 s5, $0x0;
	s5 =	sld [smem:$0x3F90]  }
0x2b: {  	s6 =	sld [smem:$0x3F91]  }
0x2c: {  	s7 =	sld [smem:$0x3F92]  }
0x2d: {  	s3 =	simm.s32 $0x108;
	s8 =	sld [smem:$0x3F93]  }
0x2e: {  	s3 =	simm.s32 @!p0 $0x1082;
	s9 =	sld [smem:$0x3F94]  }
0x2f: {  	lr =	sadd.s32 s0, s3;
	s0 =	sld [smem:$0x3F8B]  }
0x30: {  	s3 =	sld [smem:$0x3F8E]  }
0x31: {  	[smem:$0x3F97] =	sst s10  }
0x32: {  	s10 =	sld [smem:$0x3F95];
	_ =	sdelay $0x3  }
0x33: {  	p0 =	seq.s32 s10, $0x1;
	s10 =	sld [smem:$0x3F97];
	_ =	sdelay $0x3  }
0x34: {  	[smem:$0x3F97] =	sst s10  }
0x35: {  	s10 =	sld [smem:$0x3F96];
	_ =	sdelay $0x3  }
0x36: {  	p1 =	seq.s32 s10, $0x1;
	s10 =	sld [smem:$0x3F97];
	_ =	sdelay $0x3  }
0x37: {  	[smem:$0x3F97] =	sst s10  }
0x38: {  	s10 =	sld [smem:$0x3F98]  }
0x39: {  	_ = 	snop;
	(pc) =	sbr.ind lr, $3  }
0x3a: {  	_ = 	snop  }
0x3b: {  	_ = 	snop  }
0x3c: {  	p2 =	seq.s32 s10, $0x1;
	s10 =	sld [smem:$0x3F97]  }
0x3d: {  	_ =	shalt  }
0x3e: {  	_ =	shalt  }
0x3f: {  	_ =	shalt  }
0x40: {  	_ =	shalt  }
0x41: {  	_ =	shalt  }
0x42: {  	_ =	shalt  }
0x43: {  	_ =	shalt  }
0x44: {  	_ =	shalt  }
0x45: {  	_ =	shalt  }
0x46: {  	_ =	shalt  }
0x47: {  	_ =	shalt  }
0x48: {  	_ =	shalt  }
0x49: {  	_ =	shalt  }
0x4a: {  	_ =	shalt  }
0x4b: {  	_ =	shalt  }
0x4c: {  	_ =	shalt  }
0x4d: {  	_ =	shalt  }
0x4e: {  	_ =	shalt  }
0x4f: {  	_ =	shalt  }
0x50: {  	_ =	shalt  }
0x51: {  	_ =	shalt  }
0x52: {  	_ =	shalt  }
0x53: {  	_ =	shalt  }
0x54: {  	_ =	shalt  }
0x55: {  	_ =	shalt  }
0x56: {  	_ =	shalt  }
0x57: {  	_ =	shalt  }
0x58: {  	_ =	shalt  }
0x59: {  	_ =	shalt  }
0x5a: {  	_ =	shalt  }
0x5b: {  	_ =	shalt  }
0x5c: {  	_ =	shalt  }
0x5d: {  	_ =	shalt  }
0x5e: {  	_ =	shalt  }
0x5f: {  	_ =	shalt  }
0x60: {  	_ =	shalt  }
0x61: {  	_ =	shalt  }
0x62: {  	_ =	shalt  }
0x63: {  	_ =	shalt  }
0x64: {  	_ =	shalt  }
0x65: {  	_ =	shalt  }
0x66: {  	_ =	shalt  }
0x67: {  	_ =	shalt  }
0x68: {  	_ =	shalt  }
0x69: {  	_ =	shalt  }
0x6a: {  	_ =	shalt  }
0x6b: {  	_ =	shalt  }
0x6c: {  	_ =	shalt  }
0x6d: {  	_ =	shalt  }
0x6e: {  	_ =	shalt  }
0x6f: {  	_ =	shalt  }
0x70: {  	_ =	shalt  }
0x71: {  	_ =	shalt  }
0x72: {  	_ =	shalt  }
0x73: {  	_ =	shalt  }
0x74: {  	_ =	shalt  }
0x75: {  	_ =	shalt  }
0x76: {  	_ =	shalt  }
0x77: {  	_ =	shalt  }
0x78: {  	_ =	shalt  }
0x79: {  	_ =	shalt  }
0x7a: {  	_ =	shalt  }
0x7b: {  	_ =	shalt  }
0x7c: {  	_ =	shalt  }
0x7d: {  	_ =	shalt  }
0x7e: {  	_ =	shalt  }
0x7f: {  	_ =	shalt  }
0x80: {  	_ =	shalt  }
0x81: {  	_ =	shalt  }
0x82: {  	_ =	shalt  }
0x83: {  	_ =	shalt  }
0x84: {  	_ =	shalt  }
0x85: {  	_ =	shalt  }
0x86: {  	_ =	shalt  }
0x87: {  	_ =	shalt  }
.Lfunc_end0:
.L_simem_size_0:
called_computation.3_lowered:
.L_overlay_start_0:
0x88: {  	s2 =	sld [smem:$0x3FD9]  }
0x89: {  	s3 =	sld [smem:$0x3FFE];
	_ =	sdelay $0x1  }
0x8a: {  	s1 =	srdreg.scid  }
0x8b: {  	s0 =	sand.u32 $0x1, s1  }
0x8c: {  	s16 =	sshll.u32 s0, $0xA;
	s2 =	sadd.s32 s3, s2  }
0x8d: {  	s2 =	sadd.s32 s2, s16  }
0x8e: {  	[smem:$0x3FA3] =	sst s2  }
0x8f: {  	_ = 	snop  }
0x90: {  	(tm) =	ssettm $0x1  }
0x91: {  	s17 =	sld [smem:$0x3FFB];
	_ =	sdelay $0x3  }
0x92: {  	_ =	strace s17  }
0x93: {  	s2 =	sld [smem:$0x3FFC];
	_ =	sdelay $0x3  }
0x94: {  	_ =	strace s2  }
0x95: {  	s2 =	sld [smem:$0x3FFD];
	_ =	sdelay $0x3  }
0x96: {  	_ =	strace s2  }
0x97: {  	_ =	strace $0x8FFFFFFF  }
0x98: {  	s18 =	sld [smem:$0x3FDB];
	_ =	sdelay $0x1  }
0x99: {  	s19 =	simm.s32 $_scs_section_size  }
0x9a: {  	s4 =	simm.s32 $_size__tile_overlayer_lowered;
	s5 =	simm.s32 $_tile_overlayer_lowered  }
0x9b: {  	s22 =	simm.s32 $0x1BFF;
	s21 =	sshll.u32 s5, $0x1;
	s2 =	sadd.s32 s19, s18  }
0x9c: {  	s6 =	simm.s32 $0x0;
	s20 =	sshll.u32 s4, $0x1;
	s4 =	sadd.s32 s21, s2  }
0x9d: {  	[timem:s6], [sflag:s22] =	dma.local [hbm:s4], s20  }
0x9e: {  	_ =	swait.ge [sflag:s22], s20  }
0x9f: {  	s3 =	ssub.s32 $0x0, s20;
	[sflag:s22] =	ssyncset.done $0x0  }
0xa0: {  	[sflag:s22] =	ssyncadd.s32 s3;
	_ =	sdelay $0x1  }
0xa1: {  	s23 =	simm.s32 $0x1B8B  }
0xa2: {  	_ =	swait.ge [sflag:s23], $0x1  }
0xa3: {  	[sflag:s23] =	ssyncset.done $0x0  }
0xa4: {  	s25 =	simm.s32 $0x1B8E;
	s24 =	sld [smem:$0x3FFE];
	[sflag:s23] =	ssyncadd.s32 $0xFFFFFFFF  }
0xa5: {  	s26 =	simm.s32 $execute0_lowered;
	[smem:$0x3FD2] =	sst s25  }
0xa6: {  	s4 =	sshll.u32 s26, $0x1;
	_ =	strace $0x8000004F;
	[dreg:$0x1] =	wrdreg $0xFFFFFFFF  }
0xa7: {  	s28 =	simm.s32 $_size_execute0_lowered;
	s2 =	sadd.s32 s2, s4;
	[dreg:$0x0] =	wrdreg $0x0  }
0xa8: {  	s4 =	sshll.u32 s28, $0x1;
	[dreg:$0x2] =	wrdreg s2  }
0xa9: {  	[dreg:$0x3] =	wrdreg s4  }
0xaa: {  	[dreg:$0x4] =	wrdreg $0xC0  }
0xab: {  	_ =	task [dreg:s6], $0x5FFFF  }
0xac: {  	[dreg:$0x1] =	wrdreg $0xFFFFFFFF  }
0xad: {  	[dreg:$0x0] =	wrdreg $0x60  }
0xae: {  	[dreg:$0x2] =	wrdreg s24  }
0xaf: {  	[dreg:$0x3] =	wrdreg $0x48A00  }
0xb0: {  	[dreg:$0x4] =	wrdreg $0x9  }
0xb1: {  	_ =	task.clear_ibuf [dreg:s6], $0x5FFFF;
	_ =	strace $0x9000004F  }
0xb2: {  	s29 =	simm.s32 $0x9;
	_ =	strace $0x80000051  }
0xb3: {  	_ =	swait.ge [sflag:s29], $0x1  }
0xb4: {  	[sflag:s29] =	ssyncadd.s32 $0xFFFFFFFF  }
0xb5: {  	_ =	strace $0x90000051  }
0xb6: {  	_ =	sfence  }
0xb7: {  	s30 =	sld [smem:$0x0];
	_ =	sdelay $0x2  }
0xb8: {  	s31 =	sshll.u32 s1, $0xD;
	s1 =	sshrl.u32 s1, $0x2  }
0xb9: {  	s3 =	sand.u32 $0x4000, s31;
	s1 =	sadd.s32 s1, s30  }
0xba: {  	s0 =	sor.u32 s3, s0;
	s1 =	sshll.u32 s1, $0x11  }
0xbb: {  	s0 =	sor.u32 s1, s0  }
0xbc: {  	s0 =	sadd.s32 $0x8F2B, s0  }
0xbd: {  	[sflag:s0] =	ssyncadd.remote.s32 $0x1  }
0xbe: {  	_ =	sfence.sel $0xFFFF  }
0xbf: {  	[dreg:$0x0] =	wrdreg $0xFFFFFFFF;
	(pc) =	sbr.abs _section_cstart, $3  }
0xc0: {  	[dreg:$0x1] =	wrdreg $0xFFFFFFFF  }
0xc1: {  	_ =	task.clear_ibuf [dreg:s6], $0x2FFFF;
	_ =	strace $0x9FFFFFFF  }
0xc2: {  	(tm) =	ssettm $0x7FFFFFFF  }
0xc3: {  	_ =	shalt  }
tec
execute0_lowered:
.L_overlay_start_1:
0x0: {  	(tag) =	ssettag $0x1  }
0x1: {  	s6 =	rddreg [dreg:$0x0]  }
0x2: {  	s2 =	rddreg [dreg:$0x1];
	s3 =	simm.s32 $0x0;
	s4 =	srdreg.scid  }
0x3: {  	s0 =	stileid.u32;
	s14 =	simm.s32 $0x20;
	s15 =	simm.s32 $0x40  }
0x4: {  	[smem:$0x7FF] =	sst s3;
	s5 =	sand.u32 $0x1, s4;
	s7 =	smul.u32 $0x30D40, s0  }
0x5: {  	s10 =	sadd.s32 $0x40BA00, s6;
	s4 =	sadd.s32 $0xCC200, s6;
	s12 =	smul.u32 $0x320000, s0  }
0x6: {  	s30 =	smul.u32 $0x61A80, s0;
	_ =	strace $0x80000050;
	s8 =	sshll.u32 s5, $0x5  }
0x7: {  	s9 =	ssub.s32 $0x2, s5;
	s5 =	smul.u32 $0x190, s0;
	s7 =	sor.u32 s8, s7  }
0x8: {  	s26 =	sshrl.u32 s9, $0x1;
	s8 =	sor.u32 s8, s12;
	s7 =	sshrl.u32 s7, $0x3  }
0x9: {  	s28 =	ssub.s32 s9, s26;
	s29 =	ssub.s32 $0x186A, s5;
	s9 =	sshrl.u32 s30, $0x2  }
0xa: {  	s12 =	sshrl.u32 s8, $0x3;
	s13 =	sor.u32 $0x2000, s8;
	s11 =	sadd.s32 s7, s6  }
0xb: {  	s6 =	smin.u32 s29, $0x190;
	s7 =	smax.u32 s28, $0x1;
	s8 =	sadd.s32 s9, s2  }
0xc: {  	s9 =	sadd.s32 s12, s10;
	s31 =	sshrl.u32 s13, $0x3;
	s12 =	simm.s32 $0x3900  }
0xd: {  	v0 =	vimm.f32 $0.0e+00;
	s13 =	simm.s32 $0x3;
	s10 =	sadd.s32 s31, s10;
	s11 =	sadd.s32 $0xE5200, s11  }
.LBB2_1:
0xe: {  	s16 =	simm.s32 $0x0  }
.LBB2_2:
0xf: {  	p0 =	sne.s32 s16, $0x3E00  }
.Ltmp0:
0x10: {  	_ = 	snop;
	(pc) =	sbr.rel @p0 .LBB2_2-.Ltmp0, $4  }
0x11: {  	_ = 	snop  }
0x12: {  	s17 =	sshra.s32 s16, $0x2  }
0x13: {  	[tilespmem:s17+$0x3900] =	vst v0  }
0x14: {  	s16 =	sadd.s32 $0x80, s16;
	[tilespmem:s17+$0x3910] =	vst v0  }
0x15: {  	s16 =	sadd.s32 $0x0, s8  }
0x16: {  	[spmem:s16] =	stream.linear.scatter [tilespmem:s12], [sflag:$0x3], $0xFA0, $0x38;
	[tilespmem:$0x1CF40] =	vst v63  }
0x17: {  	s16 =	simm.s32 $0x3E80;
	_ =	swait.ge [sflag:s13], $0xFA0  }
.LBB2_4:
0x18: {  	s17 =	sshra.s32 s16, $0x2;
	[sflag:s13] =	ssyncset.done $0x0;
	p0 =	sne.s32 s16, $0x5DC00  }
.Ltmp1:
0x19: {  	s17 =	sadd.s32 s17, s8;
	[sflag:s13] =	ssyncadd.s32 $0xFFFFF060;
	(pc) =	sbr.rel @p0 .LBB2_4-.Ltmp1, $3  }
0x1a: {  	[spmem:s17] =	stream.linear.scatter [tilespmem:s12], [sflag:$0x3], $0xFA0, $0x38;
	[tilespmem:$0x1CF40] =	vst v63  }
0x1b: {  	s16 =	sadd.s32 $0x3E80, s16;
	_ =	sdelay $0x1  }
0x1c: {  	_ =	swait.ge [sflag:s13], $0xFA0  }
0x1d: {  	[sflag:s13] =	ssyncset.done $0x0;
	s16 =	simm.s32 $0x0  }
0x1e: {  	s17 =	simm.s32 $0x1;
	s18 =	smov.u32 s10;
	[sflag:s13] =	ssyncadd.s32 $0xFFFFF060  }
0x1f: {  	s19 =	smov.u32 s9;
	s20 =	simm.s32 $0x0;
	[bflag:$0x0] =	sbarrier.arrive $0xFFFF  }
.LBB2_6:
0x20: {  	s21 =	smul.u32 $0x32, s20;
	_ =	sdelay $0x1  }
0x21: {  	s21 =	sadd.s32 s5, s21  }
0x22: {  	s21 =	sshll.u32 s21, $0x4  }
0x23: {  	s30 =	sadd.s32 $0xFFFFFFFF, s17;
	s21 =	sadd.s32 s4, s21  }
0x24: {  	[tilespmem:s16], [sflag:$0x3] =	stream.linear.gather [hbm4b:s21+s16], $0x1900, $0x38;
	[tilespmem:$0x1CF40] =	vst v63  }
0x25: {  	p0 =	sge.u32 s17, s6;
	p2 =	sge.u32 s30, s6;
	_ =	swait.ge [sflag:s13], $0x1900  }
0x26: {  	s24 =	simm.s32 @!p0 $0x20;
	s22 =	simm.s32 @!p2 $0x40;
	[sflag:s13] =	ssyncset.done $0x0  }
0x27: {  	s23 =	simm.s32 @!p2 $0x1900;
	s21 =	simm.s32 @!p2 $0x20;
	[sflag:s13] =	ssyncadd.s32 $0xFFFFE700  }
0x28: {  	[tilespmem:s23], [sflag:$0x1] =	stream.strided.gather @!p2 [hbm4b:s19+s21], $0x1000, s22, s21, $0x38;
	[tilespmem:$0x1CF40] =	vst v63  }
0x29: {  	s25 =	simm.s32 @!p2 $0x1;
	s21 =	simm.s32 @!p0 $0x40;
	s22 =	simm.s32 @!p0 $0x2900  }
0x2a: {  	[tilespmem:s22], [sflag:$0x2] =	stream.strided.gather @!p0 [hbm4b:s18+s24], $0x1000, s21, s24, $0x38;
	[tilespmem:$0x1CF40] =	vst v63  }
0x2b: {  	_ =	swait.ge @!p2 [sflag:s25], $0x1000  }
0x2c: {  	s26 =	simm.s32 @!p2 $0x80;
	[sflag:s25] =	ssyncset.done @!p2 $0x0  }
0x2d: {  	s21 =	simm.s32 @!p2 $0x4;
	s24 =	simm.s32 @!p2 $0x0;
	[sflag:s25] =	ssyncadd.s32 @!p2 $0xFFFFF000  }
0x2e: {  	[spmem:s2] =	stream.indirect.scatter.add.f32 @!p2 [tilespmem:s23], [sflag:$0x4], $0x20, s24, s26, $0xb8;
	[tilespmem:$0x1CF40] =	vst v63  }
0x2f: {  	_ =	swait.ge @!p2 [sflag:s21], $0x1000  }
0x30: {  	p1 =	por p0, p0;
	[sflag:s21] =	ssyncset.done @!p2 $0x0  }
0x31: {  	s24 =	simm.s32 @!p1 $0x2;
	s23 =	sadd.s32 $0x2, s17;
	[sflag:s21] =	ssyncadd.s32 @!p2 $0xFFFFF000  }
0x32: {  	s25 =	simm.s32 @!p0 $0x80;
	s31 =	sadd.s32 $0xFFFFFFFF, s23;
	_ =	swait.ge @!p1 [sflag:s24], $0x1000  }
0x33: {  	s26 =	simm.s32 @!p1 $0x80;
	p0 =	sge.u32 s31, s6;
	[sflag:s24] =	ssyncset.done @!p1 $0x0  }
0x34: {  	s21 =	simm.s32 $0x400;
	[sflag:s24] =	ssyncadd.s32 @!p1 $0xFFFFF000;
	s24 =	sadd.s32 $0x800, s19  }
0x35: {  	[spmem:s2] =	stream.indirect.scatter.add.f32 @!p1 [tilespmem:s22], [sflag:$0x3], $0x20, s25, s26, $0xb8;
	[tilespmem:$0x1CF40] =	vst v63  }
0x36: {  	s25 =	simm.s32 $0x800;
	s22 =	sadd.s32 $0x800, s18;
	s26 =	simm.s32 @!p1 $0x3  }
.LBB2_7:
0x37: {  	s28 =	simm.s32 @!p0 $0x20;
	s29 =	simm.s32 @!p0 $0x40;
	_ =	swait.ge @!p1 [sflag:s26], $0x1000  }
0x38: {  	s30 =	simm.s32 @!p0 $0x1900;
	p2 =	sge.u32 s23, s6;
	[sflag:s26] =	ssyncset.done @!p1 $0x0  }
0x39: {  	s31 =	simm.s32 @!p2 $0x20;
	s0 =	simm.s32 @!p2 $0x40;
	[sflag:s26] =	ssyncadd.s32 @!p1 $0xFFFFF000  }
0x3a: {  	[tilespmem:s30], [sflag:$0x1] =	stream.strided.gather @!p0 [hbm4b:s24+s28], $0x1000, s29, s28, $0x38;
	[tilespmem:$0x1CF40] =	vst v63  }
0x3b: {  	s26 =	simm.s32 @!p0 $0x1;
	s28 =	simm.s32 @!p2 $0x2900;
	s29 =	sshra.s32 @!p2 s21, $0x2  }
0x3c: {  	[tilespmem:s28], [sflag:$0x2] =	stream.strided.gather @!p2 [hbm4b:s22+s31], $0x1000, s0, s31, $0x38;
	[tilespmem:$0x1CF40] =	vst v63  }
0x3d: {  	s29 =	sadd.s32 @!p2 $0x80, s29;
	s0 =	simm.s32 @!p0 $0x4;
	_ =	swait.ge @!p0 [sflag:s26], $0x1000  }
0x3e: {  	s1 =	simm.s32 @!p0 $0x80;
	s31 =	sshra.s32 @!p0 s21, $0x2;
	[sflag:s26] =	ssyncset.done @!p0 $0x0  }
0x3f: {  	s21 =	smov.u32 s25;
	s25 =	sadd.s32 $0x400, s25;
	[sflag:s26] =	ssyncadd.s32 @!p0 $0xFFFFF000  }
0x40: {  	[spmem:s2] =	stream.indirect.scatter.add.f32 @!p0 [tilespmem:s30], [sflag:$0x4], $0x20, s31, s1, $0xb8;
	[tilespmem:$0x1CF40] =	vst v63  }
0x41: {  	p1 =	por p2, p2;
	p3 =	sne.s32 s25, $0x6400;
	_ =	swait.ge @!p0 [sflag:s0], $0x1000  }
0x42: {  	s1 =	simm.s32 @!p1 $0x2;
	[sflag:s0] =	ssyncset.done @!p0 $0x0  }
.Ltmp2:
0x43: {  	s22 =	sadd.s32 $0x800, s22;
	[sflag:s0] =	ssyncadd.s32 @!p0 $0xFFFFF000;
	(pc) =	sbr.rel @p3 .LBB2_7-.Ltmp2, $4  }
0x44: {  	s23 =	sadd.s32 $0x2, s23;
	s24 =	sadd.s32 $0x800, s24;
	_ =	swait.ge @!p1 [sflag:s1], $0x1000  }
0x45: {  	s30 =	simm.s32 @!p1 $0x80;
	s0 =	sadd.s32 $0xFFFFFFFF, s23;
	[sflag:s1] =	ssyncset.done @!p1 $0x0  }
0x46: {  	s26 =	simm.s32 @!p1 $0x3;
	p0 =	sge.u32 s0, s6;
	[sflag:s1] =	ssyncadd.s32 @!p1 $0xFFFFF000  }
0x47: {  	[spmem:s2] =	stream.indirect.scatter.add.f32 @!p1 [tilespmem:s28], [sflag:$0x3], $0x20, s29, s30, $0xb8;
	[tilespmem:$0x1CF40] =	vst v63  }
0x48: {  	s0 =	simm.s32 @!p0 $0x20;
	_ =	swait.ge @!p1 [sflag:s26], $0x1000  }
0x49: {  	s1 =	simm.s32 @!p0 $0x40;
	p2 =	sge.u32 s23, s6;
	[sflag:s26] =	ssyncset.done @!p1 $0x0  }
0x4a: {  	s23 =	simm.s32 @!p0 $0x1900;
	s25 =	simm.s32 @!p2 $0x20;
	[sflag:s26] =	ssyncadd.s32 @!p1 $0xFFFFF000  }
0x4b: {  	[tilespmem:s23], [sflag:$0x1] =	stream.strided.gather @!p0 [hbm4b:s24+s0], $0x1000, s1, s0, $0x38;
	[tilespmem:$0x1CF40] =	vst v63  }
0x4c: {  	s0 =	simm.s32 @!p2 $0x40;
	s1 =	simm.s32 @!p2 $0x2900;
	s24 =	simm.s32 @!p0 $0x1  }
0x4d: {  	[tilespmem:s1], [sflag:$0x2] =	stream.strided.gather @!p2 [hbm4b:s22+s25], $0x1000, s0, s25, $0x38;
	[tilespmem:$0x1CF40] =	vst v63  }
0x4e: {  	_ =	swait.ge @!p0 [sflag:s24], $0x1000  }
0x4f: {  	s0 =	simm.s32 @!p0 $0x4;
	[sflag:s24] =	ssyncset.done @!p0 $0x0  }
0x50: {  	s22 =	sshra.s32 @!p0 s21, $0x2;
	s25 =	simm.s32 @!p0 $0x80;
	[sflag:s24] =	ssyncadd.s32 @!p0 $0xFFFFF000  }
0x51: {  	[spmem:s2] =	stream.indirect.scatter.add.f32 @!p0 [tilespmem:s23], [sflag:$0x4], $0x20, s22, s25, $0xb8;
	[tilespmem:$0x1CF40] =	vst v63  }
0x52: {  	_ =	swait.ge @!p0 [sflag:s0], $0x1000  }
0x53: {  	p1 =	por p2, p2;
	[sflag:s0] =	ssyncset.done @!p0 $0x0  }
0x54: {  	s20 =	sadd.s32 $0x1, s20;
	s22 =	simm.s32 @!p1 $0x2;
	[sflag:s0] =	ssyncadd.s32 @!p0 $0xFFFFF000  }
0x55: {  	s0 =	sshra.s32 @!p2 s21, $0x2;
	s21 =	simm.s32 @!p1 $0x80;
	_ =	swait.ge @!p1 [sflag:s22], $0x1000  }
0x56: {  	p0 =	sne.s32 s20, $0x8;
	s0 =	sadd.s32 @!p2 $0x80, s0;
	[sflag:s22] =	ssyncset.done @!p1 $0x0  }
.Ltmp3:
0x57: {  	[sflag:s22] =	ssyncadd.s32 @!p1 $0xFFFFF000;
	s22 =	simm.s32 @!p1 $0x3;
	(pc) =	sbr.rel @p0 .LBB2_6-.Ltmp3, $4  }
0x58: {  	[spmem:s2] =	stream.indirect.scatter.add.f32 @!p1 [tilespmem:s1], [sflag:$0x3], $0x20, s0, s21, $0xb8;
	[tilespmem:$0x1CF40] =	vst v63  }
0x59: {  	_ =	swait.ge @!p1 [sflag:s22], $0x1000  }
0x5a: {  	s19 =	sadd.s32 $0xC800, s19;
	[sflag:s22] =	ssyncset.done @!p1 $0x0  }
0x5b: {  	s18 =	sadd.s32 $0xC800, s18;
	s17 =	sadd.s32 $0x32, s17;
	[sflag:s22] =	ssyncadd.s32 @!p1 $0xFFFFF000  }
0x5c: {  	[bflag:$0x0] =	sbarrier.arrive $0xFFFF  }
0x5d: {  	[tilespmem:s12], [sflag:$0x3] =	stream.linear.gather [spmem:s8], $0xFA0, $0x38;
	[tilespmem:$0x1CF40] =	vst v63  }
0x5e: {  	_ =	swait.ge [sflag:s13], $0xFA0  }
0x5f: {  	[sflag:s13] =	ssyncset.done $0x0  }
0x60: {  	s0 =	sadd.s32 $0x0, s11;
	[sflag:s13] =	ssyncadd.s32 $0xFFFFF060  }
0x61: {  	[hbm4b:s0+s14] =	stream.strided.scatter [tilespmem:s12], [sflag:$0x3], $0xFA0, s15, s14, $0x38;
	[tilespmem:$0x1CF40] =	vst v63  }
0x62: {  	_ =	swait.ge [sflag:s13], $0xFA0  }
0x63: {  	s16 =	simm.s32 $0x3E8;
	s17 =	smov.u32 s8;
	[sflag:s13] =	ssyncset.done $0x0  }
.LBB2_10:
0x64: {  	p0 =	sne.s32 s16, $0x5DC0;
	[sflag:s13] =	ssyncadd.s32 $0xFFFFF060;
	s17 =	sadd.s32 $0xFA0, s17  }
0x65: {  	[tilespmem:s12], [sflag:$0x3] =	stream.linear.gather [spmem:s17], $0xFA0, $0x38;
	[tilespmem:$0x1CF40] =	vst v63  }
0x66: {  	s0 =	smov.u32 s16;
	s16 =	sadd.s32 $0x3E8, s16;
	_ =	swait.ge [sflag:s13], $0xFA0  }
.Ltmp4:
0x67: {  	[sflag:s13] =	ssyncset.done $0x0;
	(pc) =	sbr.rel @p0 .LBB2_10-.Ltmp4, $4  }
0x68: {  	s0 =	sadd.s32 s0, s11;
	[sflag:s13] =	ssyncadd.s32 $0xFFFFF060  }
0x69: {  	[hbm4b:s0+s14] =	stream.strided.scatter [tilespmem:s12], [sflag:$0x3], $0xFA0, s15, s14, $0x38;
	[tilespmem:$0x1CF40] =	vst v63  }
0x6a: {  	_ =	swait.ge [sflag:s13], $0xFA0  }
0x6b: {  	[sflag:s13] =	ssyncset.done $0x0  }
0x6c: {  	s3 =	sadd.s32 $0x1, s3  }
0x6d: {  	p0 =	sne.s32 s3, s7  }
.Ltmp5:
0x6e: {  	_ = 	snop;
	(pc) =	sbr.rel @p0 .LBB2_1-.Ltmp5, $2  }
0x6f: {  	_ =	sdelay $0x2  }
0x70: {  	[sflag:s13] =	ssyncadd.s32 $0xFFFFF060  }
0x71: {  	_ =	sfence.sel $0x180000  }
0x72: {  	[bflag:$0x0] =	sbarrier.arrive $0xFFFF  }
0x73: {  	_ =	strace $0x90000050  }
0x74: {  	s0 =	stileid.u32;
	[bflag:$0x2] =	sbarrier.arrive $0xFFFF  }
0x75: {  	p0 =	sne.s32 s0, $0x0;
	s0 =	rddreg [dreg:$0x2]  }
0x76: {  	s0 =	sadd.s32 @!p0 $0x100000, s0  }
0x77: {  	[sflag:s0] =	ssyncadd.tile.s32 @!p0 $0x1;
	_ =	shalt  }
.Lfunc_end2:
_tile_overlayer_lowered:
.L_overlay_start_2:
0x78: {  	(tag) =	ssettag $0x2  }
0x79: {  	s0 =	rddreg [dreg:$0x0];
	s2 =	stileid.u32  }
0x7a: {  	s1 =	rddreg [dreg:$0x1];
	p0 =	sne.s32 s2, $0x0  }
0x7b: {  	s3 =	rddreg [dreg:$0x2];
	[bflag:$0x3] =	sbarrier.arrive $0xFFFF;
	s2 =	simm.s32 @!p0 $0x1C03  }
0x7c: {  	[timem:s3], [sflag:s2] =	dma.local @!p0 [hbm:s0], s1  }
0x7d: {  	s0 =	simm.s32 @!p0 $0x3  }
0x7e: {  	_ =	swait.ge @!p0 [sflag:s0], s1  }
0x7f: {  	s1 =	ssub.s32 @!p0 $0x0, s1;
	[sflag:s0] =	ssyncset.done @!p0 $0x0  }
0x80: {  	[sflag:s0] =	ssyncadd.s32 @!p0 s1  }
0x81: {  	[bflag:$0x3] =	sbarrier.arrive $0xFFFF  }
0x82: {  	_ =	shalt  }

</sc_bundles>
